<compile_context>
chip_gen: v7x
topology: tpu7x:2x2x1
jax: 0.10.2.dev20260603
libtpu: 0.0.44.dev20260713+nightly
codegen_flags: <defaults>
</compile_context>

<pallas_src>
import functools

import jax
import jax.numpy as jnp
import numpy as np
from jax import lax
from jax.experimental import pallas as pl
from jax.experimental.pallas import tpu as pltpu
from jax.experimental.pallas import tpu_sc as plsc

N = 10000
E = 160000
D = 256
H = 256
OUT = 256
ALPHA = 0.1
THETA = 0.5
BETA1 = float(np.log(THETA / 1 + 1.0))
BETA2 = float(np.log(THETA / 2 + 1.0))

NC = 2
NS = 16
F = H // NC
EPT = E // NS
K = 80
NCH = EPT // K
NB = 3
RPT = 640
RPT_LAST = N - 15 * RPT

_sc_mesh = plsc.VectorSubcoreMesh(core_axis_name="c", subcore_axis_name="s")


@functools.partial(
    pl.kernel,
    out_type=[
        jax.ShapeDtypeStruct((N, F), jnp.float32),
        jax.ShapeDtypeStruct((N, F), jnp.float32),
    ],
    mesh=_sc_mesh,
    scratch_types=[
        pltpu.VMEM((EPT,), jnp.int32),
        pltpu.VMEM((EPT,), jnp.int32),
        pltpu.VMEM((K,), jnp.int32),
        pltpu.VMEM((K, F), jnp.float32),
        pltpu.VMEM((K, F), jnp.float32),
        pltpu.VMEM((K, F), jnp.float32),
        pltpu.VMEM_SHARED((N, F), jnp.float32),
        pltpu.SemaphoreType.DMA,
        pltpu.SemaphoreType.DMA,
        pltpu.SemaphoreType.DMA,
    ],
)
def _segsum_sc(src_hbm, dst_hbm, h_lo, h_hi, out_lo, out_hi,
               srcs, dsts, dstbuf, rows0, rows1, rows2, acc,
               sem0, sem1, sem2):
    c = lax.axis_index("c")
    s = lax.axis_index("s")
    rbase = pl.multiple_of(s * RPT, 8)

    ebase = pl.multiple_of(s * EPT, 8)
    pltpu.async_copy(src_hbm.at[pl.ds(ebase, EPT)], srcs, sem0)
    pltpu.async_copy(dst_hbm.at[pl.ds(ebase, EPT)], dsts, sem1)

    def _zero_body(i, _):
        rows0[i // (F // 16), pl.ds((i % (F // 16)) * 16, 16)] = (
            jnp.zeros((16,), jnp.float32))
        return 0
    lax.fori_loop(0, K * (F // 16), _zero_body, 0)

    @pl.when(s < 15)
    def _():
        for z in range(RPT // K):
            pltpu.sync_copy(rows0, acc.at[pl.ds(rbase + z * K, K)])

    @pl.when(s == 15)
    def _():
        for z in range(RPT_LAST // K):
            pltpu.sync_copy(rows0, acc.at[pl.ds(15 * RPT + z * K, K)])

    pltpu.make_async_copy(src_hbm.at[pl.ds(ebase, EPT)], srcs, sem0).wait()
    pltpu.make_async_copy(dst_hbm.at[pl.ds(ebase, EPT)], dsts, sem1).wait()
    plsc.subcore_barrier()

    def _start_gather(j, buf, sem):
        idx = srcs.at[pl.ds(pl.multiple_of(j * K, 8), K)]

        @pl.when(c == 0)
        def _():
            pltpu.async_copy(h_lo.at[idx], buf, sem)

        @pl.when(c == 1)
        def _():
            pltpu.async_copy(h_hi.at[idx], buf, sem)

    def _wait_gather(j, buf, sem):
        idx = srcs.at[pl.ds(pl.multiple_of(j * K, 8), K)]
        pltpu.make_async_copy(h_lo.at[idx], buf, sem).wait()

    def _stage_dst(j):
        for l in range(K // 16):
            dstbuf[pl.ds(l * 16, 16)] = dsts[pl.ds(j * K + l * 16, 16)]

    bufs = [(rows0, sem0), (rows1, sem1), (rows2, sem2)]
    for t in range(NB):
        _start_gather(t, bufs[t][0], bufs[t][1])

    def _pipe(i, _):
        for t in range(NB):
            j = i * NB + t
            _stage_dst(j)
            _wait_gather(j, bufs[t][0], bufs[t][1])

            @pl.when(j + NB < NCH)
            def _():
                _start_gather(j + NB, bufs[t][0], bufs[t][1])
            pltpu.sync_copy(bufs[t][0], acc.at[dstbuf], add=True)
        return 0

    lax.fori_loop(0, NCH // NB, _pipe, 0)
    for j in range(NB * (NCH // NB), NCH):
        t = j % NB
        _stage_dst(j)
        _wait_gather(j, bufs[t][0], bufs[t][1])
        pltpu.sync_copy(bufs[t][0], acc.at[dstbuf], add=True)
    plsc.subcore_barrier()

    @pl.when(jnp.logical_and(c == 0, s < 15))
    def _():
        pltpu.sync_copy(acc.at[pl.ds(rbase, RPT)], out_lo.at[pl.ds(rbase, RPT)])

    @pl.when(jnp.logical_and(c == 0, s == 15))
    def _():
        pltpu.sync_copy(acc.at[pl.ds(15 * RPT, RPT_LAST)],
                        out_lo.at[pl.ds(15 * RPT, RPT_LAST)])

    @pl.when(jnp.logical_and(c == 1, s < 15))
    def _():
        pltpu.sync_copy(acc.at[pl.ds(rbase, RPT)], out_hi.at[pl.ds(rbase, RPT)])

    @pl.when(jnp.logical_and(c == 1, s == 15))
    def _():
        pltpu.sync_copy(acc.at[pl.ds(15 * RPT, RPT_LAST)],
                        out_hi.at[pl.ds(15 * RPT, RPT_LAST)])


BR = 2000


def _lin0_body(x_ref, w_ref, b_ref, lo_ref, hi_ref):
    h = lax.dot_general(x_ref[...], w_ref[...], (((1,), (1,)), ((), ())),
                        preferred_element_type=jnp.float32)
    h = jnp.maximum(h + b_ref[...], 0.0)
    lo_ref[...] = h[:, :F]
    hi_ref[...] = h[:, F:]


def _lin0_call(x, w, b):
    return pl.pallas_call(
        _lin0_body,
        grid=(N // BR,),
        in_specs=[
            pl.BlockSpec((BR, D), lambda i: (i, 0)),
            pl.BlockSpec((H, D), lambda i: (0, 0)),
            pl.BlockSpec((1, H), lambda i: (0, 0)),
        ],
        out_specs=[
            pl.BlockSpec((BR, F), lambda i: (i, 0)),
            pl.BlockSpec((BR, F), lambda i: (i, 0)),
        ],
        out_shape=[
            jax.ShapeDtypeStruct((N, F), jnp.float32),
            jax.ShapeDtypeStruct((N, F), jnp.float32),
        ],
    )(x, w, b)


def _comb1_body(alo_ref, ahi_ref, xlo_ref, xhi_ref, w_ref, lo_ref, hi_ref):
    agg = jnp.concatenate([alo_ref[...], ahi_ref[...]], axis=1)
    x0 = jnp.concatenate([xlo_ref[...], xhi_ref[...]], axis=1)
    u = (1.0 - ALPHA) * agg + ALPHA * x0
    o = (1.0 - BETA1) * u + BETA1 * jnp.dot(
        u, w_ref[...], preferred_element_type=jnp.float32)
    o = jnp.maximum(o, 0.0)
    lo_ref[...] = o[:, :F]
    hi_ref[...] = o[:, F:]


def _comb1_call(alo, ahi, xlo, xhi, w):
    return pl.pallas_call(
        _comb1_body,
        grid=(N // BR,),
        in_specs=[
            pl.BlockSpec((BR, F), lambda i: (i, 0)),
            pl.BlockSpec((BR, F), lambda i: (i, 0)),
            pl.BlockSpec((BR, F), lambda i: (i, 0)),
            pl.BlockSpec((BR, F), lambda i: (i, 0)),
            pl.BlockSpec((H, H), lambda i: (0, 0)),
        ],
        out_specs=[
            pl.BlockSpec((BR, F), lambda i: (i, 0)),
            pl.BlockSpec((BR, F), lambda i: (i, 0)),
        ],
        out_shape=[
            jax.ShapeDtypeStruct((N, F), jnp.float32),
            jax.ShapeDtypeStruct((N, F), jnp.float32),
        ],
    )(alo, ahi, xlo, xhi, w)


def _comb2_body(alo_ref, ahi_ref, xlo_ref, xhi_ref, w_ref, w1_ref, b1_ref, out_ref):
    agg = jnp.concatenate([alo_ref[...], ahi_ref[...]], axis=1)
    x0 = jnp.concatenate([xlo_ref[...], xhi_ref[...]], axis=1)
    u = (1.0 - ALPHA) * agg + ALPHA * x0
    o = (1.0 - BETA2) * u + BETA2 * jnp.dot(
        u, w_ref[...], preferred_element_type=jnp.float32)
    logits = lax.dot_general(o, w1_ref[...], (((1,), (1,)), ((), ())),
                             preferred_element_type=jnp.float32)
    out_ref[...] = logits + b1_ref[...]


def _comb2_call(alo, ahi, xlo, xhi, w, w1, b1):
    return pl.pallas_call(
        _comb2_body,
        grid=(N // BR,),
        in_specs=[
            pl.BlockSpec((BR, F), lambda i: (i, 0)),
            pl.BlockSpec((BR, F), lambda i: (i, 0)),
            pl.BlockSpec((BR, F), lambda i: (i, 0)),
            pl.BlockSpec((BR, F), lambda i: (i, 0)),
            pl.BlockSpec((H, H), lambda i: (0, 0)),
            pl.BlockSpec((OUT, H), lambda i: (0, 0)),
            pl.BlockSpec((1, OUT), lambda i: (0, 0)),
        ],
        out_specs=pl.BlockSpec((BR, OUT), lambda i: (i, 0)),
        out_shape=jax.ShapeDtypeStruct((N, OUT), jnp.float32),
    )(alo, ahi, xlo, xhi, w, w1, b1)


def kernel(x, edge_index, lin0_W, lin0_b, conv_W1, conv_W2, lin1_W, lin1_b):
    src = edge_index[0]
    dst = edge_index[1]
    h_lo, h_hi = _lin0_call(x, lin0_W, lin0_b.reshape(1, H))
    a1_lo, a1_hi = _segsum_sc(src, dst, h_lo, h_hi)
    o1_lo, o1_hi = _comb1_call(a1_lo, a1_hi, h_lo, h_hi, conv_W1)
    a2_lo, a2_hi = _segsum_sc(src, dst, o1_lo, o1_hi)
    return _comb2_call(a2_lo, a2_hi, h_lo, h_hi, conv_W2, lin1_W,
                       lin1_b.reshape(1, OUT))

# --- scband reference (transcript-rebuilt; emitter-appended) ---
"""Pipeline reference for scband-gcn2-37538014167297 (READ-ONLY COPY).

The authoritative reference and input builder live on the scoring server;
editing this copy changes nothing except your own understanding.
"""

import jax, jax.numpy as jnp
import numpy as np

N = 10000
E = 160000
D = 256
H = 256
OUT = 256
ALPHA = 0.1
THETA = 0.5


def setup_inputs(seed: int = 0) -> dict:
    key = jax.random.key(seed)
    ks = jax.random.split(key, 8)
    x = jax.random.normal(ks[0], (N, D), dtype=jnp.float32)
    edge_index = jax.random.randint(ks[1], (2, E), 0, N, dtype=jnp.int32)
    s = 1.0 / np.sqrt(D)
    lin0_W = jax.random.uniform(ks[2], (H, D), minval=-s, maxval=s, dtype=jnp.float32)
    lin0_b = jnp.zeros((H,), dtype=jnp.float32)
    conv_W1 = jax.random.uniform(ks[3], (H, H), minval=-s, maxval=s, dtype=jnp.float32)
    conv_W2 = jax.random.uniform(ks[4], (H, H), minval=-s, maxval=s, dtype=jnp.float32)
    lin1_W = jax.random.uniform(ks[5], (OUT, H), minval=-s, maxval=s, dtype=jnp.float32)
    lin1_b = jnp.zeros((OUT,), dtype=jnp.float32)
    return {"x": x, "edge_index": edge_index, "lin0_W": lin0_W, "lin0_b": lin0_b,
            "conv_W1": conv_W1, "conv_W2": conv_W2, "lin1_W": lin1_W, "lin1_b": lin1_b}


def _gcn2_layer(x, x0, edge_index, W, layer):
    # GCN2Conv with normalize=False, edge_weight=None (unit weights), sum aggregation,
    # shared_weights=True: out = (1-beta)*(agg*(1-alpha)+alpha*x0) + beta*((...) @ W)
    beta = np.log(THETA / layer + 1.0).astype(np.float32)
    src = edge_index[0]
    dst = edge_index[1]
    agg = jax.ops.segment_sum(x[src], dst, num_segments=N)
    out = (1.0 - ALPHA) * agg + ALPHA * x0
    out = (1.0 - beta) * out + beta * (out @ W)
    return out


def reference(x, edge_index, lin0_W, lin0_b, conv_W1, conv_W2, lin1_W, lin1_b):
    # dropout p=0.0 is a no-op
    h = jax.nn.relu(x @ lin0_W.T + lin0_b)
    x0 = h
    h = jax.nn.relu(_gcn2_layer(h, x0, edge_index, conv_W1, 1))
    h = _gcn2_layer(h, x0, edge_index, conv_W2, 2)
    logits = h @ lin1_W.T + lin1_b
    return logits

if __name__ == "__main__":
    import jax
    _d = setup_inputs()
    print(jax.jit(kernel)(*tuple(_d.values())))

</pallas_src>

<mosaic_0001>
#map = affine_map<(d0, d1) -> (0)>
#map1 = affine_map<(d0, d1) -> (0, 0)>
module attributes {stable_mosaic.version = 14 : i64} {
  func.func @_segsum_sc(%arg0: i32, %arg1: i32, %arg2: memref<160000xi32, #tpu.memory_space<hbm>>, %arg3: memref<160000xi32, #tpu.memory_space<hbm>>, %arg4: memref<10000x128xf32, #tpu.memory_space<hbm>>, %arg5: memref<10000x128xf32, #tpu.memory_space<hbm>>, %arg6: memref<10000x128xf32, #tpu.memory_space<hbm>>, %arg7: memref<10000x128xf32, #tpu.memory_space<hbm>>, %arg8: memref<10000xi32, #tpu.memory_space<vmem>>, %arg9: memref<10000xi32, #tpu.memory_space<vmem>>, %arg10: memref<80xi32, #tpu.memory_space<vmem>>, %arg11: memref<80x128xf32, #tpu.memory_space<vmem>>, %arg12: memref<80x128xf32, #tpu.memory_space<vmem>>, %arg13: memref<80x128xf32, #tpu.memory_space<vmem>>, %arg14: memref<10000x128xf32, #tpu.memory_space<vmem_shared>>, %arg15: memref<!tpu.dma_semaphore, #tpu.memory_space<semaphore_mem>>, %arg16: memref<!tpu.dma_semaphore, #tpu.memory_space<semaphore_mem>>, %arg17: memref<!tpu.dma_semaphore, #tpu.memory_space<semaphore_mem>>) attributes {dimension_semantics = [#tpu.dimension_semantics<core_parallel>, #tpu.dimension_semantics<subcore_parallel>], iteration_bounds = array<i64: 2, 16>, scalar_prefetch = 0 : i64, scratch_operands = 10 : i64, tpu.core_type = #tpu.core_type<sc_vector_subcore>, window_params = [{transform_indices = #map}, {transform_indices = #map}, {transform_indices = #map1}, {transform_indices = #map1}, {transform_indices = #map1}, {transform_indices = #map1}]} {
    %mul3A = arith.constant 640 : i32
    %mul3A_0 = arith.muli %arg1, %mul3A : i32
    %multiple_of3A = tpu.assume_multiple %mul3A_0, 8 : i32
    %mul3A_1 = arith.constant 10000 : i32
    %mul3A_2 = arith.muli %arg1, %mul3A_1 : i32
    %multiple_of3A_3 = tpu.assume_multiple %mul3A_2, 8 : i32
    %dma_start3A = tpu.memref_slice %arg2[%multiple_of3A_3] : memref<160000xi32, #tpu.memory_space<hbm>> -> memref<10000xi32, #tpu.memory_space<hbm>>
    %dma_start3A_4 = tpu.memref_slice %arg2[%multiple_of3A_3] : memref<160000xi32, #tpu.memory_space<hbm>> -> memref<10000xi32, #tpu.memory_space<hbm>>
    tpu.enqueue_dma source(%dma_start3A_4 : memref<10000xi32, #tpu.memory_space<hbm>>) target(%arg8 : memref<10000xi32, #tpu.memory_space<vmem>>) target_semaphore(%arg15 : memref<!tpu.dma_semaphore, #tpu.memory_space<semaphore_mem>>)
    %dma_start3A_5 = tpu.memref_slice %arg3[%multiple_of3A_3] : memref<160000xi32, #tpu.memory_space<hbm>> -> memref<10000xi32, #tpu.memory_space<hbm>>
    %dma_start3A_6 = tpu.memref_slice %arg3[%multiple_of3A_3] : memref<160000xi32, #tpu.memory_space<hbm>> -> memref<10000xi32, #tpu.memory_space<hbm>>
    tpu.enqueue_dma source(%dma_start3A_6 : memref<10000xi32, #tpu.memory_space<hbm>>) target(%arg9 : memref<10000xi32, #tpu.memory_space<vmem>>) target_semaphore(%arg16 : memref<!tpu.dma_semaphore, #tpu.memory_space<semaphore_mem>>)
    %scan3A = arith.constant 0 : i32
    %scan3A_7 = arith.constant 0 : i32
    %scan3A_8 = arith.constant 640 : i32
    %scan3A_9 = arith.addi %scan3A_7, %scan3A_8 : i32
    %scan3A_10 = arith.constant 1 : i32
    %scan3A_11 = scf.for %scan3A_177 = %scan3A_7 to %scan3A_9 step %scan3A_10 iter_args(%scan3A_178 = %scan3A) -> (i32)  : i32 {
      %broadcast_in_dim3A = arith.constant 0.000000e+00 : f32
      %broadcast_in_dim3A_179 = vector.broadcast %broadcast_in_dim3A : f32 to vector<16xf32>
      %jit3A = arith.constant 8 : i32
      %div3A = arith.divsi %scan3A_177, %jit3A : i32
      %sign3A = arith.constant 0 : i32
      %sign3A_180 = arith.cmpi sgt, %scan3A_177, %sign3A : i32
      %sign3A_181 = arith.extui %sign3A_180 : i1 to i32
      %sign3A_182 = arith.constant 0 : i32
      %sign3A_183 = arith.cmpi slt, %scan3A_177, %sign3A_182 : i32
      %sign3A_184 = arith.extui %sign3A_183 : i1 to i32
      %sign3A_185 = arith.subi %sign3A_181, %sign3A_184 : i32
      %sign3A_186 = arith.constant 0 : i32
      %sign3A_187 = arith.cmpi sgt, %jit3A, %sign3A_186 : i32
      %sign3A_188 = arith.extui %sign3A_187 : i1 to i32
      %sign3A_189 = arith.constant 0 : i32
      %sign3A_190 = arith.cmpi slt, %jit3A, %sign3A_189 : i32
      %sign3A_191 = arith.extui %sign3A_190 : i1 to i32
      %sign3A_192 = arith.subi %sign3A_188, %sign3A_191 : i32
      %ne3A = arith.cmpi ne, %sign3A_185, %sign3A_192 : i32
      %rem3A = arith.remsi %scan3A_177, %jit3A : i32
      %ne3A_193 = arith.constant 0 : i32
      %ne3A_194 = arith.cmpi ne, %rem3A, %ne3A_193 : i32
      %and3A_195 = arith.andi %ne3A, %ne3A_194 : i1
      %sub3A = arith.constant 1 : i32
      %sub3A_196 = arith.subi %div3A, %sub3A : i32
      %select_n3A = arith.select %and3A_195, %sub3A_196, %div3A : i32
      %jit3A_197 = arith.constant 8 : i32
      %eq3A_198 = arith.constant 0 : i32
      %eq3A_199 = arith.cmpi eq, %jit3A_197, %eq3A_198 : i32
      %jit3A_200 = arith.constant 1 : i32
      %select_n3A_201 = arith.select %eq3A_199, %jit3A_200, %jit3A_197 : i32
      %rem3A_202 = arith.remsi %scan3A_177, %select_n3A_201 : i32
      %ne3A_203 = arith.constant 0 : i32
      %ne3A_204 = arith.cmpi ne, %rem3A_202, %ne3A_203 : i32
      %lt3A_205 = arith.constant 0 : i32
      %lt3A_206 = arith.cmpi slt, %rem3A_202, %lt3A_205 : i32
      %lt3A_207 = arith.constant 0 : i32
      %lt3A_208 = arith.cmpi slt, %select_n3A_201, %lt3A_207 : i32
      %ne3A_209 = arith.xori %lt3A_206, %lt3A_208 : i1
      %and3A_210 = arith.andi %ne3A_209, %ne3A_204 : i1
      %add3A = arith.addi %rem3A_202, %select_n3A_201 : i32
      %select_n3A_211 = arith.select %and3A_210, %add3A, %rem3A_202 : i32
      %mul3A_212 = arith.constant 16 : i32
      %mul3A_213 = arith.muli %select_n3A_211, %mul3A_212 : i32
      %swap3A_214 = arith.index_cast %select_n3A : i32 to index
      %swap3A_215 = arith.index_cast %mul3A_213 : i32 to index
      %swap3A_216 = tpu.vector_load %arg11[%swap3A_214, %swap3A_215] {strides = array<i32>} : memref<80x128xf32, #tpu.memory_space<vmem>>, vector<1x16xf32>,
      %swap3A_217 = vector.shape_cast %swap3A_216 : vector<1x16xf32> to vector<16xf32>
      %swap3A_218 = vector.shape_cast %broadcast_in_dim3A_179 : vector<16xf32> to vector<1x16xf32>
      tpu.vector_store %arg11[%swap3A_214, %swap3A_215], %swap3A_218 {strides = array<i32>} : memref<80x128xf32, #tpu.memory_space<vmem>>, vector<1x16xf32>,
      %scan3A_219 = arith.constant 0 : i32
      scf.yield %scan3A_219 : i32
    }
    %scan3A_12 = arith.constant 640 : i32
    %lt3A = arith.constant 15 : i32
    %lt3A_13 = arith.cmpi slt, %arg1, %lt3A : i32
    %convert_element_type3A = arith.extui %lt3A_13 : i1 to i32
    %cond3A = arith.constant 0 : i32
    %cond3A_14 = arith.cmpi ne, %convert_element_type3A, %cond3A : i32
    scf.if %cond3A_14 {
      %add3A = arith.constant 0 : i32
      %add3A_177 = arith.addi %multiple_of3A, %add3A : i32
      "tpu.region"() ({
        %run_scoped3A = tpu.sem_alloc : memref<!tpu.dma_semaphore, #tpu.memory_space<semaphore_mem>>
        %dma_start3A_192 = arith.constant 0 : i32
        %dma_start3A_193 = tpu.memref_slice %arg14[%add3A_177, %dma_start3A_192] : memref<10000x128xf32, #tpu.memory_space<vmem_shared>> -> memref<80x128xf32, #tpu.memory_space<vmem_shared>>
        %dma_start3A_194 = arith.constant 0 : i32
        %dma_start3A_195 = tpu.memref_slice %arg14[%add3A_177, %dma_start3A_194] : memref<10000x128xf32, #tpu.memory_space<vmem_shared>> -> memref<80x128xf32, #tpu.memory_space<vmem_shared>>
        tpu.enqueue_dma source(%arg11 : memref<80x128xf32, #tpu.memory_space<vmem>>) target(%dma_start3A_195 : memref<80x128xf32, #tpu.memory_space<vmem_shared>>) target_semaphore(%run_scoped3A : memref<!tpu.dma_semaphore, #tpu.memory_space<semaphore_mem>>)
        %dma_wait3A_196 = arith.constant 0 : i32
        %dma_wait3A_197 = tpu.memref_slice %arg14[%add3A_177, %dma_wait3A_196] : memref<10000x128xf32, #tpu.memory_space<vmem_shared>> -> memref<80x128xf32, #tpu.memory_space<vmem_shared>>
        %dma_wait3A_198 = arith.constant 0 : i32
        %dma_wait3A_199 = tpu.memref_slice %arg14[%add3A_177, %dma_wait3A_198] : memref<10000x128xf32, #tpu.memory_space<vmem_shared>> -> memref<80x128xf32, #tpu.memory_space<vmem_shared>>
        tpu.wait_dma2 semaphore(%run_scoped3A : memref<!tpu.dma_semaphore, #tpu.memory_space<semaphore_mem>>) src(%arg11 : memref<80x128xf32, #tpu.memory_space<vmem>>) dst(%dma_wait3A_199 : memref<80x128xf32, #tpu.memory_space<vmem_shared>>)
        tpu.yield
      }) : () -> ()
      %add3A_178 = arith.constant 80 : i32
      %add3A_179 = arith.addi %multiple_of3A, %add3A_178 : i32
      "tpu.region"() ({
        %run_scoped3A = tpu.sem_alloc : memref<!tpu.dma_semaphore, #tpu.memory_space<semaphore_mem>>
        %dma_start3A_192 = arith.constant 0 : i32
        %dma_start3A_193 = tpu.memref_slice %arg14[%add3A_179, %dma_start3A_192] : memref<10000x128xf32, #tpu.memory_space<vmem_shared>> -> memref<80x128xf32, #tpu.memory_space<vmem_shared>>
        %dma_start3A_194 = arith.constant 0 : i32
        %dma_start3A_195 = tpu.memref_slice %arg14[%add3A_179, %dma_start3A_194] : memref<10000x128xf32, #tpu.memory_space<vmem_shared>> -> memref<80x128xf32, #tpu.memory_space<vmem_shared>>
        tpu.enqueue_dma source(%arg11 : memref<80x128xf32, #tpu.memory_space<vmem>>) target(%dma_start3A_195 : memref<80x128xf32, #tpu.memory_space<vmem_shared>>) target_semaphore(%run_scoped3A : memref<!tpu.dma_semaphore, #tpu.memory_space<semaphore_mem>>)
        %dma_wait3A_196 = arith.constant 0 : i32
        %dma_wait3A_197 = tpu.memref_slice %arg14[%add3A_179, %dma_wait3A_196] : memref<10000x128xf32, #tpu.memory_space<vmem_shared>> -> memref<80x128xf32, #tpu.memory_space<vmem_shared>>
        %dma_wait3A_198 = arith.constant 0 : i32
        %dma_wait3A_199 = tpu.memref_slice %arg14[%add3A_179, %dma_wait3A_198] : memref<10000x128xf32, #tpu.memory_space<vmem_shared>> -> memref<80x128xf32, #tpu.memory_space<vmem_shared>>
        tpu.wait_dma2 semaphore(%run_scoped3A : memref<!tpu.dma_semaphore, #tpu.memory_space<semaphore_mem>>) src(%arg11 : memref<80x128xf32, #tpu.memory_space<vmem>>) dst(%dma_wait3A_199 : memref<80x128xf32, #tpu.memory_space<vmem_shared>>)
        tpu.yield
      }) : () -> ()
      %add3A_180 = arith.constant 160 : i32
      %add3A_181 = arith.addi %multiple_of3A, %add3A_180 : i32
      "tpu.region"() ({
        %run_scoped3A = tpu.sem_alloc : memref<!tpu.dma_semaphore, #tpu.memory_space<semaphore_mem>>
        %dma_start3A_192 = arith.constant 0 : i32
        %dma_start3A_193 = tpu.memref_slice %arg14[%add3A_181, %dma_start3A_192] : memref<10000x128xf32, #tpu.memory_space<vmem_shared>> -> memref<80x128xf32, #tpu.memory_space<vmem_shared>>
        %dma_start3A_194 = arith.constant 0 : i32
        %dma_start3A_195 = tpu.memref_slice %arg14[%add3A_181, %dma_start3A_194] : memref<10000x128xf32, #tpu.memory_space<vmem_shared>> -> memref<80x128xf32, #tpu.memory_space<vmem_shared>>
        tpu.enqueue_dma source(%arg11 : memref<80x128xf32, #tpu.memory_space<vmem>>) target(%dma_start3A_195 : memref<80x128xf32, #tpu.memory_space<vmem_shared>>) target_semaphore(%run_scoped3A : memref<!tpu.dma_semaphore, #tpu.memory_space<semaphore_mem>>)
        %dma_wait3A_196 = arith.constant 0 : i32
        %dma_wait3A_197 = tpu.memref_slice %arg14[%add3A_181, %dma_wait3A_196] : memref<10000x128xf32, #tpu.memory_space<vmem_shared>> -> memref<80x128xf32, #tpu.memory_space<vmem_shared>>
        %dma_wait3A_198 = arith.constant 0 : i32
        %dma_wait3A_199 = tpu.memref_slice %arg14[%add3A_181, %dma_wait3A_198] : memref<10000x128xf32, #tpu.memory_space<vmem_shared>> -> memref<80x128xf32, #tpu.memory_space<vmem_shared>>
        tpu.wait_dma2 semaphore(%run_scoped3A : memref<!tpu.dma_semaphore, #tpu.memory_space<semaphore_mem>>) src(%arg11 : memref<80x128xf32, #tpu.memory_space<vmem>>) dst(%dma_wait3A_199 : memref<80x128xf32, #tpu.memory_space<vmem_shared>>)
        tpu.yield
      }) : () -> ()
      %add3A_182 = arith.constant 240 : i32
      %add3A_183 = arith.addi %multiple_of3A, %add3A_182 : i32
      "tpu.region"() ({
        %run_scoped3A = tpu.sem_alloc : memref<!tpu.dma_semaphore, #tpu.memory_space<semaphore_mem>>
        %dma_start3A_192 = arith.constant 0 : i32
        %dma_start3A_193 = tpu.memref_slice %arg14[%add3A_183, %dma_start3A_192] : memref<10000x128xf32, #tpu.memory_space<vmem_shared>> -> memref<80x128xf32, #tpu.memory_space<vmem_shared>>
        %dma_start3A_194 = arith.constant 0 : i32
        %dma_start3A_195 = tpu.memref_slice %arg14[%add3A_183, %dma_start3A_194] : memref<10000x128xf32, #tpu.memory_space<vmem_shared>> -> memref<80x128xf32, #tpu.memory_space<vmem_shared>>
        tpu.enqueue_dma source(%arg11 : memref<80x128xf32, #tpu.memory_space<vmem>>) target(%dma_start3A_195 : memref<80x128xf32, #tpu.memory_space<vmem_shared>>) target_semaphore(%run_scoped3A : memref<!tpu.dma_semaphore, #tpu.memory_space<semaphore_mem>>)
        %dma_wait3A_196 = arith.constant 0 : i32
        %dma_wait3A_197 = tpu.memref_slice %arg14[%add3A_183, %dma_wait3A_196] : memref<10000x128xf32, #tpu.memory_space<vmem_shared>> -> memref<80x128xf32, #tpu.memory_space<vmem_shared>>
        %dma_wait3A_198 = arith.constant 0 : i32
        %dma_wait3A_199 = tpu.memref_slice %arg14[%add3A_183, %dma_wait3A_198] : memref<10000x128xf32, #tpu.memory_space<vmem_shared>> -> memref<80x128xf32, #tpu.memory_space<vmem_shared>>
        tpu.wait_dma2 semaphore(%run_scoped3A : memref<!tpu.dma_semaphore, #tpu.memory_space<semaphore_mem>>) src(%arg11 : memref<80x128xf32, #tpu.memory_space<vmem>>) dst(%dma_wait3A_199 : memref<80x128xf32, #tpu.memory_space<vmem_shared>>)
        tpu.yield
      }) : () -> ()
      %add3A_184 = arith.constant 320 : i32
      %add3A_185 = arith.addi %multiple_of3A, %add3A_184 : i32
      "tpu.region"() ({
        %run_scoped3A = tpu.sem_alloc : memref<!tpu.dma_semaphore, #tpu.memory_space<semaphore_mem>>
        %dma_start3A_192 = arith.constant 0 : i32
        %dma_start3A_193 = tpu.memref_slice %arg14[%add3A_185, %dma_start3A_192] : memref<10000x128xf32, #tpu.memory_space<vmem_shared>> -> memref<80x128xf32, #tpu.memory_space<vmem_shared>>
        %dma_start3A_194 = arith.constant 0 : i32
        %dma_start3A_195 = tpu.memref_slice %arg14[%add3A_185, %dma_start3A_194] : memref<10000x128xf32, #tpu.memory_space<vmem_shared>> -> memref<80x128xf32, #tpu.memory_space<vmem_shared>>
        tpu.enqueue_dma source(%arg11 : memref<80x128xf32, #tpu.memory_space<vmem>>) target(%dma_start3A_195 : memref<80x128xf32, #tpu.memory_space<vmem_shared>>) target_semaphore(%run_scoped3A : memref<!tpu.dma_semaphore, #tpu.memory_space<semaphore_mem>>)
        %dma_wait3A_196 = arith.constant 0 : i32
        %dma_wait3A_197 = tpu.memref_slice %arg14[%add3A_185, %dma_wait3A_196] : memref<10000x128xf32, #tpu.memory_space<vmem_shared>> -> memref<80x128xf32, #tpu.memory_space<vmem_shared>>
        %dma_wait3A_198 = arith.constant 0 : i32
        %dma_wait3A_199 = tpu.memref_slice %arg14[%add3A_185, %dma_wait3A_198] : memref<10000x128xf32, #tpu.memory_space<vmem_shared>> -> memref<80x128xf32, #tpu.memory_space<vmem_shared>>
        tpu.wait_dma2 semaphore(%run_scoped3A : memref<!tpu.dma_semaphore, #tpu.memory_space<semaphore_mem>>) src(%arg11 : memref<80x128xf32, #tpu.memory_space<vmem>>) dst(%dma_wait3A_199 : memref<80x128xf32, #tpu.memory_space<vmem_shared>>)
        tpu.yield
      }) : () -> ()
      %add3A_186 = arith.constant 400 : i32
      %add3A_187 = arith.addi %multiple_of3A, %add3A_186 : i32
      "tpu.region"() ({
        %run_scoped3A = tpu.sem_alloc : memref<!tpu.dma_semaphore, #tpu.memory_space<semaphore_mem>>
        %dma_start3A_192 = arith.constant 0 : i32
        %dma_start3A_193 = tpu.memref_slice %arg14[%add3A_187, %dma_start3A_192] : memref<10000x128xf32, #tpu.memory_space<vmem_shared>> -> memref<80x128xf32, #tpu.memory_space<vmem_shared>>
        %dma_start3A_194 = arith.constant 0 : i32
        %dma_start3A_195 = tpu.memref_slice %arg14[%add3A_187, %dma_start3A_194] : memref<10000x128xf32, #tpu.memory_space<vmem_shared>> -> memref<80x128xf32, #tpu.memory_space<vmem_shared>>
        tpu.enqueue_dma source(%arg11 : memref<80x128xf32, #tpu.memory_space<vmem>>) target(%dma_start3A_195 : memref<80x128xf32, #tpu.memory_space<vmem_shared>>) target_semaphore(%run_scoped3A : memref<!tpu.dma_semaphore, #tpu.memory_space<semaphore_mem>>)
        %dma_wait3A_196 = arith.constant 0 : i32
        %dma_wait3A_197 = tpu.memref_slice %arg14[%add3A_187, %dma_wait3A_196] : memref<10000x128xf32, #tpu.memory_space<vmem_shared>> -> memref<80x128xf32, #tpu.memory_space<vmem_shared>>
        %dma_wait3A_198 = arith.constant 0 : i32
        %dma_wait3A_199 = tpu.memref_slice %arg14[%add3A_187, %dma_wait3A_198] : memref<10000x128xf32, #tpu.memory_space<vmem_shared>> -> memref<80x128xf32, #tpu.memory_space<vmem_shared>>
        tpu.wait_dma2 semaphore(%run_scoped3A : memref<!tpu.dma_semaphore, #tpu.memory_space<semaphore_mem>>) src(%arg11 : memref<80x128xf32, #tpu.memory_space<vmem>>) dst(%dma_wait3A_199 : memref<80x128xf32, #tpu.memory_space<vmem_shared>>)
        tpu.yield
      }) : () -> ()
      %add3A_188 = arith.constant 480 : i32
      %add3A_189 = arith.addi %multiple_of3A, %add3A_188 : i32
      "tpu.region"() ({
        %run_scoped3A = tpu.sem_alloc : memref<!tpu.dma_semaphore, #tpu.memory_space<semaphore_mem>>
        %dma_start3A_192 = arith.constant 0 : i32
        %dma_start3A_193 = tpu.memref_slice %arg14[%add3A_189, %dma_start3A_192] : memref<10000x128xf32, #tpu.memory_space<vmem_shared>> -> memref<80x128xf32, #tpu.memory_space<vmem_shared>>
        %dma_start3A_194 = arith.constant 0 : i32
        %dma_start3A_195 = tpu.memref_slice %arg14[%add3A_189, %dma_start3A_194] : memref<10000x128xf32, #tpu.memory_space<vmem_shared>> -> memref<80x128xf32, #tpu.memory_space<vmem_shared>>
        tpu.enqueue_dma source(%arg11 : memref<80x128xf32, #tpu.memory_space<vmem>>) target(%dma_start3A_195 : memref<80x128xf32, #tpu.memory_space<vmem_shared>>) target_semaphore(%run_scoped3A : memref<!tpu.dma_semaphore, #tpu.memory_space<semaphore_mem>>)
        %dma_wait3A_196 = arith.constant 0 : i32
        %dma_wait3A_197 = tpu.memref_slice %arg14[%add3A_189, %dma_wait3A_196] : memref<10000x128xf32, #tpu.memory_space<vmem_shared>> -> memref<80x128xf32, #tpu.memory_space<vmem_shared>>
        %dma_wait3A_198 = arith.constant 0 : i32
        %dma_wait3A_199 = tpu.memref_slice %arg14[%add3A_189, %dma_wait3A_198] : memref<10000x128xf32, #tpu.memory_space<vmem_shared>> -> memref<80x128xf32, #tpu.memory_space<vmem_shared>>
        tpu.wait_dma2 semaphore(%run_scoped3A : memref<!tpu.dma_semaphore, #tpu.memory_space<semaphore_mem>>) src(%arg11 : memref<80x128xf32, #tpu.memory_space<vmem>>) dst(%dma_wait3A_199 : memref<80x128xf32, #tpu.memory_space<vmem_shared>>)
        tpu.yield
      }) : () -> ()
      %add3A_190 = arith.constant 560 : i32
      %add3A_191 = arith.addi %multiple_of3A, %add3A_190 : i32
      "tpu.region"() ({
        %run_scoped3A = tpu.sem_alloc : memref<!tpu.dma_semaphore, #tpu.memory_space<semaphore_mem>>
        %dma_start3A_192 = arith.constant 0 : i32
        %dma_start3A_193 = tpu.memref_slice %arg14[%add3A_191, %dma_start3A_192] : memref<10000x128xf32, #tpu.memory_space<vmem_shared>> -> memref<80x128xf32, #tpu.memory_space<vmem_shared>>
        %dma_start3A_194 = arith.constant 0 : i32
        %dma_start3A_195 = tpu.memref_slice %arg14[%add3A_191, %dma_start3A_194] : memref<10000x128xf32, #tpu.memory_space<vmem_shared>> -> memref<80x128xf32, #tpu.memory_space<vmem_shared>>
        tpu.enqueue_dma source(%arg11 : memref<80x128xf32, #tpu.memory_space<vmem>>) target(%dma_start3A_195 : memref<80x128xf32, #tpu.memory_space<vmem_shared>>) target_semaphore(%run_scoped3A : memref<!tpu.dma_semaphore, #tpu.memory_space<semaphore_mem>>)
        %dma_wait3A_196 = arith.constant 0 : i32
        %dma_wait3A_197 = tpu.memref_slice %arg14[%add3A_191, %dma_wait3A_196] : memref<10000x128xf32, #tpu.memory_space<vmem_shared>> -> memref<80x128xf32, #tpu.memory_space<vmem_shared>>
        %dma_wait3A_198 = arith.constant 0 : i32
        %dma_wait3A_199 = tpu.memref_slice %arg14[%add3A_191, %dma_wait3A_198] : memref<10000x128xf32, #tpu.memory_space<vmem_shared>> -> memref<80x128xf32, #tpu.memory_space<vmem_shared>>
        tpu.wait_dma2 semaphore(%run_scoped3A : memref<!tpu.dma_semaphore, #tpu.memory_space<semaphore_mem>>) src(%arg11 : memref<80x128xf32, #tpu.memory_space<vmem>>) dst(%dma_wait3A_199 : memref<80x128xf32, #tpu.memory_space<vmem_shared>>)
        tpu.yield
      }) : () -> ()
    } else {
    }
    %eq3A = arith.constant 15 : i32
    %eq3A_15 = arith.cmpi eq, %arg1, %eq3A : i32
    %convert_element_type3A_16 = arith.extui %eq3A_15 : i1 to i32
    %cond3A_17 = arith.constant 0 : i32
    %cond3A_18 = arith.cmpi ne, %convert_element_type3A_16, %cond3A_17 : i32
    scf.if %cond3A_18 {
      "tpu.region"() ({
        %run_scoped3A = tpu.sem_alloc : memref<!tpu.dma_semaphore, #tpu.memory_space<semaphore_mem>>
        %dma_start3A_177 = arith.constant 9600 : i32
        %dma_start3A_178 = arith.constant 0 : i32
        %dma_start3A_179 = tpu.memref_slice %arg14[%dma_start3A_177, %dma_start3A_178] : memref<10000x128xf32, #tpu.memory_space<vmem_shared>> -> memref<80x128xf32, #tpu.memory_space<vmem_shared>>
        %dma_start3A_180 = arith.constant 9600 : i32
        %dma_start3A_181 = arith.constant 0 : i32
        %dma_start3A_182 = tpu.memref_slice %arg14[%dma_start3A_180, %dma_start3A_181] : memref<10000x128xf32, #tpu.memory_space<vmem_shared>> -> memref<80x128xf32, #tpu.memory_space<vmem_shared>>
        tpu.enqueue_dma source(%arg11 : memref<80x128xf32, #tpu.memory_space<vmem>>) target(%dma_start3A_182 : memref<80x128xf32, #tpu.memory_space<vmem_shared>>) target_semaphore(%run_scoped3A : memref<!tpu.dma_semaphore, #tpu.memory_space<semaphore_mem>>)
        %dma_wait3A_183 = arith.constant 9600 : i32
        %dma_wait3A_184 = arith.constant 0 : i32
        %dma_wait3A_185 = tpu.memref_slice %arg14[%dma_wait3A_183, %dma_wait3A_184] : memref<10000x128xf32, #tpu.memory_space<vmem_shared>> -> memref<80x128xf32, #tpu.memory_space<vmem_shared>>
        %dma_wait3A_186 = arith.constant 9600 : i32
        %dma_wait3A_187 = arith.constant 0 : i32
        %dma_wait3A_188 = tpu.memref_slice %arg14[%dma_wait3A_186, %dma_wait3A_187] : memref<10000x128xf32, #tpu.memory_space<vmem_shared>> -> memref<80x128xf32, #tpu.memory_space<vmem_shared>>
        tpu.wait_dma2 semaphore(%run_scoped3A : memref<!tpu.dma_semaphore, #tpu.memory_space<semaphore_mem>>) src(%arg11 : memref<80x128xf32, #tpu.memory_space<vmem>>) dst(%dma_wait3A_188 : memref<80x128xf32, #tpu.memory_space<vmem_shared>>)
        tpu.yield
      }) : () -> ()
      "tpu.region"() ({
        %run_scoped3A = tpu.sem_alloc : memref<!tpu.dma_semaphore, #tpu.memory_space<semaphore_mem>>
        %dma_start3A_177 = arith.constant 9680 : i32
        %dma_start3A_178 = arith.constant 0 : i32
        %dma_start3A_179 = tpu.memref_slice %arg14[%dma_start3A_177, %dma_start3A_178] : memref<10000x128xf32, #tpu.memory_space<vmem_shared>> -> memref<80x128xf32, #tpu.memory_space<vmem_shared>>
        %dma_start3A_180 = arith.constant 9680 : i32
        %dma_start3A_181 = arith.constant 0 : i32
        %dma_start3A_182 = tpu.memref_slice %arg14[%dma_start3A_180, %dma_start3A_181] : memref<10000x128xf32, #tpu.memory_space<vmem_shared>> -> memref<80x128xf32, #tpu.memory_space<vmem_shared>>
        tpu.enqueue_dma source(%arg11 : memref<80x128xf32, #tpu.memory_space<vmem>>) target(%dma_start3A_182 : memref<80x128xf32, #tpu.memory_space<vmem_shared>>) target_semaphore(%run_scoped3A : memref<!tpu.dma_semaphore, #tpu.memory_space<semaphore_mem>>)
        %dma_wait3A_183 = arith.constant 9680 : i32
        %dma_wait3A_184 = arith.constant 0 : i32
        %dma_wait3A_185 = tpu.memref_slice %arg14[%dma_wait3A_183, %dma_wait3A_184] : memref<10000x128xf32, #tpu.memory_space<vmem_shared>> -> memref<80x128xf32, #tpu.memory_space<vmem_shared>>
        %dma_wait3A_186 = arith.constant 9680 : i32
        %dma_wait3A_187 = arith.constant 0 : i32
        %dma_wait3A_188 = tpu.memref_slice %arg14[%dma_wait3A_186, %dma_wait3A_187] : memref<10000x128xf32, #tpu.memory_space<vmem_shared>> -> memref<80x128xf32, #tpu.memory_space<vmem_shared>>
        tpu.wait_dma2 semaphore(%run_scoped3A : memref<!tpu.dma_semaphore, #tpu.memory_space<semaphore_mem>>) src(%arg11 : memref<80x128xf32, #tpu.memory_space<vmem>>) dst(%dma_wait3A_188 : memref<80x128xf32, #tpu.memory_space<vmem_shared>>)
        tpu.yield
      }) : () -> ()
      "tpu.region"() ({
        %run_scoped3A = tpu.sem_alloc : memref<!tpu.dma_semaphore, #tpu.memory_space<semaphore_mem>>
        %dma_start3A_177 = arith.constant 9760 : i32
        %dma_start3A_178 = arith.constant 0 : i32
        %dma_start3A_179 = tpu.memref_slice %arg14[%dma_start3A_177, %dma_start3A_178] : memref<10000x128xf32, #tpu.memory_space<vmem_shared>> -> memref<80x128xf32, #tpu.memory_space<vmem_shared>>
        %dma_start3A_180 = arith.constant 9760 : i32
        %dma_start3A_181 = arith.constant 0 : i32
        %dma_start3A_182 = tpu.memref_slice %arg14[%dma_start3A_180, %dma_start3A_181] : memref<10000x128xf32, #tpu.memory_space<vmem_shared>> -> memref<80x128xf32, #tpu.memory_space<vmem_shared>>
        tpu.enqueue_dma source(%arg11 : memref<80x128xf32, #tpu.memory_space<vmem>>) target(%dma_start3A_182 : memref<80x128xf32, #tpu.memory_space<vmem_shared>>) target_semaphore(%run_scoped3A : memref<!tpu.dma_semaphore, #tpu.memory_space<semaphore_mem>>)
        %dma_wait3A_183 = arith.constant 9760 : i32
        %dma_wait3A_184 = arith.constant 0 : i32
        %dma_wait3A_185 = tpu.memref_slice %arg14[%dma_wait3A_183, %dma_wait3A_184] : memref<10000x128xf32, #tpu.memory_space<vmem_shared>> -> memref<80x128xf32, #tpu.memory_space<vmem_shared>>
        %dma_wait3A_186 = arith.constant 9760 : i32
        %dma_wait3A_187 = arith.constant 0 : i32
        %dma_wait3A_188 = tpu.memref_slice %arg14[%dma_wait3A_186, %dma_wait3A_187] : memref<10000x128xf32, #tpu.memory_space<vmem_shared>> -> memref<80x128xf32, #tpu.memory_space<vmem_shared>>
        tpu.wait_dma2 semaphore(%run_scoped3A : memref<!tpu.dma_semaphore, #tpu.memory_space<semaphore_mem>>) src(%arg11 : memref<80x128xf32, #tpu.memory_space<vmem>>) dst(%dma_wait3A_188 : memref<80x128xf32, #tpu.memory_space<vmem_shared>>)
        tpu.yield
      }) : () -> ()
      "tpu.region"() ({
        %run_scoped3A = tpu.sem_alloc : memref<!tpu.dma_semaphore, #tpu.memory_space<semaphore_mem>>
        %dma_start3A_177 = arith.constant 9840 : i32
        %dma_start3A_178 = arith.constant 0 : i32
        %dma_start3A_179 = tpu.memref_slice %arg14[%dma_start3A_177, %dma_start3A_178] : memref<10000x128xf32, #tpu.memory_space<vmem_shared>> -> memref<80x128xf32, #tpu.memory_space<vmem_shared>>
        %dma_start3A_180 = arith.constant 9840 : i32
        %dma_start3A_181 = arith.constant 0 : i32
        %dma_start3A_182 = tpu.memref_slice %arg14[%dma_start3A_180, %dma_start3A_181] : memref<10000x128xf32, #tpu.memory_space<vmem_shared>> -> memref<80x128xf32, #tpu.memory_space<vmem_shared>>
        tpu.enqueue_dma source(%arg11 : memref<80x128xf32, #tpu.memory_space<vmem>>) target(%dma_start3A_182 : memref<80x128xf32, #tpu.memory_space<vmem_shared>>) target_semaphore(%run_scoped3A : memref<!tpu.dma_semaphore, #tpu.memory_space<semaphore_mem>>)
        %dma_wait3A_183 = arith.constant 9840 : i32
        %dma_wait3A_184 = arith.constant 0 : i32
        %dma_wait3A_185 = tpu.memref_slice %arg14[%dma_wait3A_183, %dma_wait3A_184] : memref<10000x128xf32, #tpu.memory_space<vmem_shared>> -> memref<80x128xf32, #tpu.memory_space<vmem_shared>>
        %dma_wait3A_186 = arith.constant 9840 : i32
        %dma_wait3A_187 = arith.constant 0 : i32
        %dma_wait3A_188 = tpu.memref_slice %arg14[%dma_wait3A_186, %dma_wait3A_187] : memref<10000x128xf32, #tpu.memory_space<vmem_shared>> -> memref<80x128xf32, #tpu.memory_space<vmem_shared>>
        tpu.wait_dma2 semaphore(%run_scoped3A : memref<!tpu.dma_semaphore, #tpu.memory_space<semaphore_mem>>) src(%arg11 : memref<80x128xf32, #tpu.memory_space<vmem>>) dst(%dma_wait3A_188 : memref<80x128xf32, #tpu.memory_space<vmem_shared>>)
        tpu.yield
      }) : () -> ()
      "tpu.region"() ({
        %run_scoped3A = tpu.sem_alloc : memref<!tpu.dma_semaphore, #tpu.memory_space<semaphore_mem>>
        %dma_start3A_177 = arith.constant 9920 : i32
        %dma_start3A_178 = arith.constant 0 : i32
        %dma_start3A_179 = tpu.memref_slice %arg14[%dma_start3A_177, %dma_start3A_178] : memref<10000x128xf32, #tpu.memory_space<vmem_shared>> -> memref<80x128xf32, #tpu.memory_space<vmem_shared>>
        %dma_start3A_180 = arith.constant 9920 : i32
        %dma_start3A_181 = arith.constant 0 : i32
        %dma_start3A_182 = tpu.memref_slice %arg14[%dma_start3A_180, %dma_start3A_181] : memref<10000x128xf32, #tpu.memory_space<vmem_shared>> -> memref<80x128xf32, #tpu.memory_space<vmem_shared>>
        tpu.enqueue_dma source(%arg11 : memref<80x128xf32, #tpu.memory_space<vmem>>) target(%dma_start3A_182 : memref<80x128xf32, #tpu.memory_space<vmem_shared>>) target_semaphore(%run_scoped3A : memref<!tpu.dma_semaphore, #tpu.memory_space<semaphore_mem>>)
        %dma_wait3A_183 = arith.constant 9920 : i32
        %dma_wait3A_184 = arith.constant 0 : i32
        %dma_wait3A_185 = tpu.memref_slice %arg14[%dma_wait3A_183, %dma_wait3A_184] : memref<10000x128xf32, #tpu.memory_space<vmem_shared>> -> memref<80x128xf32, #tpu.memory_space<vmem_shared>>
        %dma_wait3A_186 = arith.constant 9920 : i32
        %dma_wait3A_187 = arith.constant 0 : i32
        %dma_wait3A_188 = tpu.memref_slice %arg14[%dma_wait3A_186, %dma_wait3A_187] : memref<10000x128xf32, #tpu.memory_space<vmem_shared>> -> memref<80x128xf32, #tpu.memory_space<vmem_shared>>
        tpu.wait_dma2 semaphore(%run_scoped3A : memref<!tpu.dma_semaphore, #tpu.memory_space<semaphore_mem>>) src(%arg11 : memref<80x128xf32, #tpu.memory_space<vmem>>) dst(%dma_wait3A_188 : memref<80x128xf32, #tpu.memory_space<vmem_shared>>)
        tpu.yield
      }) : () -> ()
    } else {
    }
    %dma_wait3A = tpu.memref_slice %arg2[%multiple_of3A_3] : memref<160000xi32, #tpu.memory_space<hbm>> -> memref<10000xi32, #tpu.memory_space<hbm>>
    %dma_wait3A_19 = tpu.memref_slice %arg2[%multiple_of3A_3] : memref<160000xi32, #tpu.memory_space<hbm>> -> memref<10000xi32, #tpu.memory_space<hbm>>
    tpu.wait_dma2 semaphore(%arg15 : memref<!tpu.dma_semaphore, #tpu.memory_space<semaphore_mem>>) src(%dma_wait3A_19 : memref<10000xi32, #tpu.memory_space<hbm>>) dst(%arg8 : memref<10000xi32, #tpu.memory_space<vmem>>)
    %dma_wait3A_20 = tpu.memref_slice %arg3[%multiple_of3A_3] : memref<160000xi32, #tpu.memory_space<hbm>> -> memref<10000xi32, #tpu.memory_space<hbm>>
    %dma_wait3A_21 = tpu.memref_slice %arg3[%multiple_of3A_3] : memref<160000xi32, #tpu.memory_space<hbm>> -> memref<10000xi32, #tpu.memory_space<hbm>>
    tpu.wait_dma2 semaphore(%arg16 : memref<!tpu.dma_semaphore, #tpu.memory_space<semaphore_mem>>) src(%dma_wait3A_21 : memref<10000xi32, #tpu.memory_space<hbm>>) dst(%arg9 : memref<10000xi32, #tpu.memory_space<vmem>>)
    %barrier3A = arith.constant 0 : index
    tpu.barrier barrier_id(%barrier3A)
    %multiple_of3A_22 = arith.constant 0 : i32
    %multiple_of3A_23 = tpu.assume_multiple %multiple_of3A_22, 8 : i32
    %eq3A_24 = arith.constant 0 : i32
    %eq3A_25 = arith.cmpi eq, %arg0, %eq3A_24 : i32
    %convert_element_type3A_26 = arith.extui %eq3A_25 : i1 to i32
    %cond3A_27 = arith.constant 0 : i32
    %cond3A_28 = arith.cmpi ne, %convert_element_type3A_26, %cond3A_27 : i32
    scf.if %cond3A_28 {
      %dma_start3A_177 = tpu.memref_slice %arg8[%multiple_of3A_23] : memref<10000xi32, #tpu.memory_space<vmem>> -> memref<80xi32, #tpu.memory_space<vmem>>
      %dma_start3A_178 = arith.constant 0 : i32
      %dma_start3A_179 = arith.constant 0 : i32
      %dma_start3A_180 = tpu.memref_slice %arg4[%dma_start3A_178, %dma_start3A_179] : memref<10000x128xf32, #tpu.memory_space<hbm>> -> memref<10000x128xf32, #tpu.memory_space<hbm>>
      tpu.enqueue_indirect_dma source(%dma_start3A_180 : memref<10000x128xf32, #tpu.memory_space<hbm>>) target(%arg11 : memref<80x128xf32, #tpu.memory_space<vmem>>) offsets(%dma_start3A_177 : memref<80xi32, #tpu.memory_space<vmem>>) semaphore(%arg15 : memref<!tpu.dma_semaphore, #tpu.memory_space<semaphore_mem>>)
    } else {
    }
    %eq3A_29 = arith.constant 1 : i32
    %eq3A_30 = arith.cmpi eq, %arg0, %eq3A_29 : i32
    %convert_element_type3A_31 = arith.extui %eq3A_30 : i1 to i32
    %cond3A_32 = arith.constant 0 : i32
    %cond3A_33 = arith.cmpi ne, %convert_element_type3A_31, %cond3A_32 : i32
    scf.if %cond3A_33 {
      %dma_start3A_177 = tpu.memref_slice %arg8[%multiple_of3A_23] : memref<10000xi32, #tpu.memory_space<vmem>> -> memref<80xi32, #tpu.memory_space<vmem>>
      %dma_start3A_178 = arith.constant 0 : i32
      %dma_start3A_179 = arith.constant 0 : i32
      %dma_start3A_180 = tpu.memref_slice %arg5[%dma_start3A_178, %dma_start3A_179] : memref<10000x128xf32, #tpu.memory_space<hbm>> -> memref<10000x128xf32, #tpu.memory_space<hbm>>
      tpu.enqueue_indirect_dma source(%dma_start3A_180 : memref<10000x128xf32, #tpu.memory_space<hbm>>) target(%arg11 : memref<80x128xf32, #tpu.memory_space<vmem>>) offsets(%dma_start3A_177 : memref<80xi32, #tpu.memory_space<vmem>>) semaphore(%arg15 : memref<!tpu.dma_semaphore, #tpu.memory_space<semaphore_mem>>)
    } else {
    }
    %multiple_of3A_34 = arith.constant 80 : i32
    %multiple_of3A_35 = tpu.assume_multiple %multiple_of3A_34, 8 : i32
    %eq3A_36 = arith.constant 0 : i32
    %eq3A_37 = arith.cmpi eq, %arg0, %eq3A_36 : i32
    %convert_element_type3A_38 = arith.extui %eq3A_37 : i1 to i32
    %cond3A_39 = arith.constant 0 : i32
    %cond3A_40 = arith.cmpi ne, %convert_element_type3A_38, %cond3A_39 : i32
    scf.if %cond3A_40 {
      %dma_start3A_177 = tpu.memref_slice %arg8[%multiple_of3A_35] : memref<10000xi32, #tpu.memory_space<vmem>> -> memref<80xi32, #tpu.memory_space<vmem>>
      %dma_start3A_178 = arith.constant 0 : i32
      %dma_start3A_179 = arith.constant 0 : i32
      %dma_start3A_180 = tpu.memref_slice %arg4[%dma_start3A_178, %dma_start3A_179] : memref<10000x128xf32, #tpu.memory_space<hbm>> -> memref<10000x128xf32, #tpu.memory_space<hbm>>
      tpu.enqueue_indirect_dma source(%dma_start3A_180 : memref<10000x128xf32, #tpu.memory_space<hbm>>) target(%arg12 : memref<80x128xf32, #tpu.memory_space<vmem>>) offsets(%dma_start3A_177 : memref<80xi32, #tpu.memory_space<vmem>>) semaphore(%arg16 : memref<!tpu.dma_semaphore, #tpu.memory_space<semaphore_mem>>)
    } else {
    }
    %eq3A_41 = arith.constant 1 : i32
    %eq3A_42 = arith.cmpi eq, %arg0, %eq3A_41 : i32
    %convert_element_type3A_43 = arith.extui %eq3A_42 : i1 to i32
    %cond3A_44 = arith.constant 0 : i32
    %cond3A_45 = arith.cmpi ne, %convert_element_type3A_43, %cond3A_44 : i32
    scf.if %cond3A_45 {
      %dma_start3A_177 = tpu.memref_slice %arg8[%multiple_of3A_35] : memref<10000xi32, #tpu.memory_space<vmem>> -> memref<80xi32, #tpu.memory_space<vmem>>
      %dma_start3A_178 = arith.constant 0 : i32
      %dma_start3A_179 = arith.constant 0 : i32
      %dma_start3A_180 = tpu.memref_slice %arg5[%dma_start3A_178, %dma_start3A_179] : memref<10000x128xf32, #tpu.memory_space<hbm>> -> memref<10000x128xf32, #tpu.memory_space<hbm>>
      tpu.enqueue_indirect_dma source(%dma_start3A_180 : memref<10000x128xf32, #tpu.memory_space<hbm>>) target(%arg12 : memref<80x128xf32, #tpu.memory_space<vmem>>) offsets(%dma_start3A_177 : memref<80xi32, #tpu.memory_space<vmem>>) semaphore(%arg16 : memref<!tpu.dma_semaphore, #tpu.memory_space<semaphore_mem>>)
    } else {
    }
    %multiple_of3A_46 = arith.constant 160 : i32
    %multiple_of3A_47 = tpu.assume_multiple %multiple_of3A_46, 8 : i32
    %eq3A_48 = arith.constant 0 : i32
    %eq3A_49 = arith.cmpi eq, %arg0, %eq3A_48 : i32
    %convert_element_type3A_50 = arith.extui %eq3A_49 : i1 to i32
    %cond3A_51 = arith.constant 0 : i32
    %cond3A_52 = arith.cmpi ne, %convert_element_type3A_50, %cond3A_51 : i32
    scf.if %cond3A_52 {
      %dma_start3A_177 = tpu.memref_slice %arg8[%multiple_of3A_47] : memref<10000xi32, #tpu.memory_space<vmem>> -> memref<80xi32, #tpu.memory_space<vmem>>
      %dma_start3A_178 = arith.constant 0 : i32
      %dma_start3A_179 = arith.constant 0 : i32
      %dma_start3A_180 = tpu.memref_slice %arg4[%dma_start3A_178, %dma_start3A_179] : memref<10000x128xf32, #tpu.memory_space<hbm>> -> memref<10000x128xf32, #tpu.memory_space<hbm>>
      tpu.enqueue_indirect_dma source(%dma_start3A_180 : memref<10000x128xf32, #tpu.memory_space<hbm>>) target(%arg13 : memref<80x128xf32, #tpu.memory_space<vmem>>) offsets(%dma_start3A_177 : memref<80xi32, #tpu.memory_space<vmem>>) semaphore(%arg17 : memref<!tpu.dma_semaphore, #tpu.memory_space<semaphore_mem>>)
    } else {
    }
    %eq3A_53 = arith.constant 1 : i32
    %eq3A_54 = arith.cmpi eq, %arg0, %eq3A_53 : i32
    %convert_element_type3A_55 = arith.extui %eq3A_54 : i1 to i32
    %cond3A_56 = arith.constant 0 : i32
    %cond3A_57 = arith.cmpi ne, %convert_element_type3A_55, %cond3A_56 : i32
    scf.if %cond3A_57 {
      %dma_start3A_177 = tpu.memref_slice %arg8[%multiple_of3A_47] : memref<10000xi32, #tpu.memory_space<vmem>> -> memref<80xi32, #tpu.memory_space<vmem>>
      %dma_start3A_178 = arith.constant 0 : i32
      %dma_start3A_179 = arith.constant 0 : i32
      %dma_start3A_180 = tpu.memref_slice %arg5[%dma_start3A_178, %dma_start3A_179] : memref<10000x128xf32, #tpu.memory_space<hbm>> -> memref<10000x128xf32, #tpu.memory_space<hbm>>
      tpu.enqueue_indirect_dma source(%dma_start3A_180 : memref<10000x128xf32, #tpu.memory_space<hbm>>) target(%arg13 : memref<80x128xf32, #tpu.memory_space<vmem>>) offsets(%dma_start3A_177 : memref<80xi32, #tpu.memory_space<vmem>>) semaphore(%arg17 : memref<!tpu.dma_semaphore, #tpu.memory_space<semaphore_mem>>)
    } else {
    }
    %scan3A_58 = arith.constant 0 : i32
    %scan3A_59 = arith.constant 0 : i32
    %scan3A_60 = arith.constant 41 : i32
    %scan3A_61 = arith.addi %scan3A_59, %scan3A_60 : i32
    %scan3A_62 = arith.constant 1 : i32
    %scan3A_63 = scf.for %scan3A_177 = %scan3A_59 to %scan3A_61 step %scan3A_62 iter_args(%scan3A_178 = %scan3A_58) -> (i32)  : i32 {
      %mul3A_179 = arith.constant 3 : i32
      %mul3A_180 = arith.muli %scan3A_177, %mul3A_179 : i32
      %add3A = arith.constant 0 : i32
      %add3A_181 = arith.addi %mul3A_180, %add3A : i32
      %mul3A_182 = arith.constant 80 : i32
      %mul3A_183 = arith.muli %add3A_181, %mul3A_182 : i32
      %add3A_184 = arith.constant 0 : i32
      %add3A_185 = arith.addi %mul3A_183, %add3A_184 : i32
      %get3A_186 = arith.index_cast %add3A_185 : i32 to index
      %get3A_187 = tpu.vector_load %arg9[%get3A_186] {strides = array<i32>} : memref<10000xi32, #tpu.memory_space<vmem>>, vector<16xi32>,
      %get3A_188 = vector.shape_cast %get3A_187 : vector<16xi32> to vector<16xi32>
      %swap3A_189 = arith.constant 0 : index
      %swap3A_190 = tpu.vector_load %arg10[%swap3A_189] {strides = array<i32>} : memref<80xi32, #tpu.memory_space<vmem>>, vector<16xi32>,
      %swap3A_191 = vector.shape_cast %swap3A_190 : vector<16xi32> to vector<16xi32>
      %swap3A_192 = vector.shape_cast %get3A_188 : vector<16xi32> to vector<16xi32>
      tpu.vector_store %arg10[%swap3A_189], %swap3A_192 {strides = array<i32>} : memref<80xi32, #tpu.memory_space<vmem>>, vector<16xi32>,
      %mul3A_193 = arith.constant 80 : i32
      %mul3A_194 = arith.muli %add3A_181, %mul3A_193 : i32
      %add3A_195 = arith.constant 16 : i32
      %add3A_196 = arith.addi %mul3A_194, %add3A_195 : i32
      %get3A_197 = arith.index_cast %add3A_196 : i32 to index
      %get3A_198 = tpu.vector_load %arg9[%get3A_197] {strides = array<i32>} : memref<10000xi32, #tpu.memory_space<vmem>>, vector<16xi32>,
      %get3A_199 = vector.shape_cast %get3A_198 : vector<16xi32> to vector<16xi32>
      %swap3A_200 = arith.constant 16 : index
      %swap3A_201 = tpu.vector_load %arg10[%swap3A_200] {strides = array<i32>} : memref<80xi32, #tpu.memory_space<vmem>>, vector<16xi32>,
      %swap3A_202 = vector.shape_cast %swap3A_201 : vector<16xi32> to vector<16xi32>
      %swap3A_203 = vector.shape_cast %get3A_199 : vector<16xi32> to vector<16xi32>
      tpu.vector_store %arg10[%swap3A_200], %swap3A_203 {strides = array<i32>} : memref<80xi32, #tpu.memory_space<vmem>>, vector<16xi32>,
      %mul3A_204 = arith.constant 80 : i32
      %mul3A_205 = arith.muli %add3A_181, %mul3A_204 : i32
      %add3A_206 = arith.constant 32 : i32
      %add3A_207 = arith.addi %mul3A_205, %add3A_206 : i32
      %get3A_208 = arith.index_cast %add3A_207 : i32 to index
      %get3A_209 = tpu.vector_load %arg9[%get3A_208] {strides = array<i32>} : memref<10000xi32, #tpu.memory_space<vmem>>, vector<16xi32>,
      %get3A_210 = vector.shape_cast %get3A_209 : vector<16xi32> to vector<16xi32>
      %swap3A_211 = arith.constant 32 : index
      %swap3A_212 = tpu.vector_load %arg10[%swap3A_211] {strides = array<i32>} : memref<80xi32, #tpu.memory_space<vmem>>, vector<16xi32>,
      %swap3A_213 = vector.shape_cast %swap3A_212 : vector<16xi32> to vector<16xi32>
      %swap3A_214 = vector.shape_cast %get3A_210 : vector<16xi32> to vector<16xi32>
      tpu.vector_store %arg10[%swap3A_211], %swap3A_214 {strides = array<i32>} : memref<80xi32, #tpu.memory_space<vmem>>, vector<16xi32>,
      %mul3A_215 = arith.constant 80 : i32
      %mul3A_216 = arith.muli %add3A_181, %mul3A_215 : i32
      %add3A_217 = arith.constant 48 : i32
      %add3A_218 = arith.addi %mul3A_216, %add3A_217 : i32
      %get3A_219 = arith.index_cast %add3A_218 : i32 to index
      %get3A_220 = tpu.vector_load %arg9[%get3A_219] {strides = array<i32>} : memref<10000xi32, #tpu.memory_space<vmem>>, vector<16xi32>,
      %get3A_221 = vector.shape_cast %get3A_220 : vector<16xi32> to vector<16xi32>
      %swap3A_222 = arith.constant 48 : index
      %swap3A_223 = tpu.vector_load %arg10[%swap3A_222] {strides = array<i32>} : memref<80xi32, #tpu.memory_space<vmem>>, vector<16xi32>,
      %swap3A_224 = vector.shape_cast %swap3A_223 : vector<16xi32> to vector<16xi32>
      %swap3A_225 = vector.shape_cast %get3A_221 : vector<16xi32> to vector<16xi32>
      tpu.vector_store %arg10[%swap3A_222], %swap3A_225 {strides = array<i32>} : memref<80xi32, #tpu.memory_space<vmem>>, vector<16xi32>,
      %mul3A_226 = arith.constant 80 : i32
      %mul3A_227 = arith.muli %add3A_181, %mul3A_226 : i32
      %add3A_228 = arith.constant 64 : i32
      %add3A_229 = arith.addi %mul3A_227, %add3A_228 : i32
      %get3A_230 = arith.index_cast %add3A_229 : i32 to index
      %get3A_231 = tpu.vector_load %arg9[%get3A_230] {strides = array<i32>} : memref<10000xi32, #tpu.memory_space<vmem>>, vector<16xi32>,
      %get3A_232 = vector.shape_cast %get3A_231 : vector<16xi32> to vector<16xi32>
      %swap3A_233 = arith.constant 64 : index
      %swap3A_234 = tpu.vector_load %arg10[%swap3A_233] {strides = array<i32>} : memref<80xi32, #tpu.memory_space<vmem>>, vector<16xi32>,
      %swap3A_235 = vector.shape_cast %swap3A_234 : vector<16xi32> to vector<16xi32>
      %swap3A_236 = vector.shape_cast %get3A_232 : vector<16xi32> to vector<16xi32>
      tpu.vector_store %arg10[%swap3A_233], %swap3A_236 {strides = array<i32>} : memref<80xi32, #tpu.memory_space<vmem>>, vector<16xi32>,
      %mul3A_237 = arith.constant 80 : i32
      %mul3A_238 = arith.muli %add3A_181, %mul3A_237 : i32
      %multiple_of3A_239 = tpu.assume_multiple %mul3A_238, 8 : i32
      %dma_wait3A_240 = tpu.memref_slice %arg8[%multiple_of3A_239] : memref<10000xi32, #tpu.memory_space<vmem>> -> memref<80xi32, #tpu.memory_space<vmem>>
      %dma_wait3A_241 = arith.constant 0 : i32
      %dma_wait3A_242 = arith.constant 0 : i32
      %dma_wait3A_243 = tpu.memref_slice %arg4[%dma_wait3A_241, %dma_wait3A_242] : memref<10000x128xf32, #tpu.memory_space<hbm>> -> memref<10000x128xf32, #tpu.memory_space<hbm>>
      tpu.wait_indirect_dma semaphore(%arg15 : memref<!tpu.dma_semaphore, #tpu.memory_space<semaphore_mem>>) src(%dma_wait3A_243 : memref<10000x128xf32, #tpu.memory_space<hbm>>) dst(%arg11 : memref<80x128xf32, #tpu.memory_space<vmem>>)
      %add3A_244 = arith.constant 3 : i32
      %add3A_245 = arith.addi %add3A_181, %add3A_244 : i32
      %lt3A_246 = arith.constant 125 : i32
      %lt3A_247 = arith.cmpi slt, %add3A_245, %lt3A_246 : i32
      %convert_element_type3A_248 = arith.extui %lt3A_247 : i1 to i32
      %cond3A_249 = arith.constant 0 : i32
      %cond3A_250 = arith.cmpi ne, %convert_element_type3A_248, %cond3A_249 : i32
      scf.if %cond3A_250 {
        %add3A_398 = arith.constant 3 : i32
        %add3A_399 = arith.addi %add3A_181, %add3A_398 : i32
        %mul3A_400 = arith.constant 80 : i32
        %mul3A_401 = arith.muli %add3A_399, %mul3A_400 : i32
        %multiple_of3A_402 = tpu.assume_multiple %mul3A_401, 8 : i32
        %eq3A_403 = arith.constant 0 : i32
        %eq3A_404 = arith.cmpi eq, %arg0, %eq3A_403 : i32
        %convert_element_type3A_405 = arith.extui %eq3A_404 : i1 to i32
        %cond3A_406 = arith.constant 0 : i32
        %cond3A_407 = arith.cmpi ne, %convert_element_type3A_405, %cond3A_406 : i32
        scf.if %cond3A_407 {
          %dma_start3A_413 = tpu.memref_slice %arg8[%multiple_of3A_402] : memref<10000xi32, #tpu.memory_space<vmem>> -> memref<80xi32, #tpu.memory_space<vmem>>
          %dma_start3A_414 = arith.constant 0 : i32
          %dma_start3A_415 = arith.constant 0 : i32
          %dma_start3A_416 = tpu.memref_slice %arg4[%dma_start3A_414, %dma_start3A_415] : memref<10000x128xf32, #tpu.memory_space<hbm>> -> memref<10000x128xf32, #tpu.memory_space<hbm>>
          tpu.enqueue_indirect_dma source(%dma_start3A_416 : memref<10000x128xf32, #tpu.memory_space<hbm>>) target(%arg11 : memref<80x128xf32, #tpu.memory_space<vmem>>) offsets(%dma_start3A_413 : memref<80xi32, #tpu.memory_space<vmem>>) semaphore(%arg15 : memref<!tpu.dma_semaphore, #tpu.memory_space<semaphore_mem>>)
        } else {
        }
        %eq3A_408 = arith.constant 1 : i32
        %eq3A_409 = arith.cmpi eq, %arg0, %eq3A_408 : i32
        %convert_element_type3A_410 = arith.extui %eq3A_409 : i1 to i32
        %cond3A_411 = arith.constant 0 : i32
        %cond3A_412 = arith.cmpi ne, %convert_element_type3A_410, %cond3A_411 : i32
        scf.if %cond3A_412 {
          %dma_start3A_413 = tpu.memref_slice %arg8[%multiple_of3A_402] : memref<10000xi32, #tpu.memory_space<vmem>> -> memref<80xi32, #tpu.memory_space<vmem>>
          %dma_start3A_414 = arith.constant 0 : i32
          %dma_start3A_415 = arith.constant 0 : i32
          %dma_start3A_416 = tpu.memref_slice %arg5[%dma_start3A_414, %dma_start3A_415] : memref<10000x128xf32, #tpu.memory_space<hbm>> -> memref<10000x128xf32, #tpu.memory_space<hbm>>
          tpu.enqueue_indirect_dma source(%dma_start3A_416 : memref<10000x128xf32, #tpu.memory_space<hbm>>) target(%arg11 : memref<80x128xf32, #tpu.memory_space<vmem>>) offsets(%dma_start3A_413 : memref<80xi32, #tpu.memory_space<vmem>>) semaphore(%arg15 : memref<!tpu.dma_semaphore, #tpu.memory_space<semaphore_mem>>)
        } else {
        }
      } else {
      }
      "tpu.region"() ({
        %run_scoped3A = tpu.sem_alloc : memref<!tpu.dma_semaphore, #tpu.memory_space<semaphore_mem>>
        %dma_start3A_398 = arith.constant 0 : i32
        %dma_start3A_399 = arith.constant 0 : i32
        %dma_start3A_400 = tpu.memref_slice %arg14[%dma_start3A_398, %dma_start3A_399] : memref<10000x128xf32, #tpu.memory_space<vmem_shared>> -> memref<10000x128xf32, #tpu.memory_space<vmem_shared>>
        tpu.enqueue_indirect_dma source(%arg11 : memref<80x128xf32, #tpu.memory_space<vmem>>) target(%dma_start3A_400 : memref<10000x128xf32, #tpu.memory_space<vmem_shared>>) offsets(%arg10 : memref<80xi32, #tpu.memory_space<vmem>>) semaphore(%run_scoped3A : memref<!tpu.dma_semaphore, #tpu.memory_space<semaphore_mem>>) {add = true}
        %dma_wait3A_401 = arith.constant 0 : i32
        %dma_wait3A_402 = arith.constant 0 : i32
        %dma_wait3A_403 = tpu.memref_slice %arg14[%dma_wait3A_401, %dma_wait3A_402] : memref<10000x128xf32, #tpu.memory_space<vmem_shared>> -> memref<10000x128xf32, #tpu.memory_space<vmem_shared>>
        tpu.wait_indirect_dma semaphore(%run_scoped3A : memref<!tpu.dma_semaphore, #tpu.memory_space<semaphore_mem>>) src(%arg11 : memref<80x128xf32, #tpu.memory_space<vmem>>) dst(%dma_wait3A_403 : memref<10000x128xf32, #tpu.memory_space<vmem_shared>>)
        tpu.yield
      }) : () -> ()
      %mul3A_251 = arith.constant 3 : i32
      %mul3A_252 = arith.muli %scan3A_177, %mul3A_251 : i32
      %add3A_253 = arith.constant 1 : i32
      %add3A_254 = arith.addi %mul3A_252, %add3A_253 : i32
      %mul3A_255 = arith.constant 80 : i32
      %mul3A_256 = arith.muli %add3A_254, %mul3A_255 : i32
      %add3A_257 = arith.constant 0 : i32
      %add3A_258 = arith.addi %mul3A_256, %add3A_257 : i32
      %get3A_259 = arith.index_cast %add3A_258 : i32 to index
      %get3A_260 = tpu.vector_load %arg9[%get3A_259] {strides = array<i32>} : memref<10000xi32, #tpu.memory_space<vmem>>, vector<16xi32>,
      %get3A_261 = vector.shape_cast %get3A_260 : vector<16xi32> to vector<16xi32>
      %swap3A_262 = arith.constant 0 : index
      %swap3A_263 = tpu.vector_load %arg10[%swap3A_262] {strides = array<i32>} : memref<80xi32, #tpu.memory_space<vmem>>, vector<16xi32>,
      %swap3A_264 = vector.shape_cast %swap3A_263 : vector<16xi32> to vector<16xi32>
      %swap3A_265 = vector.shape_cast %get3A_261 : vector<16xi32> to vector<16xi32>
      tpu.vector_store %arg10[%swap3A_262], %swap3A_265 {strides = array<i32>} : memref<80xi32, #tpu.memory_space<vmem>>, vector<16xi32>,
      %mul3A_266 = arith.constant 80 : i32
      %mul3A_267 = arith.muli %add3A_254, %mul3A_266 : i32
      %add3A_268 = arith.constant 16 : i32
      %add3A_269 = arith.addi %mul3A_267, %add3A_268 : i32
      %get3A_270 = arith.index_cast %add3A_269 : i32 to index
      %get3A_271 = tpu.vector_load %arg9[%get3A_270] {strides = array<i32>} : memref<10000xi32, #tpu.memory_space<vmem>>, vector<16xi32>,
      %get3A_272 = vector.shape_cast %get3A_271 : vector<16xi32> to vector<16xi32>
      %swap3A_273 = arith.constant 16 : index
      %swap3A_274 = tpu.vector_load %arg10[%swap3A_273] {strides = array<i32>} : memref<80xi32, #tpu.memory_space<vmem>>, vector<16xi32>,
      %swap3A_275 = vector.shape_cast %swap3A_274 : vector<16xi32> to vector<16xi32>
      %swap3A_276 = vector.shape_cast %get3A_272 : vector<16xi32> to vector<16xi32>
      tpu.vector_store %arg10[%swap3A_273], %swap3A_276 {strides = array<i32>} : memref<80xi32, #tpu.memory_space<vmem>>, vector<16xi32>,
      %mul3A_277 = arith.constant 80 : i32
      %mul3A_278 = arith.muli %add3A_254, %mul3A_277 : i32
      %add3A_279 = arith.constant 32 : i32
      %add3A_280 = arith.addi %mul3A_278, %add3A_279 : i32
      %get3A_281 = arith.index_cast %add3A_280 : i32 to index
      %get3A_282 = tpu.vector_load %arg9[%get3A_281] {strides = array<i32>} : memref<10000xi32, #tpu.memory_space<vmem>>, vector<16xi32>,
      %get3A_283 = vector.shape_cast %get3A_282 : vector<16xi32> to vector<16xi32>
      %swap3A_284 = arith.constant 32 : index
      %swap3A_285 = tpu.vector_load %arg10[%swap3A_284] {strides = array<i32>} : memref<80xi32, #tpu.memory_space<vmem>>, vector<16xi32>,
      %swap3A_286 = vector.shape_cast %swap3A_285 : vector<16xi32> to vector<16xi32>
      %swap3A_287 = vector.shape_cast %get3A_283 : vector<16xi32> to vector<16xi32>
      tpu.vector_store %arg10[%swap3A_284], %swap3A_287 {strides = array<i32>} : memref<80xi32, #tpu.memory_space<vmem>>, vector<16xi32>,
      %mul3A_288 = arith.constant 80 : i32
      %mul3A_289 = arith.muli %add3A_254, %mul3A_288 : i32
      %add3A_290 = arith.constant 48 : i32
      %add3A_291 = arith.addi %mul3A_289, %add3A_290 : i32
      %get3A_292 = arith.index_cast %add3A_291 : i32 to index
      %get3A_293 = tpu.vector_load %arg9[%get3A_292] {strides = array<i32>} : memref<10000xi32, #tpu.memory_space<vmem>>, vector<16xi32>,
      %get3A_294 = vector.shape_cast %get3A_293 : vector<16xi32> to vector<16xi32>
      %swap3A_295 = arith.constant 48 : index
      %swap3A_296 = tpu.vector_load %arg10[%swap3A_295] {strides = array<i32>} : memref<80xi32, #tpu.memory_space<vmem>>, vector<16xi32>,
      %swap3A_297 = vector.shape_cast %swap3A_296 : vector<16xi32> to vector<16xi32>
      %swap3A_298 = vector.shape_cast %get3A_294 : vector<16xi32> to vector<16xi32>
      tpu.vector_store %arg10[%swap3A_295], %swap3A_298 {strides = array<i32>} : memref<80xi32, #tpu.memory_space<vmem>>, vector<16xi32>,
      %mul3A_299 = arith.constant 80 : i32
      %mul3A_300 = arith.muli %add3A_254, %mul3A_299 : i32
      %add3A_301 = arith.constant 64 : i32
      %add3A_302 = arith.addi %mul3A_300, %add3A_301 : i32
      %get3A_303 = arith.index_cast %add3A_302 : i32 to index
      %get3A_304 = tpu.vector_load %arg9[%get3A_303] {strides = array<i32>} : memref<10000xi32, #tpu.memory_space<vmem>>, vector<16xi32>,
      %get3A_305 = vector.shape_cast %get3A_304 : vector<16xi32> to vector<16xi32>
      %swap3A_306 = arith.constant 64 : index
      %swap3A_307 = tpu.vector_load %arg10[%swap3A_306] {strides = array<i32>} : memref<80xi32, #tpu.memory_space<vmem>>, vector<16xi32>,
      %swap3A_308 = vector.shape_cast %swap3A_307 : vector<16xi32> to vector<16xi32>
      %swap3A_309 = vector.shape_cast %get3A_305 : vector<16xi32> to vector<16xi32>
      tpu.vector_store %arg10[%swap3A_306], %swap3A_309 {strides = array<i32>} : memref<80xi32, #tpu.memory_space<vmem>>, vector<16xi32>,
      %mul3A_310 = arith.constant 80 : i32
      %mul3A_311 = arith.muli %add3A_254, %mul3A_310 : i32
      %multiple_of3A_312 = tpu.assume_multiple %mul3A_311, 8 : i32
      %dma_wait3A_313 = tpu.memref_slice %arg8[%multiple_of3A_312] : memref<10000xi32, #tpu.memory_space<vmem>> -> memref<80xi32, #tpu.memory_space<vmem>>
      %dma_wait3A_314 = arith.constant 0 : i32
      %dma_wait3A_315 = arith.constant 0 : i32
      %dma_wait3A_316 = tpu.memref_slice %arg4[%dma_wait3A_314, %dma_wait3A_315] : memref<10000x128xf32, #tpu.memory_space<hbm>> -> memref<10000x128xf32, #tpu.memory_space<hbm>>
      tpu.wait_indirect_dma semaphore(%arg16 : memref<!tpu.dma_semaphore, #tpu.memory_space<semaphore_mem>>) src(%dma_wait3A_316 : memref<10000x128xf32, #tpu.memory_space<hbm>>) dst(%arg12 : memref<80x128xf32, #tpu.memory_space<vmem>>)
      %add3A_317 = arith.constant 3 : i32
      %add3A_318 = arith.addi %add3A_254, %add3A_317 : i32
      %lt3A_319 = arith.constant 125 : i32
      %lt3A_320 = arith.cmpi slt, %add3A_318, %lt3A_319 : i32
      %convert_element_type3A_321 = arith.extui %lt3A_320 : i1 to i32
      %cond3A_322 = arith.constant 0 : i32
      %cond3A_323 = arith.cmpi ne, %convert_element_type3A_321, %cond3A_322 : i32
      scf.if %cond3A_323 {
        %add3A_398 = arith.constant 3 : i32
        %add3A_399 = arith.addi %add3A_254, %add3A_398 : i32
        %mul3A_400 = arith.constant 80 : i32
        %mul3A_401 = arith.muli %add3A_399, %mul3A_400 : i32
        %multiple_of3A_402 = tpu.assume_multiple %mul3A_401, 8 : i32
        %eq3A_403 = arith.constant 0 : i32
        %eq3A_404 = arith.cmpi eq, %arg0, %eq3A_403 : i32
        %convert_element_type3A_405 = arith.extui %eq3A_404 : i1 to i32
        %cond3A_406 = arith.constant 0 : i32
        %cond3A_407 = arith.cmpi ne, %convert_element_type3A_405, %cond3A_406 : i32
        scf.if %cond3A_407 {
          %dma_start3A_413 = tpu.memref_slice %arg8[%multiple_of3A_402] : memref<10000xi32, #tpu.memory_space<vmem>> -> memref<80xi32, #tpu.memory_space<vmem>>
          %dma_start3A_414 = arith.constant 0 : i32
          %dma_start3A_415 = arith.constant 0 : i32
          %dma_start3A_416 = tpu.memref_slice %arg4[%dma_start3A_414, %dma_start3A_415] : memref<10000x128xf32, #tpu.memory_space<hbm>> -> memref<10000x128xf32, #tpu.memory_space<hbm>>
          tpu.enqueue_indirect_dma source(%dma_start3A_416 : memref<10000x128xf32, #tpu.memory_space<hbm>>) target(%arg12 : memref<80x128xf32, #tpu.memory_space<vmem>>) offsets(%dma_start3A_413 : memref<80xi32, #tpu.memory_space<vmem>>) semaphore(%arg16 : memref<!tpu.dma_semaphore, #tpu.memory_space<semaphore_mem>>)
        } else {
        }
        %eq3A_408 = arith.constant 1 : i32
        %eq3A_409 = arith.cmpi eq, %arg0, %eq3A_408 : i32
        %convert_element_type3A_410 = arith.extui %eq3A_409 : i1 to i32
        %cond3A_411 = arith.constant 0 : i32
        %cond3A_412 = arith.cmpi ne, %convert_element_type3A_410, %cond3A_411 : i32
        scf.if %cond3A_412 {
          %dma_start3A_413 = tpu.memref_slice %arg8[%multiple_of3A_402] : memref<10000xi32, #tpu.memory_space<vmem>> -> memref<80xi32, #tpu.memory_space<vmem>>
          %dma_start3A_414 = arith.constant 0 : i32
          %dma_start3A_415 = arith.constant 0 : i32
          %dma_start3A_416 = tpu.memref_slice %arg5[%dma_start3A_414, %dma_start3A_415] : memref<10000x128xf32, #tpu.memory_space<hbm>> -> memref<10000x128xf32, #tpu.memory_space<hbm>>
          tpu.enqueue_indirect_dma source(%dma_start3A_416 : memref<10000x128xf32, #tpu.memory_space<hbm>>) target(%arg12 : memref<80x128xf32, #tpu.memory_space<vmem>>) offsets(%dma_start3A_413 : memref<80xi32, #tpu.memory_space<vmem>>) semaphore(%arg16 : memref<!tpu.dma_semaphore, #tpu.memory_space<semaphore_mem>>)
        } else {
        }
      } else {
      }
      "tpu.region"() ({
        %run_scoped3A = tpu.sem_alloc : memref<!tpu.dma_semaphore, #tpu.memory_space<semaphore_mem>>
        %dma_start3A_398 = arith.constant 0 : i32
        %dma_start3A_399 = arith.constant 0 : i32
        %dma_start3A_400 = tpu.memref_slice %arg14[%dma_start3A_398, %dma_start3A_399] : memref<10000x128xf32, #tpu.memory_space<vmem_shared>> -> memref<10000x128xf32, #tpu.memory_space<vmem_shared>>
        tpu.enqueue_indirect_dma source(%arg12 : memref<80x128xf32, #tpu.memory_space<vmem>>) target(%dma_start3A_400 : memref<10000x128xf32, #tpu.memory_space<vmem_shared>>) offsets(%arg10 : memref<80xi32, #tpu.memory_space<vmem>>) semaphore(%run_scoped3A : memref<!tpu.dma_semaphore, #tpu.memory_space<semaphore_mem>>) {add = true}
        %dma_wait3A_401 = arith.constant 0 : i32
        %dma_wait3A_402 = arith.constant 0 : i32
        %dma_wait3A_403 = tpu.memref_slice %arg14[%dma_wait3A_401, %dma_wait3A_402] : memref<10000x128xf32, #tpu.memory_space<vmem_shared>> -> memref<10000x128xf32, #tpu.memory_space<vmem_shared>>
        tpu.wait_indirect_dma semaphore(%run_scoped3A : memref<!tpu.dma_semaphore, #tpu.memory_space<semaphore_mem>>) src(%arg12 : memref<80x128xf32, #tpu.memory_space<vmem>>) dst(%dma_wait3A_403 : memref<10000x128xf32, #tpu.memory_space<vmem_shared>>)
        tpu.yield
      }) : () -> ()
      %mul3A_324 = arith.constant 3 : i32
      %mul3A_325 = arith.muli %scan3A_177, %mul3A_324 : i32
      %add3A_326 = arith.constant 2 : i32
      %add3A_327 = arith.addi %mul3A_325, %add3A_326 : i32
      %mul3A_328 = arith.constant 80 : i32
      %mul3A_329 = arith.muli %add3A_327, %mul3A_328 : i32
      %add3A_330 = arith.constant 0 : i32
      %add3A_331 = arith.addi %mul3A_329, %add3A_330 : i32
      %get3A_332 = arith.index_cast %add3A_331 : i32 to index
      %get3A_333 = tpu.vector_load %arg9[%get3A_332] {strides = array<i32>} : memref<10000xi32, #tpu.memory_space<vmem>>, vector<16xi32>,
      %get3A_334 = vector.shape_cast %get3A_333 : vector<16xi32> to vector<16xi32>
      %swap3A_335 = arith.constant 0 : index
      %swap3A_336 = tpu.vector_load %arg10[%swap3A_335] {strides = array<i32>} : memref<80xi32, #tpu.memory_space<vmem>>, vector<16xi32>,
      %swap3A_337 = vector.shape_cast %swap3A_336 : vector<16xi32> to vector<16xi32>
      %swap3A_338 = vector.shape_cast %get3A_334 : vector<16xi32> to vector<16xi32>
      tpu.vector_store %arg10[%swap3A_335], %swap3A_338 {strides = array<i32>} : memref<80xi32, #tpu.memory_space<vmem>>, vector<16xi32>,
      %mul3A_339 = arith.constant 80 : i32
      %mul3A_340 = arith.muli %add3A_327, %mul3A_339 : i32
      %add3A_341 = arith.constant 16 : i32
      %add3A_342 = arith.addi %mul3A_340, %add3A_341 : i32
      %get3A_343 = arith.index_cast %add3A_342 : i32 to index
      %get3A_344 = tpu.vector_load %arg9[%get3A_343] {strides = array<i32>} : memref<10000xi32, #tpu.memory_space<vmem>>, vector<16xi32>,
      %get3A_345 = vector.shape_cast %get3A_344 : vector<16xi32> to vector<16xi32>
      %swap3A_346 = arith.constant 16 : index
      %swap3A_347 = tpu.vector_load %arg10[%swap3A_346] {strides = array<i32>} : memref<80xi32, #tpu.memory_space<vmem>>, vector<16xi32>,
      %swap3A_348 = vector.shape_cast %swap3A_347 : vector<16xi32> to vector<16xi32>
      %swap3A_349 = vector.shape_cast %get3A_345 : vector<16xi32> to vector<16xi32>
      tpu.vector_store %arg10[%swap3A_346], %swap3A_349 {strides = array<i32>} : memref<80xi32, #tpu.memory_space<vmem>>, vector<16xi32>,
      %mul3A_350 = arith.constant 80 : i32
      %mul3A_351 = arith.muli %add3A_327, %mul3A_350 : i32
      %add3A_352 = arith.constant 32 : i32
      %add3A_353 = arith.addi %mul3A_351, %add3A_352 : i32
      %get3A_354 = arith.index_cast %add3A_353 : i32 to index
      %get3A_355 = tpu.vector_load %arg9[%get3A_354] {strides = array<i32>} : memref<10000xi32, #tpu.memory_space<vmem>>, vector<16xi32>,
      %get3A_356 = vector.shape_cast %get3A_355 : vector<16xi32> to vector<16xi32>
      %swap3A_357 = arith.constant 32 : index
      %swap3A_358 = tpu.vector_load %arg10[%swap3A_357] {strides = array<i32>} : memref<80xi32, #tpu.memory_space<vmem>>, vector<16xi32>,
      %swap3A_359 = vector.shape_cast %swap3A_358 : vector<16xi32> to vector<16xi32>
      %swap3A_360 = vector.shape_cast %get3A_356 : vector<16xi32> to vector<16xi32>
      tpu.vector_store %arg10[%swap3A_357], %swap3A_360 {strides = array<i32>} : memref<80xi32, #tpu.memory_space<vmem>>, vector<16xi32>,
      %mul3A_361 = arith.constant 80 : i32
      %mul3A_362 = arith.muli %add3A_327, %mul3A_361 : i32
      %add3A_363 = arith.constant 48 : i32
      %add3A_364 = arith.addi %mul3A_362, %add3A_363 : i32
      %get3A_365 = arith.index_cast %add3A_364 : i32 to index
      %get3A_366 = tpu.vector_load %arg9[%get3A_365] {strides = array<i32>} : memref<10000xi32, #tpu.memory_space<vmem>>, vector<16xi32>,
      %get3A_367 = vector.shape_cast %get3A_366 : vector<16xi32> to vector<16xi32>
      %swap3A_368 = arith.constant 48 : index
      %swap3A_369 = tpu.vector_load %arg10[%swap3A_368] {strides = array<i32>} : memref<80xi32, #tpu.memory_space<vmem>>, vector<16xi32>,
      %swap3A_370 = vector.shape_cast %swap3A_369 : vector<16xi32> to vector<16xi32>
      %swap3A_371 = vector.shape_cast %get3A_367 : vector<16xi32> to vector<16xi32>
      tpu.vector_store %arg10[%swap3A_368], %swap3A_371 {strides = array<i32>} : memref<80xi32, #tpu.memory_space<vmem>>, vector<16xi32>,
      %mul3A_372 = arith.constant 80 : i32
      %mul3A_373 = arith.muli %add3A_327, %mul3A_372 : i32
      %add3A_374 = arith.constant 64 : i32
      %add3A_375 = arith.addi %mul3A_373, %add3A_374 : i32
      %get3A_376 = arith.index_cast %add3A_375 : i32 to index
      %get3A_377 = tpu.vector_load %arg9[%get3A_376] {strides = array<i32>} : memref<10000xi32, #tpu.memory_space<vmem>>, vector<16xi32>,
      %get3A_378 = vector.shape_cast %get3A_377 : vector<16xi32> to vector<16xi32>
      %swap3A_379 = arith.constant 64 : index
      %swap3A_380 = tpu.vector_load %arg10[%swap3A_379] {strides = array<i32>} : memref<80xi32, #tpu.memory_space<vmem>>, vector<16xi32>,
      %swap3A_381 = vector.shape_cast %swap3A_380 : vector<16xi32> to vector<16xi32>
      %swap3A_382 = vector.shape_cast %get3A_378 : vector<16xi32> to vector<16xi32>
      tpu.vector_store %arg10[%swap3A_379], %swap3A_382 {strides = array<i32>} : memref<80xi32, #tpu.memory_space<vmem>>, vector<16xi32>,
      %mul3A_383 = arith.constant 80 : i32
      %mul3A_384 = arith.muli %add3A_327, %mul3A_383 : i32
      %multiple_of3A_385 = tpu.assume_multiple %mul3A_384, 8 : i32
      %dma_wait3A_386 = tpu.memref_slice %arg8[%multiple_of3A_385] : memref<10000xi32, #tpu.memory_space<vmem>> -> memref<80xi32, #tpu.memory_space<vmem>>
      %dma_wait3A_387 = arith.constant 0 : i32
      %dma_wait3A_388 = arith.constant 0 : i32
      %dma_wait3A_389 = tpu.memref_slice %arg4[%dma_wait3A_387, %dma_wait3A_388] : memref<10000x128xf32, #tpu.memory_space<hbm>> -> memref<10000x128xf32, #tpu.memory_space<hbm>>
      tpu.wait_indirect_dma semaphore(%arg17 : memref<!tpu.dma_semaphore, #tpu.memory_space<semaphore_mem>>) src(%dma_wait3A_389 : memref<10000x128xf32, #tpu.memory_space<hbm>>) dst(%arg13 : memref<80x128xf32, #tpu.memory_space<vmem>>)
      %add3A_390 = arith.constant 3 : i32
      %add3A_391 = arith.addi %add3A_327, %add3A_390 : i32
      %lt3A_392 = arith.constant 125 : i32
      %lt3A_393 = arith.cmpi slt, %add3A_391, %lt3A_392 : i32
      %convert_element_type3A_394 = arith.extui %lt3A_393 : i1 to i32
      %cond3A_395 = arith.constant 0 : i32
      %cond3A_396 = arith.cmpi ne, %convert_element_type3A_394, %cond3A_395 : i32
      scf.if %cond3A_396 {
        %add3A_398 = arith.constant 3 : i32
        %add3A_399 = arith.addi %add3A_327, %add3A_398 : i32
        %mul3A_400 = arith.constant 80 : i32
        %mul3A_401 = arith.muli %add3A_399, %mul3A_400 : i32
        %multiple_of3A_402 = tpu.assume_multiple %mul3A_401, 8 : i32
        %eq3A_403 = arith.constant 0 : i32
        %eq3A_404 = arith.cmpi eq, %arg0, %eq3A_403 : i32
        %convert_element_type3A_405 = arith.extui %eq3A_404 : i1 to i32
        %cond3A_406 = arith.constant 0 : i32
        %cond3A_407 = arith.cmpi ne, %convert_element_type3A_405, %cond3A_406 : i32
        scf.if %cond3A_407 {
          %dma_start3A_413 = tpu.memref_slice %arg8[%multiple_of3A_402] : memref<10000xi32, #tpu.memory_space<vmem>> -> memref<80xi32, #tpu.memory_space<vmem>>
          %dma_start3A_414 = arith.constant 0 : i32
          %dma_start3A_415 = arith.constant 0 : i32
          %dma_start3A_416 = tpu.memref_slice %arg4[%dma_start3A_414, %dma_start3A_415] : memref<10000x128xf32, #tpu.memory_space<hbm>> -> memref<10000x128xf32, #tpu.memory_space<hbm>>
          tpu.enqueue_indirect_dma source(%dma_start3A_416 : memref<10000x128xf32, #tpu.memory_space<hbm>>) target(%arg13 : memref<80x128xf32, #tpu.memory_space<vmem>>) offsets(%dma_start3A_413 : memref<80xi32, #tpu.memory_space<vmem>>) semaphore(%arg17 : memref<!tpu.dma_semaphore, #tpu.memory_space<semaphore_mem>>)
        } else {
        }
        %eq3A_408 = arith.constant 1 : i32
        %eq3A_409 = arith.cmpi eq, %arg0, %eq3A_408 : i32
        %convert_element_type3A_410 = arith.extui %eq3A_409 : i1 to i32
        %cond3A_411 = arith.constant 0 : i32
        %cond3A_412 = arith.cmpi ne, %convert_element_type3A_410, %cond3A_411 : i32
        scf.if %cond3A_412 {
          %dma_start3A_413 = tpu.memref_slice %arg8[%multiple_of3A_402] : memref<10000xi32, #tpu.memory_space<vmem>> -> memref<80xi32, #tpu.memory_space<vmem>>
          %dma_start3A_414 = arith.constant 0 : i32
          %dma_start3A_415 = arith.constant 0 : i32
          %dma_start3A_416 = tpu.memref_slice %arg5[%dma_start3A_414, %dma_start3A_415] : memref<10000x128xf32, #tpu.memory_space<hbm>> -> memref<10000x128xf32, #tpu.memory_space<hbm>>
          tpu.enqueue_indirect_dma source(%dma_start3A_416 : memref<10000x128xf32, #tpu.memory_space<hbm>>) target(%arg13 : memref<80x128xf32, #tpu.memory_space<vmem>>) offsets(%dma_start3A_413 : memref<80xi32, #tpu.memory_space<vmem>>) semaphore(%arg17 : memref<!tpu.dma_semaphore, #tpu.memory_space<semaphore_mem>>)
        } else {
        }
      } else {
      }
      "tpu.region"() ({
        %run_scoped3A = tpu.sem_alloc : memref<!tpu.dma_semaphore, #tpu.memory_space<semaphore_mem>>
        %dma_start3A_398 = arith.constant 0 : i32
        %dma_start3A_399 = arith.constant 0 : i32
        %dma_start3A_400 = tpu.memref_slice %arg14[%dma_start3A_398, %dma_start3A_399] : memref<10000x128xf32, #tpu.memory_space<vmem_shared>> -> memref<10000x128xf32, #tpu.memory_space<vmem_shared>>
        tpu.enqueue_indirect_dma source(%arg13 : memref<80x128xf32, #tpu.memory_space<vmem>>) target(%dma_start3A_400 : memref<10000x128xf32, #tpu.memory_space<vmem_shared>>) offsets(%arg10 : memref<80xi32, #tpu.memory_space<vmem>>) semaphore(%run_scoped3A : memref<!tpu.dma_semaphore, #tpu.memory_space<semaphore_mem>>) {add = true}
        %dma_wait3A_401 = arith.constant 0 : i32
        %dma_wait3A_402 = arith.constant 0 : i32
        %dma_wait3A_403 = tpu.memref_slice %arg14[%dma_wait3A_401, %dma_wait3A_402] : memref<10000x128xf32, #tpu.memory_space<vmem_shared>> -> memref<10000x128xf32, #tpu.memory_space<vmem_shared>>
        tpu.wait_indirect_dma semaphore(%run_scoped3A : memref<!tpu.dma_semaphore, #tpu.memory_space<semaphore_mem>>) src(%arg13 : memref<80x128xf32, #tpu.memory_space<vmem>>) dst(%dma_wait3A_403 : memref<10000x128xf32, #tpu.memory_space<vmem_shared>>)
        tpu.yield
      }) : () -> ()
      %scan3A_397 = arith.constant 0 : i32
      scf.yield %scan3A_397 : i32
    }
    %scan3A_64 = arith.constant 41 : i32
    %get3A = arith.constant 9840 : index
    %get3A_65 = tpu.vector_load %arg9[%get3A] {strides = array<i32>} : memref<10000xi32, #tpu.memory_space<vmem>>, vector<16xi32>,
    %get3A_66 = vector.shape_cast %get3A_65 : vector<16xi32> to vector<16xi32>
    %swap3A = arith.constant 0 : index
    %swap3A_67 = tpu.vector_load %arg10[%swap3A] {strides = array<i32>} : memref<80xi32, #tpu.memory_space<vmem>>, vector<16xi32>,
    %swap3A_68 = vector.shape_cast %swap3A_67 : vector<16xi32> to vector<16xi32>
    %swap3A_69 = vector.shape_cast %get3A_66 : vector<16xi32> to vector<16xi32>
    tpu.vector_store %arg10[%swap3A], %swap3A_69 {strides = array<i32>} : memref<80xi32, #tpu.memory_space<vmem>>, vector<16xi32>,
    %get3A_70 = arith.constant 9856 : index
    %get3A_71 = tpu.vector_load %arg9[%get3A_70] {strides = array<i32>} : memref<10000xi32, #tpu.memory_space<vmem>>, vector<16xi32>,
    %get3A_72 = vector.shape_cast %get3A_71 : vector<16xi32> to vector<16xi32>
    %swap3A_73 = arith.constant 16 : index
    %swap3A_74 = tpu.vector_load %arg10[%swap3A_73] {strides = array<i32>} : memref<80xi32, #tpu.memory_space<vmem>>, vector<16xi32>,
    %swap3A_75 = vector.shape_cast %swap3A_74 : vector<16xi32> to vector<16xi32>
    %swap3A_76 = vector.shape_cast %get3A_72 : vector<16xi32> to vector<16xi32>
    tpu.vector_store %arg10[%swap3A_73], %swap3A_76 {strides = array<i32>} : memref<80xi32, #tpu.memory_space<vmem>>, vector<16xi32>,
    %get3A_77 = arith.constant 9872 : index
    %get3A_78 = tpu.vector_load %arg9[%get3A_77] {strides = array<i32>} : memref<10000xi32, #tpu.memory_space<vmem>>, vector<16xi32>,
    %get3A_79 = vector.shape_cast %get3A_78 : vector<16xi32> to vector<16xi32>
    %swap3A_80 = arith.constant 32 : index
    %swap3A_81 = tpu.vector_load %arg10[%swap3A_80] {strides = array<i32>} : memref<80xi32, #tpu.memory_space<vmem>>, vector<16xi32>,
    %swap3A_82 = vector.shape_cast %swap3A_81 : vector<16xi32> to vector<16xi32>
    %swap3A_83 = vector.shape_cast %get3A_79 : vector<16xi32> to vector<16xi32>
    tpu.vector_store %arg10[%swap3A_80], %swap3A_83 {strides = array<i32>} : memref<80xi32, #tpu.memory_space<vmem>>, vector<16xi32>,
    %get3A_84 = arith.constant 9888 : index
    %get3A_85 = tpu.vector_load %arg9[%get3A_84] {strides = array<i32>} : memref<10000xi32, #tpu.memory_space<vmem>>, vector<16xi32>,
    %get3A_86 = vector.shape_cast %get3A_85 : vector<16xi32> to vector<16xi32>
    %swap3A_87 = arith.constant 48 : index
    %swap3A_88 = tpu.vector_load %arg10[%swap3A_87] {strides = array<i32>} : memref<80xi32, #tpu.memory_space<vmem>>, vector<16xi32>,
    %swap3A_89 = vector.shape_cast %swap3A_88 : vector<16xi32> to vector<16xi32>
    %swap3A_90 = vector.shape_cast %get3A_86 : vector<16xi32> to vector<16xi32>
    tpu.vector_store %arg10[%swap3A_87], %swap3A_90 {strides = array<i32>} : memref<80xi32, #tpu.memory_space<vmem>>, vector<16xi32>,
    %get3A_91 = arith.constant 9904 : index
    %get3A_92 = tpu.vector_load %arg9[%get3A_91] {strides = array<i32>} : memref<10000xi32, #tpu.memory_space<vmem>>, vector<16xi32>,
    %get3A_93 = vector.shape_cast %get3A_92 : vector<16xi32> to vector<16xi32>
    %swap3A_94 = arith.constant 64 : index
    %swap3A_95 = tpu.vector_load %arg10[%swap3A_94] {strides = array<i32>} : memref<80xi32, #tpu.memory_space<vmem>>, vector<16xi32>,
    %swap3A_96 = vector.shape_cast %swap3A_95 : vector<16xi32> to vector<16xi32>
    %swap3A_97 = vector.shape_cast %get3A_93 : vector<16xi32> to vector<16xi32>
    tpu.vector_store %arg10[%swap3A_94], %swap3A_97 {strides = array<i32>} : memref<80xi32, #tpu.memory_space<vmem>>, vector<16xi32>,
    %multiple_of3A_98 = arith.constant 9840 : i32
    %multiple_of3A_99 = tpu.assume_multiple %multiple_of3A_98, 8 : i32
    %dma_wait3A_100 = tpu.memref_slice %arg8[%multiple_of3A_99] : memref<10000xi32, #tpu.memory_space<vmem>> -> memref<80xi32, #tpu.memory_space<vmem>>
    %dma_wait3A_101 = arith.constant 0 : i32
    %dma_wait3A_102 = arith.constant 0 : i32
    %dma_wait3A_103 = tpu.memref_slice %arg4[%dma_wait3A_101, %dma_wait3A_102] : memref<10000x128xf32, #tpu.memory_space<hbm>> -> memref<10000x128xf32, #tpu.memory_space<hbm>>
    tpu.wait_indirect_dma semaphore(%arg15 : memref<!tpu.dma_semaphore, #tpu.memory_space<semaphore_mem>>) src(%dma_wait3A_103 : memref<10000x128xf32, #tpu.memory_space<hbm>>) dst(%arg11 : memref<80x128xf32, #tpu.memory_space<vmem>>)
    "tpu.region"() ({
      %run_scoped3A = tpu.sem_alloc : memref<!tpu.dma_semaphore, #tpu.memory_space<semaphore_mem>>
      %dma_start3A_177 = arith.constant 0 : i32
      %dma_start3A_178 = arith.constant 0 : i32
      %dma_start3A_179 = tpu.memref_slice %arg14[%dma_start3A_177, %dma_start3A_178] : memref<10000x128xf32, #tpu.memory_space<vmem_shared>> -> memref<10000x128xf32, #tpu.memory_space<vmem_shared>>
      tpu.enqueue_indirect_dma source(%arg11 : memref<80x128xf32, #tpu.memory_space<vmem>>) target(%dma_start3A_179 : memref<10000x128xf32, #tpu.memory_space<vmem_shared>>) offsets(%arg10 : memref<80xi32, #tpu.memory_space<vmem>>) semaphore(%run_scoped3A : memref<!tpu.dma_semaphore, #tpu.memory_space<semaphore_mem>>) {add = true}
      %dma_wait3A_180 = arith.constant 0 : i32
      %dma_wait3A_181 = arith.constant 0 : i32
      %dma_wait3A_182 = tpu.memref_slice %arg14[%dma_wait3A_180, %dma_wait3A_181] : memref<10000x128xf32, #tpu.memory_space<vmem_shared>> -> memref<10000x128xf32, #tpu.memory_space<vmem_shared>>
      tpu.wait_indirect_dma semaphore(%run_scoped3A : memref<!tpu.dma_semaphore, #tpu.memory_space<semaphore_mem>>) src(%arg11 : memref<80x128xf32, #tpu.memory_space<vmem>>) dst(%dma_wait3A_182 : memref<10000x128xf32, #tpu.memory_space<vmem_shared>>)
      tpu.yield
    }) : () -> ()
    %get3A_104 = arith.constant 9920 : index
    %get3A_105 = tpu.vector_load %arg9[%get3A_104] {strides = array<i32>} : memref<10000xi32, #tpu.memory_space<vmem>>, vector<16xi32>,
    %get3A_106 = vector.shape_cast %get3A_105 : vector<16xi32> to vector<16xi32>
    %swap3A_107 = arith.constant 0 : index
    %swap3A_108 = tpu.vector_load %arg10[%swap3A_107] {strides = array<i32>} : memref<80xi32, #tpu.memory_space<vmem>>, vector<16xi32>,
    %swap3A_109 = vector.shape_cast %swap3A_108 : vector<16xi32> to vector<16xi32>
    %swap3A_110 = vector.shape_cast %get3A_106 : vector<16xi32> to vector<16xi32>
    tpu.vector_store %arg10[%swap3A_107], %swap3A_110 {strides = array<i32>} : memref<80xi32, #tpu.memory_space<vmem>>, vector<16xi32>,
    %get3A_111 = arith.constant 9936 : index
    %get3A_112 = tpu.vector_load %arg9[%get3A_111] {strides = array<i32>} : memref<10000xi32, #tpu.memory_space<vmem>>, vector<16xi32>,
    %get3A_113 = vector.shape_cast %get3A_112 : vector<16xi32> to vector<16xi32>
    %swap3A_114 = arith.constant 16 : index
    %swap3A_115 = tpu.vector_load %arg10[%swap3A_114] {strides = array<i32>} : memref<80xi32, #tpu.memory_space<vmem>>, vector<16xi32>,
    %swap3A_116 = vector.shape_cast %swap3A_115 : vector<16xi32> to vector<16xi32>
    %swap3A_117 = vector.shape_cast %get3A_113 : vector<16xi32> to vector<16xi32>
    tpu.vector_store %arg10[%swap3A_114], %swap3A_117 {strides = array<i32>} : memref<80xi32, #tpu.memory_space<vmem>>, vector<16xi32>,
    %get3A_118 = arith.constant 9952 : index
    %get3A_119 = tpu.vector_load %arg9[%get3A_118] {strides = array<i32>} : memref<10000xi32, #tpu.memory_space<vmem>>, vector<16xi32>,
    %get3A_120 = vector.shape_cast %get3A_119 : vector<16xi32> to vector<16xi32>
    %swap3A_121 = arith.constant 32 : index
    %swap3A_122 = tpu.vector_load %arg10[%swap3A_121] {strides = array<i32>} : memref<80xi32, #tpu.memory_space<vmem>>, vector<16xi32>,
    %swap3A_123 = vector.shape_cast %swap3A_122 : vector<16xi32> to vector<16xi32>
    %swap3A_124 = vector.shape_cast %get3A_120 : vector<16xi32> to vector<16xi32>
    tpu.vector_store %arg10[%swap3A_121], %swap3A_124 {strides = array<i32>} : memref<80xi32, #tpu.memory_space<vmem>>, vector<16xi32>,
    %get3A_125 = arith.constant 9968 : index
    %get3A_126 = tpu.vector_load %arg9[%get3A_125] {strides = array<i32>} : memref<10000xi32, #tpu.memory_space<vmem>>, vector<16xi32>,
    %get3A_127 = vector.shape_cast %get3A_126 : vector<16xi32> to vector<16xi32>
    %swap3A_128 = arith.constant 48 : index
    %swap3A_129 = tpu.vector_load %arg10[%swap3A_128] {strides = array<i32>} : memref<80xi32, #tpu.memory_space<vmem>>, vector<16xi32>,
    %swap3A_130 = vector.shape_cast %swap3A_129 : vector<16xi32> to vector<16xi32>
    %swap3A_131 = vector.shape_cast %get3A_127 : vector<16xi32> to vector<16xi32>
    tpu.vector_store %arg10[%swap3A_128], %swap3A_131 {strides = array<i32>} : memref<80xi32, #tpu.memory_space<vmem>>, vector<16xi32>,
    %get3A_132 = arith.constant 9984 : index
    %get3A_133 = tpu.vector_load %arg9[%get3A_132] {strides = array<i32>} : memref<10000xi32, #tpu.memory_space<vmem>>, vector<16xi32>,
    %get3A_134 = vector.shape_cast %get3A_133 : vector<16xi32> to vector<16xi32>
    %swap3A_135 = arith.constant 64 : index
    %swap3A_136 = tpu.vector_load %arg10[%swap3A_135] {strides = array<i32>} : memref<80xi32, #tpu.memory_space<vmem>>, vector<16xi32>,
    %swap3A_137 = vector.shape_cast %swap3A_136 : vector<16xi32> to vector<16xi32>
    %swap3A_138 = vector.shape_cast %get3A_134 : vector<16xi32> to vector<16xi32>
    tpu.vector_store %arg10[%swap3A_135], %swap3A_138 {strides = array<i32>} : memref<80xi32, #tpu.memory_space<vmem>>, vector<16xi32>,
    %multiple_of3A_139 = arith.constant 9920 : i32
    %multiple_of3A_140 = tpu.assume_multiple %multiple_of3A_139, 8 : i32
    %dma_wait3A_141 = tpu.memref_slice %arg8[%multiple_of3A_140] : memref<10000xi32, #tpu.memory_space<vmem>> -> memref<80xi32, #tpu.memory_space<vmem>>
    %dma_wait3A_142 = arith.constant 0 : i32
    %dma_wait3A_143 = arith.constant 0 : i32
    %dma_wait3A_144 = tpu.memref_slice %arg4[%dma_wait3A_142, %dma_wait3A_143] : memref<10000x128xf32, #tpu.memory_space<hbm>> -> memref<10000x128xf32, #tpu.memory_space<hbm>>
    tpu.wait_indirect_dma semaphore(%arg16 : memref<!tpu.dma_semaphore, #tpu.memory_space<semaphore_mem>>) src(%dma_wait3A_144 : memref<10000x128xf32, #tpu.memory_space<hbm>>) dst(%arg12 : memref<80x128xf32, #tpu.memory_space<vmem>>)
    "tpu.region"() ({
      %run_scoped3A = tpu.sem_alloc : memref<!tpu.dma_semaphore, #tpu.memory_space<semaphore_mem>>
      %dma_start3A_177 = arith.constant 0 : i32
      %dma_start3A_178 = arith.constant 0 : i32
      %dma_start3A_179 = tpu.memref_slice %arg14[%dma_start3A_177, %dma_start3A_178] : memref<10000x128xf32, #tpu.memory_space<vmem_shared>> -> memref<10000x128xf32, #tpu.memory_space<vmem_shared>>
      tpu.enqueue_indirect_dma source(%arg12 : memref<80x128xf32, #tpu.memory_space<vmem>>) target(%dma_start3A_179 : memref<10000x128xf32, #tpu.memory_space<vmem_shared>>) offsets(%arg10 : memref<80xi32, #tpu.memory_space<vmem>>) semaphore(%run_scoped3A : memref<!tpu.dma_semaphore, #tpu.memory_space<semaphore_mem>>) {add = true}
      %dma_wait3A_180 = arith.constant 0 : i32
      %dma_wait3A_181 = arith.constant 0 : i32
      %dma_wait3A_182 = tpu.memref_slice %arg14[%dma_wait3A_180, %dma_wait3A_181] : memref<10000x128xf32, #tpu.memory_space<vmem_shared>> -> memref<10000x128xf32, #tpu.memory_space<vmem_shared>>
      tpu.wait_indirect_dma semaphore(%run_scoped3A : memref<!tpu.dma_semaphore, #tpu.memory_space<semaphore_mem>>) src(%arg12 : memref<80x128xf32, #tpu.memory_space<vmem>>) dst(%dma_wait3A_182 : memref<10000x128xf32, #tpu.memory_space<vmem_shared>>)
      tpu.yield
    }) : () -> ()
    %barrier3A_145 = arith.constant 0 : index
    tpu.barrier barrier_id(%barrier3A_145)
    %eq3A_146 = arith.constant 0 : i32
    %eq3A_147 = arith.cmpi eq, %arg0, %eq3A_146 : i32
    %lt3A_148 = arith.constant 15 : i32
    %lt3A_149 = arith.cmpi slt, %arg1, %lt3A_148 : i32
    %and3A = arith.andi %eq3A_147, %lt3A_149 : i1
    %convert_element_type3A_150 = arith.extui %and3A : i1 to i32
    %cond3A_151 = arith.constant 0 : i32
    %cond3A_152 = arith.cmpi ne, %convert_element_type3A_150, %cond3A_151 : i32
    scf.if %cond3A_152 {
      "tpu.region"() ({
        %run_scoped3A = tpu.sem_alloc : memref<!tpu.dma_semaphore, #tpu.memory_space<semaphore_mem>>
        %dma_start3A_177 = arith.constant 0 : i32
        %dma_start3A_178 = tpu.memref_slice %arg6[%multiple_of3A, %dma_start3A_177] : memref<10000x128xf32, #tpu.memory_space<hbm>> -> memref<640x128xf32, #tpu.memory_space<hbm>>
        %dma_start3A_179 = arith.constant 0 : i32
        %dma_start3A_180 = tpu.memref_slice %arg14[%multiple_of3A, %dma_start3A_179] : memref<10000x128xf32, #tpu.memory_space<vmem_shared>> -> memref<640x128xf32, #tpu.memory_space<vmem_shared>>
        tpu.enqueue_dma source(%dma_start3A_180 : memref<640x128xf32, #tpu.memory_space<vmem_shared>>) target(%dma_start3A_178 : memref<640x128xf32, #tpu.memory_space<hbm>>) target_semaphore(%run_scoped3A : memref<!tpu.dma_semaphore, #tpu.memory_space<semaphore_mem>>)
        %dma_wait3A_181 = arith.constant 0 : i32
        %dma_wait3A_182 = tpu.memref_slice %arg6[%multiple_of3A, %dma_wait3A_181] : memref<10000x128xf32, #tpu.memory_space<hbm>> -> memref<640x128xf32, #tpu.memory_space<hbm>>
        %dma_wait3A_183 = arith.constant 0 : i32
        %dma_wait3A_184 = tpu.memref_slice %arg14[%multiple_of3A, %dma_wait3A_183] : memref<10000x128xf32, #tpu.memory_space<vmem_shared>> -> memref<640x128xf32, #tpu.memory_space<vmem_shared>>
        tpu.wait_dma2 semaphore(%run_scoped3A : memref<!tpu.dma_semaphore, #tpu.memory_space<semaphore_mem>>) src(%dma_wait3A_184 : memref<640x128xf32, #tpu.memory_space<vmem_shared>>) dst(%dma_wait3A_182 : memref<640x128xf32, #tpu.memory_space<hbm>>)
        tpu.yield
      }) : () -> ()
    } else {
    }
    %eq3A_153 = arith.constant 0 : i32
    %eq3A_154 = arith.cmpi eq, %arg0, %eq3A_153 : i32
    %eq3A_155 = arith.constant 15 : i32
    %eq3A_156 = arith.cmpi eq, %arg1, %eq3A_155 : i32
    %and3A_157 = arith.andi %eq3A_154, %eq3A_156 : i1
    %convert_element_type3A_158 = arith.extui %and3A_157 : i1 to i32
    %cond3A_159 = arith.constant 0 : i32
    %cond3A_160 = arith.cmpi ne, %convert_element_type3A_158, %cond3A_159 : i32
    scf.if %cond3A_160 {
      "tpu.region"() ({
        %run_scoped3A = tpu.sem_alloc : memref<!tpu.dma_semaphore, #tpu.memory_space<semaphore_mem>>
        %dma_start3A_177 = arith.constant 9600 : i32
        %dma_start3A_178 = arith.constant 0 : i32
        %dma_start3A_179 = tpu.memref_slice %arg6[%dma_start3A_177, %dma_start3A_178] : memref<10000x128xf32, #tpu.memory_space<hbm>> -> memref<400x128xf32, #tpu.memory_space<hbm>>
        %dma_start3A_180 = arith.constant 9600 : i32
        %dma_start3A_181 = arith.constant 0 : i32
        %dma_start3A_182 = tpu.memref_slice %arg14[%dma_start3A_180, %dma_start3A_181] : memref<10000x128xf32, #tpu.memory_space<vmem_shared>> -> memref<400x128xf32, #tpu.memory_space<vmem_shared>>
        tpu.enqueue_dma source(%dma_start3A_182 : memref<400x128xf32, #tpu.memory_space<vmem_shared>>) target(%dma_start3A_179 : memref<400x128xf32, #tpu.memory_space<hbm>>) target_semaphore(%run_scoped3A : memref<!tpu.dma_semaphore, #tpu.memory_space<semaphore_mem>>)
        %dma_wait3A_183 = arith.constant 9600 : i32
        %dma_wait3A_184 = arith.constant 0 : i32
        %dma_wait3A_185 = tpu.memref_slice %arg6[%dma_wait3A_183, %dma_wait3A_184] : memref<10000x128xf32, #tpu.memory_space<hbm>> -> memref<400x128xf32, #tpu.memory_space<hbm>>
        %dma_wait3A_186 = arith.constant 9600 : i32
        %dma_wait3A_187 = arith.constant 0 : i32
        %dma_wait3A_188 = tpu.memref_slice %arg14[%dma_wait3A_186, %dma_wait3A_187] : memref<10000x128xf32, #tpu.memory_space<vmem_shared>> -> memref<400x128xf32, #tpu.memory_space<vmem_shared>>
        tpu.wait_dma2 semaphore(%run_scoped3A : memref<!tpu.dma_semaphore, #tpu.memory_space<semaphore_mem>>) src(%dma_wait3A_188 : memref<400x128xf32, #tpu.memory_space<vmem_shared>>) dst(%dma_wait3A_185 : memref<400x128xf32, #tpu.memory_space<hbm>>)
        tpu.yield
      }) : () -> ()
    } else {
    }
    %eq3A_161 = arith.constant 1 : i32
    %eq3A_162 = arith.cmpi eq, %arg0, %eq3A_161 : i32
    %lt3A_163 = arith.constant 15 : i32
    %lt3A_164 = arith.cmpi slt, %arg1, %lt3A_163 : i32
    %and3A_165 = arith.andi %eq3A_162, %lt3A_164 : i1
    %convert_element_type3A_166 = arith.extui %and3A_165 : i1 to i32
    %cond3A_167 = arith.constant 0 : i32
    %cond3A_168 = arith.cmpi ne, %convert_element_type3A_166, %cond3A_167 : i32
    scf.if %cond3A_168 {
      "tpu.region"() ({
        %run_scoped3A = tpu.sem_alloc : memref<!tpu.dma_semaphore, #tpu.memory_space<semaphore_mem>>
        %dma_start3A_177 = arith.constant 0 : i32
        %dma_start3A_178 = tpu.memref_slice %arg7[%multiple_of3A, %dma_start3A_177] : memref<10000x128xf32, #tpu.memory_space<hbm>> -> memref<640x128xf32, #tpu.memory_space<hbm>>
        %dma_start3A_179 = arith.constant 0 : i32
        %dma_start3A_180 = tpu.memref_slice %arg14[%multiple_of3A, %dma_start3A_179] : memref<10000x128xf32, #tpu.memory_space<vmem_shared>> -> memref<640x128xf32, #tpu.memory_space<vmem_shared>>
        tpu.enqueue_dma source(%dma_start3A_180 : memref<640x128xf32, #tpu.memory_space<vmem_shared>>) target(%dma_start3A_178 : memref<640x128xf32, #tpu.memory_space<hbm>>) target_semaphore(%run_scoped3A : memref<!tpu.dma_semaphore, #tpu.memory_space<semaphore_mem>>)
        %dma_wait3A_181 = arith.constant 0 : i32
        %dma_wait3A_182 = tpu.memref_slice %arg7[%multiple_of3A, %dma_wait3A_181] : memref<10000x128xf32, #tpu.memory_space<hbm>> -> memref<640x128xf32, #tpu.memory_space<hbm>>
        %dma_wait3A_183 = arith.constant 0 : i32
        %dma_wait3A_184 = tpu.memref_slice %arg14[%multiple_of3A, %dma_wait3A_183] : memref<10000x128xf32, #tpu.memory_space<vmem_shared>> -> memref<640x128xf32, #tpu.memory_space<vmem_shared>>
        tpu.wait_dma2 semaphore(%run_scoped3A : memref<!tpu.dma_semaphore, #tpu.memory_space<semaphore_mem>>) src(%dma_wait3A_184 : memref<640x128xf32, #tpu.memory_space<vmem_shared>>) dst(%dma_wait3A_182 : memref<640x128xf32, #tpu.memory_space<hbm>>)
        tpu.yield
      }) : () -> ()
    } else {
    }
    %eq3A_169 = arith.constant 1 : i32
    %eq3A_170 = arith.cmpi eq, %arg0, %eq3A_169 : i32
    %eq3A_171 = arith.constant 15 : i32
    %eq3A_172 = arith.cmpi eq, %arg1, %eq3A_171 : i32
    %and3A_173 = arith.andi %eq3A_170, %eq3A_172 : i1
    %convert_element_type3A_174 = arith.extui %and3A_173 : i1 to i32
    %cond3A_175 = arith.constant 0 : i32
    %cond3A_176 = arith.cmpi ne, %convert_element_type3A_174, %cond3A_175 : i32
    scf.if %cond3A_176 {
      "tpu.region"() ({
        %run_scoped3A = tpu.sem_alloc : memref<!tpu.dma_semaphore, #tpu.memory_space<semaphore_mem>>
        %dma_start3A_177 = arith.constant 9600 : i32
        %dma_start3A_178 = arith.constant 0 : i32
        %dma_start3A_179 = tpu.memref_slice %arg7[%dma_start3A_177, %dma_start3A_178] : memref<10000x128xf32, #tpu.memory_space<hbm>> -> memref<400x128xf32, #tpu.memory_space<hbm>>
        %dma_start3A_180 = arith.constant 9600 : i32
        %dma_start3A_181 = arith.constant 0 : i32
        %dma_start3A_182 = tpu.memref_slice %arg14[%dma_start3A_180, %dma_start3A_181] : memref<10000x128xf32, #tpu.memory_space<vmem_shared>> -> memref<400x128xf32, #tpu.memory_space<vmem_shared>>
        tpu.enqueue_dma source(%dma_start3A_182 : memref<400x128xf32, #tpu.memory_space<vmem_shared>>) target(%dma_start3A_179 : memref<400x128xf32, #tpu.memory_space<hbm>>) target_semaphore(%run_scoped3A : memref<!tpu.dma_semaphore, #tpu.memory_space<semaphore_mem>>)
        %dma_wait3A_183 = arith.constant 9600 : i32
        %dma_wait3A_184 = arith.constant 0 : i32
        %dma_wait3A_185 = tpu.memref_slice %arg7[%dma_wait3A_183, %dma_wait3A_184] : memref<10000x128xf32, #tpu.memory_space<hbm>> -> memref<400x128xf32, #tpu.memory_space<hbm>>
        %dma_wait3A_186 = arith.constant 9600 : i32
        %dma_wait3A_187 = arith.constant 0 : i32
        %dma_wait3A_188 = tpu.memref_slice %arg14[%dma_wait3A_186, %dma_wait3A_187] : memref<10000x128xf32, #tpu.memory_space<vmem_shared>> -> memref<400x128xf32, #tpu.memory_space<vmem_shared>>
        tpu.wait_dma2 semaphore(%run_scoped3A : memref<!tpu.dma_semaphore, #tpu.memory_space<semaphore_mem>>) src(%dma_wait3A_188 : memref<400x128xf32, #tpu.memory_space<vmem_shared>>) dst(%dma_wait3A_185 : memref<400x128xf32, #tpu.memory_space<hbm>>)
        tpu.yield
      }) : () -> ()
    } else {
    }
    return
  }
}

#map = affine_map<(d0, d1) -> (0)>
#map1 = affine_map<(d0, d1) -> (0, 0)>
module attributes {stable_mosaic.version = 14 : i64} {
  func.func @_segsum_sc(%arg0: i32, %arg1: i32, %arg2: memref<160000xi32, #tpu.memory_space<hbm>>, %arg3: memref<160000xi32, #tpu.memory_space<hbm>>, %arg4: memref<10000x128xf32, #tpu.memory_space<hbm>>, %arg5: memref<10000x128xf32, #tpu.memory_space<hbm>>, %arg6: memref<10000x128xf32, #tpu.memory_space<hbm>>, %arg7: memref<10000x128xf32, #tpu.memory_space<hbm>>, %arg8: memref<10000xi32, #tpu.memory_space<vmem>>, %arg9: memref<10000xi32, #tpu.memory_space<vmem>>, %arg10: memref<80xi32, #tpu.memory_space<vmem>>, %arg11: memref<80x128xf32, #tpu.memory_space<vmem>>, %arg12: memref<80x128xf32, #tpu.memory_space<vmem>>, %arg13: memref<80x128xf32, #tpu.memory_space<vmem>>, %arg14: memref<10000x128xf32, #tpu.memory_space<vmem_shared>>, %arg15: memref<!tpu.dma_semaphore, #tpu.memory_space<semaphore_mem>>, %arg16: memref<!tpu.dma_semaphore, #tpu.memory_space<semaphore_mem>>, %arg17: memref<!tpu.dma_semaphore, #tpu.memory_space<semaphore_mem>>) attributes {dimension_semantics = [#tpu.dimension_semantics<core_parallel>, #tpu.dimension_semantics<subcore_parallel>], iteration_bounds = array<i64: 2, 16>, scalar_prefetch = 0 : i64, scratch_operands = 10 : i64, tpu.core_type = #tpu.core_type<sc_vector_subcore>, window_params = [{transform_indices = #map}, {transform_indices = #map}, {transform_indices = #map1}, {transform_indices = #map1}, {transform_indices = #map1}, {transform_indices = #map1}]} {
    %mul3A = arith.constant 640 : i32
    %mul3A_0 = arith.muli %arg1, %mul3A : i32
    %multiple_of3A = tpu.assume_multiple %mul3A_0, 8 : i32
    %mul3A_1 = arith.constant 10000 : i32
    %mul3A_2 = arith.muli %arg1, %mul3A_1 : i32
    %multiple_of3A_3 = tpu.assume_multiple %mul3A_2, 8 : i32
    %dma_start3A = tpu.memref_slice %arg2[%multiple_of3A_3] : memref<160000xi32, #tpu.memory_space<hbm>> -> memref<10000xi32, #tpu.memory_space<hbm>>
    %dma_start3A_4 = tpu.memref_slice %arg2[%multiple_of3A_3] : memref<160000xi32, #tpu.memory_space<hbm>> -> memref<10000xi32, #tpu.memory_space<hbm>>
    tpu.enqueue_dma source(%dma_start3A_4 : memref<10000xi32, #tpu.memory_space<hbm>>) target(%arg8 : memref<10000xi32, #tpu.memory_space<vmem>>) target_semaphore(%arg15 : memref<!tpu.dma_semaphore, #tpu.memory_space<semaphore_mem>>)
    %dma_start3A_5 = tpu.memref_slice %arg3[%multiple_of3A_3] : memref<160000xi32, #tpu.memory_space<hbm>> -> memref<10000xi32, #tpu.memory_space<hbm>>
    %dma_start3A_6 = tpu.memref_slice %arg3[%multiple_of3A_3] : memref<160000xi32, #tpu.memory_space<hbm>> -> memref<10000xi32, #tpu.memory_space<hbm>>
    tpu.enqueue_dma source(%dma_start3A_6 : memref<10000xi32, #tpu.memory_space<hbm>>) target(%arg9 : memref<10000xi32, #tpu.memory_space<vmem>>) target_semaphore(%arg16 : memref<!tpu.dma_semaphore, #tpu.memory_space<semaphore_mem>>)
    %scan3A = arith.constant 0 : i32
    %scan3A_7 = arith.constant 0 : i32
    %scan3A_8 = arith.constant 640 : i32
    %scan3A_9 = arith.addi %scan3A_7, %scan3A_8 : i32
    %scan3A_10 = arith.constant 1 : i32
    %scan3A_11 = scf.for %scan3A_177 = %scan3A_7 to %scan3A_9 step %scan3A_10 iter_args(%scan3A_178 = %scan3A) -> (i32)  : i32 {
      %broadcast_in_dim3A = arith.constant 0.000000e+00 : f32
      %broadcast_in_dim3A_179 = vector.broadcast %broadcast_in_dim3A : f32 to vector<16xf32>
      %jit3A = arith.constant 8 : i32
      %div3A = arith.divsi %scan3A_177, %jit3A : i32
      %sign3A = arith.constant 0 : i32
      %sign3A_180 = arith.cmpi sgt, %scan3A_177, %sign3A : i32
      %sign3A_181 = arith.extui %sign3A_180 : i1 to i32
      %sign3A_182 = arith.constant 0 : i32
      %sign3A_183 = arith.cmpi slt, %scan3A_177, %sign3A_182 : i32
      %sign3A_184 = arith.extui %sign3A_183 : i1 to i32
      %sign3A_185 = arith.subi %sign3A_181, %sign3A_184 : i32
      %sign3A_186 = arith.constant 0 : i32
      %sign3A_187 = arith.cmpi sgt, %jit3A, %sign3A_186 : i32
      %sign3A_188 = arith.extui %sign3A_187 : i1 to i32
      %sign3A_189 = arith.constant 0 : i32
      %sign3A_190 = arith.cmpi slt, %jit3A, %sign3A_189 : i32
      %sign3A_191 = arith.extui %sign3A_190 : i1 to i32
      %sign3A_192 = arith.subi %sign3A_188, %sign3A_191 : i32
      %ne3A = arith.cmpi ne, %sign3A_185, %sign3A_192 : i32
      %rem3A = arith.remsi %scan3A_177, %jit3A : i32
      %ne3A_193 = arith.constant 0 : i32
      %ne3A_194 = arith.cmpi ne, %rem3A, %ne3A_193 : i32
      %and3A_195 = arith.andi %ne3A, %ne3A_194 : i1
      %sub3A = arith.constant 1 : i32
      %sub3A_196 = arith.subi %div3A, %sub3A : i32
      %select_n3A = arith.select %and3A_195, %sub3A_196, %div3A : i32
      %jit3A_197 = arith.constant 8 : i32
      %eq3A_198 = arith.constant 0 : i32
      %eq3A_199 = arith.cmpi eq, %jit3A_197, %eq3A_198 : i32
      %jit3A_200 = arith.constant 1 : i32
      %select_n3A_201 = arith.select %eq3A_199, %jit3A_200, %jit3A_197 : i32
      %rem3A_202 = arith.remsi %scan3A_177, %select_n3A_201 : i32
      %ne3A_203 = arith.constant 0 : i32
      %ne3A_204 = arith.cmpi ne, %rem3A_202, %ne3A_203 : i32
      %lt3A_205 = arith.constant 0 : i32
      %lt3A_206 = arith.cmpi slt, %rem3A_202, %lt3A_205 : i32
      %lt3A_207 = arith.constant 0 : i32
      %lt3A_208 = arith.cmpi slt, %select_n3A_201, %lt3A_207 : i32
      %ne3A_209 = arith.xori %lt3A_206, %lt3A_208 : i1
      %and3A_210 = arith.andi %ne3A_209, %ne3A_204 : i1
      %add3A = arith.addi %rem3A_202, %select_n3A_201 : i32
      %select_n3A_211 = arith.select %and3A_210, %add3A, %rem3A_202 : i32
      %mul3A_212 = arith.constant 16 : i32
      %mul3A_213 = arith.muli %select_n3A_211, %mul3A_212 : i32
      %swap3A_214 = arith.index_cast %select_n3A : i32 to index
      %swap3A_215 = arith.index_cast %mul3A_213 : i32 to index
      %swap3A_216 = tpu.vector_load %arg11[%swap3A_214, %swap3A_215] {strides = array<i32>} : memref<80x128xf32, #tpu.memory_space<vmem>>, vector<1x16xf32>,
      %swap3A_217 = vector.shape_cast %swap3A_216 : vector<1x16xf32> to vector<16xf32>
      %swap3A_218 = vector.shape_cast %broadcast_in_dim3A_179 : vector<16xf32> to vector<1x16xf32>
      tpu.vector_store %arg11[%swap3A_214, %swap3A_215], %swap3A_218 {strides = array<i32>} : memref<80x128xf32, #tpu.memory_space<vmem>>, vector<1x16xf32>,
      %scan3A_219 = arith.constant 0 : i32
      scf.yield %scan3A_219 : i32
    }
    %scan3A_12 = arith.constant 640 : i32
    %lt3A = arith.constant 15 : i32
    %lt3A_13 = arith.cmpi slt, %arg1, %lt3A : i32
    %convert_element_type3A = arith.extui %lt3A_13 : i1 to i32
    %cond3A = arith.constant 0 : i32
    %cond3A_14 = arith.cmpi ne, %convert_element_type3A, %cond3A : i32
    scf.if %cond3A_14 {
      %add3A = arith.constant 0 : i32
      %add3A_177 = arith.addi %multiple_of3A, %add3A : i32
      "tpu.region"() ({
        %run_scoped3A = tpu.sem_alloc : memref<!tpu.dma_semaphore, #tpu.memory_space<semaphore_mem>>
        %dma_start3A_192 = arith.constant 0 : i32
        %dma_start3A_193 = tpu.memref_slice %arg14[%add3A_177, %dma_start3A_192] : memref<10000x128xf32, #tpu.memory_space<vmem_shared>> -> memref<80x128xf32, #tpu.memory_space<vmem_shared>>
        %dma_start3A_194 = arith.constant 0 : i32
        %dma_start3A_195 = tpu.memref_slice %arg14[%add3A_177, %dma_start3A_194] : memref<10000x128xf32, #tpu.memory_space<vmem_shared>> -> memref<80x128xf32, #tpu.memory_space<vmem_shared>>
        tpu.enqueue_dma source(%arg11 : memref<80x128xf32, #tpu.memory_space<vmem>>) target(%dma_start3A_195 : memref<80x128xf32, #tpu.memory_space<vmem_shared>>) target_semaphore(%run_scoped3A : memref<!tpu.dma_semaphore, #tpu.memory_space<semaphore_mem>>)
        %dma_wait3A_196 = arith.constant 0 : i32
        %dma_wait3A_197 = tpu.memref_slice %arg14[%add3A_177, %dma_wait3A_196] : memref<10000x128xf32, #tpu.memory_space<vmem_shared>> -> memref<80x128xf32, #tpu.memory_space<vmem_shared>>
        %dma_wait3A_198 = arith.constant 0 : i32
        %dma_wait3A_199 = tpu.memref_slice %arg14[%add3A_177, %dma_wait3A_198] : memref<10000x128xf32, #tpu.memory_space<vmem_shared>> -> memref<80x128xf32, #tpu.memory_space<vmem_shared>>
        tpu.wait_dma2 semaphore(%run_scoped3A : memref<!tpu.dma_semaphore, #tpu.memory_space<semaphore_mem>>) src(%arg11 : memref<80x128xf32, #tpu.memory_space<vmem>>) dst(%dma_wait3A_199 : memref<80x128xf32, #tpu.memory_space<vmem_shared>>)
        tpu.yield
      }) : () -> ()
      %add3A_178 = arith.constant 80 : i32
      %add3A_179 = arith.addi %multiple_of3A, %add3A_178 : i32
      "tpu.region"() ({
        %run_scoped3A = tpu.sem_alloc : memref<!tpu.dma_semaphore, #tpu.memory_space<semaphore_mem>>
        %dma_start3A_192 = arith.constant 0 : i32
        %dma_start3A_193 = tpu.memref_slice %arg14[%add3A_179, %dma_start3A_192] : memref<10000x128xf32, #tpu.memory_space<vmem_shared>> -> memref<80x128xf32, #tpu.memory_space<vmem_shared>>
        %dma_start3A_194 = arith.constant 0 : i32
        %dma_start3A_195 = tpu.memref_slice %arg14[%add3A_179, %dma_start3A_194] : memref<10000x128xf32, #tpu.memory_space<vmem_shared>> -> memref<80x128xf32, #tpu.memory_space<vmem_shared>>
        tpu.enqueue_dma source(%arg11 : memref<80x128xf32, #tpu.memory_space<vmem>>) target(%dma_start3A_195 : memref<80x128xf32, #tpu.memory_space<vmem_shared>>) target_semaphore(%run_scoped3A : memref<!tpu.dma_semaphore, #tpu.memory_space<semaphore_mem>>)
        %dma_wait3A_196 = arith.constant 0 : i32
        %dma_wait3A_197 = tpu.memref_slice %arg14[%add3A_179, %dma_wait3A_196] : memref<10000x128xf32, #tpu.memory_space<vmem_shared>> -> memref<80x128xf32, #tpu.memory_space<vmem_shared>>
        %dma_wait3A_198 = arith.constant 0 : i32
        %dma_wait3A_199 = tpu.memref_slice %arg14[%add3A_179, %dma_wait3A_198] : memref<10000x128xf32, #tpu.memory_space<vmem_shared>> -> memref<80x128xf32, #tpu.memory_space<vmem_shared>>
        tpu.wait_dma2 semaphore(%run_scoped3A : memref<!tpu.dma_semaphore, #tpu.memory_space<semaphore_mem>>) src(%arg11 : memref<80x128xf32, #tpu.memory_space<vmem>>) dst(%dma_wait3A_199 : memref<80x128xf32, #tpu.memory_space<vmem_shared>>)
        tpu.yield
      }) : () -> ()
      %add3A_180 = arith.constant 160 : i32
      %add3A_181 = arith.addi %multiple_of3A, %add3A_180 : i32
      "tpu.region"() ({
        %run_scoped3A = tpu.sem_alloc : memref<!tpu.dma_semaphore, #tpu.memory_space<semaphore_mem>>
        %dma_start3A_192 = arith.constant 0 : i32
        %dma_start3A_193 = tpu.memref_slice %arg14[%add3A_181, %dma_start3A_192] : memref<10000x128xf32, #tpu.memory_space<vmem_shared>> -> memref<80x128xf32, #tpu.memory_space<vmem_shared>>
        %dma_start3A_194 = arith.constant 0 : i32
        %dma_start3A_195 = tpu.memref_slice %arg14[%add3A_181, %dma_start3A_194] : memref<10000x128xf32, #tpu.memory_space<vmem_shared>> -> memref<80x128xf32, #tpu.memory_space<vmem_shared>>
        tpu.enqueue_dma source(%arg11 : memref<80x128xf32, #tpu.memory_space<vmem>>) target(%dma_start3A_195 : memref<80x128xf32, #tpu.memory_space<vmem_shared>>) target_semaphore(%run_scoped3A : memref<!tpu.dma_semaphore, #tpu.memory_space<semaphore_mem>>)
        %dma_wait3A_196 = arith.constant 0 : i32
        %dma_wait3A_197 = tpu.memref_slice %arg14[%add3A_181, %dma_wait3A_196] : memref<10000x128xf32, #tpu.memory_space<vmem_shared>> -> memref<80x128xf32, #tpu.memory_space<vmem_shared>>
        %dma_wait3A_198 = arith.constant 0 : i32
        %dma_wait3A_199 = tpu.memref_slice %arg14[%add3A_181, %dma_wait3A_198] : memref<10000x128xf32, #tpu.memory_space<vmem_shared>> -> memref<80x128xf32, #tpu.memory_space<vmem_shared>>
        tpu.wait_dma2 semaphore(%run_scoped3A : memref<!tpu.dma_semaphore, #tpu.memory_space<semaphore_mem>>) src(%arg11 : memref<80x128xf32, #tpu.memory_space<vmem>>) dst(%dma_wait3A_199 : memref<80x128xf32, #tpu.memory_space<vmem_shared>>)
        tpu.yield
      }) : () -> ()
      %add3A_182 = arith.constant 240 : i32
      %add3A_183 = arith.addi %multiple_of3A, %add3A_182 : i32
      "tpu.region"() ({
        %run_scoped3A = tpu.sem_alloc : memref<!tpu.dma_semaphore, #tpu.memory_space<semaphore_mem>>
        %dma_start3A_192 = arith.constant 0 : i32
        %dma_start3A_193 = tpu.memref_slice %arg14[%add3A_183, %dma_start3A_192] : memref<10000x128xf32, #tpu.memory_space<vmem_shared>> -> memref<80x128xf32, #tpu.memory_space<vmem_shared>>
        %dma_start3A_194 = arith.constant 0 : i32
        %dma_start3A_195 = tpu.memref_slice %arg14[%add3A_183, %dma_start3A_194] : memref<10000x128xf32, #tpu.memory_space<vmem_shared>> -> memref<80x128xf32, #tpu.memory_space<vmem_shared>>
        tpu.enqueue_dma source(%arg11 : memref<80x128xf32, #tpu.memory_space<vmem>>) target(%dma_start3A_195 : memref<80x128xf32, #tpu.memory_space<vmem_shared>>) target_semaphore(%run_scoped3A : memref<!tpu.dma_semaphore, #tpu.memory_space<semaphore_mem>>)
        %dma_wait3A_196 = arith.constant 0 : i32
        %dma_wait3A_197 = tpu.memref_slice %arg14[%add3A_183, %dma_wait3A_196] : memref<10000x128xf32, #tpu.memory_space<vmem_shared>> -> memref<80x128xf32, #tpu.memory_space<vmem_shared>>
        %dma_wait3A_198 = arith.constant 0 : i32
        %dma_wait3A_199 = tpu.memref_slice %arg14[%add3A_183, %dma_wait3A_198] : memref<10000x128xf32, #tpu.memory_space<vmem_shared>> -> memref<80x128xf32, #tpu.memory_space<vmem_shared>>
        tpu.wait_dma2 semaphore(%run_scoped3A : memref<!tpu.dma_semaphore, #tpu.memory_space<semaphore_mem>>) src(%arg11 : memref<80x128xf32, #tpu.memory_space<vmem>>) dst(%dma_wait3A_199 : memref<80x128xf32, #tpu.memory_space<vmem_shared>>)
        tpu.yield
      }) : () -> ()
      %add3A_184 = arith.constant 320 : i32
      %add3A_185 = arith.addi %multiple_of3A, %add3A_184 : i32
      "tpu.region"() ({
        %run_scoped3A = tpu.sem_alloc : memref<!tpu.dma_semaphore, #tpu.memory_space<semaphore_mem>>
        %dma_start3A_192 = arith.constant 0 : i32
        %dma_start3A_193 = tpu.memref_slice %arg14[%add3A_185, %dma_start3A_192] : memref<10000x128xf32, #tpu.memory_space<vmem_shared>> -> memref<80x128xf32, #tpu.memory_space<vmem_shared>>
        %dma_start3A_194 = arith.constant 0 : i32
        %dma_start3A_195 = tpu.memref_slice %arg14[%add3A_185, %dma_start3A_194] : memref<10000x128xf32, #tpu.memory_space<vmem_shared>> -> memref<80x128xf32, #tpu.memory_space<vmem_shared>>
        tpu.enqueue_dma source(%arg11 : memref<80x128xf32, #tpu.memory_space<vmem>>) target(%dma_start3A_195 : memref<80x128xf32, #tpu.memory_space<vmem_shared>>) target_semaphore(%run_scoped3A : memref<!tpu.dma_semaphore, #tpu.memory_space<semaphore_mem>>)
        %dma_wait3A_196 = arith.constant 0 : i32
        %dma_wait3A_197 = tpu.memref_slice %arg14[%add3A_185, %dma_wait3A_196] : memref<10000x128xf32, #tpu.memory_space<vmem_shared>> -> memref<80x128xf32, #tpu.memory_space<vmem_shared>>
        %dma_wait3A_198 = arith.constant 0 : i32
        %dma_wait3A_199 = tpu.memref_slice %arg14[%add3A_185, %dma_wait3A_198] : memref<10000x128xf32, #tpu.memory_space<vmem_shared>> -> memref<80x128xf32, #tpu.memory_space<vmem_shared>>
        tpu.wait_dma2 semaphore(%run_scoped3A : memref<!tpu.dma_semaphore, #tpu.memory_space<semaphore_mem>>) src(%arg11 : memref<80x128xf32, #tpu.memory_space<vmem>>) dst(%dma_wait3A_199 : memref<80x128xf32, #tpu.memory_space<vmem_shared>>)
        tpu.yield
      }) : () -> ()
      %add3A_186 = arith.constant 400 : i32
      %add3A_187 = arith.addi %multiple_of3A, %add3A_186 : i32
      "tpu.region"() ({
        %run_scoped3A = tpu.sem_alloc : memref<!tpu.dma_semaphore, #tpu.memory_space<semaphore_mem>>
        %dma_start3A_192 = arith.constant 0 : i32
        %dma_start3A_193 = tpu.memref_slice %arg14[%add3A_187, %dma_start3A_192] : memref<10000x128xf32, #tpu.memory_space<vmem_shared>> -> memref<80x128xf32, #tpu.memory_space<vmem_shared>>
        %dma_start3A_194 = arith.constant 0 : i32
        %dma_start3A_195 = tpu.memref_slice %arg14[%add3A_187, %dma_start3A_194] : memref<10000x128xf32, #tpu.memory_space<vmem_shared>> -> memref<80x128xf32, #tpu.memory_space<vmem_shared>>
        tpu.enqueue_dma source(%arg11 : memref<80x128xf32, #tpu.memory_space<vmem>>) target(%dma_start3A_195 : memref<80x128xf32, #tpu.memory_space<vmem_shared>>) target_semaphore(%run_scoped3A : memref<!tpu.dma_semaphore, #tpu.memory_space<semaphore_mem>>)
        %dma_wait3A_196 = arith.constant 0 : i32
        %dma_wait3A_197 = tpu.memref_slice %arg14[%add3A_187, %dma_wait3A_196] : memref<10000x128xf32, #tpu.memory_space<vmem_shared>> -> memref<80x128xf32, #tpu.memory_space<vmem_shared>>
        %dma_wait3A_198 = arith.constant 0 : i32
        %dma_wait3A_199 = tpu.memref_slice %arg14[%add3A_187, %dma_wait3A_198] : memref<10000x128xf32, #tpu.memory_space<vmem_shared>> -> memref<80x128xf32, #tpu.memory_space<vmem_shared>>
        tpu.wait_dma2 semaphore(%run_scoped3A : memref<!tpu.dma_semaphore, #tpu.memory_space<semaphore_mem>>) src(%arg11 : memref<80x128xf32, #tpu.memory_space<vmem>>) dst(%dma_wait3A_199 : memref<80x128xf32, #tpu.memory_space<vmem_shared>>)
        tpu.yield
      }) : () -> ()
      %add3A_188 = arith.constant 480 : i32
      %add3A_189 = arith.addi %multiple_of3A, %add3A_188 : i32
      "tpu.region"() ({
        %run_scoped3A = tpu.sem_alloc : memref<!tpu.dma_semaphore, #tpu.memory_space<semaphore_mem>>
        %dma_start3A_192 = arith.constant 0 : i32
        %dma_start3A_193 = tpu.memref_slice %arg14[%add3A_189, %dma_start3A_192] : memref<10000x128xf32, #tpu.memory_space<vmem_shared>> -> memref<80x128xf32, #tpu.memory_space<vmem_shared>>
        %dma_start3A_194 = arith.constant 0 : i32
        %dma_start3A_195 = tpu.memref_slice %arg14[%add3A_189, %dma_start3A_194] : memref<10000x128xf32, #tpu.memory_space<vmem_shared>> -> memref<80x128xf32, #tpu.memory_space<vmem_shared>>
        tpu.enqueue_dma source(%arg11 : memref<80x128xf32, #tpu.memory_space<vmem>>) target(%dma_start3A_195 : memref<80x128xf32, #tpu.memory_space<vmem_shared>>) target_semaphore(%run_scoped3A : memref<!tpu.dma_semaphore, #tpu.memory_space<semaphore_mem>>)
        %dma_wait3A_196 = arith.constant 0 : i32
        %dma_wait3A_197 = tpu.memref_slice %arg14[%add3A_189, %dma_wait3A_196] : memref<10000x128xf32, #tpu.memory_space<vmem_shared>> -> memref<80x128xf32, #tpu.memory_space<vmem_shared>>
        %dma_wait3A_198 = arith.constant 0 : i32
        %dma_wait3A_199 = tpu.memref_slice %arg14[%add3A_189, %dma_wait3A_198] : memref<10000x128xf32, #tpu.memory_space<vmem_shared>> -> memref<80x128xf32, #tpu.memory_space<vmem_shared>>
        tpu.wait_dma2 semaphore(%run_scoped3A : memref<!tpu.dma_semaphore, #tpu.memory_space<semaphore_mem>>) src(%arg11 : memref<80x128xf32, #tpu.memory_space<vmem>>) dst(%dma_wait3A_199 : memref<80x128xf32, #tpu.memory_space<vmem_shared>>)
        tpu.yield
      }) : () -> ()
      %add3A_190 = arith.constant 560 : i32
      %add3A_191 = arith.addi %multiple_of3A, %add3A_190 : i32
      "tpu.region"() ({
        %run_scoped3A = tpu.sem_alloc : memref<!tpu.dma_semaphore, #tpu.memory_space<semaphore_mem>>
        %dma_start3A_192 = arith.constant 0 : i32
        %dma_start3A_193 = tpu.memref_slice %arg14[%add3A_191, %dma_start3A_192] : memref<10000x128xf32, #tpu.memory_space<vmem_shared>> -> memref<80x128xf32, #tpu.memory_space<vmem_shared>>
        %dma_start3A_194 = arith.constant 0 : i32
        %dma_start3A_195 = tpu.memref_slice %arg14[%add3A_191, %dma_start3A_194] : memref<10000x128xf32, #tpu.memory_space<vmem_shared>> -> memref<80x128xf32, #tpu.memory_space<vmem_shared>>
        tpu.enqueue_dma source(%arg11 : memref<80x128xf32, #tpu.memory_space<vmem>>) target(%dma_start3A_195 : memref<80x128xf32, #tpu.memory_space<vmem_shared>>) target_semaphore(%run_scoped3A : memref<!tpu.dma_semaphore, #tpu.memory_space<semaphore_mem>>)
        %dma_wait3A_196 = arith.constant 0 : i32
        %dma_wait3A_197 = tpu.memref_slice %arg14[%add3A_191, %dma_wait3A_196] : memref<10000x128xf32, #tpu.memory_space<vmem_shared>> -> memref<80x128xf32, #tpu.memory_space<vmem_shared>>
        %dma_wait3A_198 = arith.constant 0 : i32
        %dma_wait3A_199 = tpu.memref_slice %arg14[%add3A_191, %dma_wait3A_198] : memref<10000x128xf32, #tpu.memory_space<vmem_shared>> -> memref<80x128xf32, #tpu.memory_space<vmem_shared>>
        tpu.wait_dma2 semaphore(%run_scoped3A : memref<!tpu.dma_semaphore, #tpu.memory_space<semaphore_mem>>) src(%arg11 : memref<80x128xf32, #tpu.memory_space<vmem>>) dst(%dma_wait3A_199 : memref<80x128xf32, #tpu.memory_space<vmem_shared>>)
        tpu.yield
      }) : () -> ()
    } else {
    }
    %eq3A = arith.constant 15 : i32
    %eq3A_15 = arith.cmpi eq, %arg1, %eq3A : i32
    %convert_element_type3A_16 = arith.extui %eq3A_15 : i1 to i32
    %cond3A_17 = arith.constant 0 : i32
    %cond3A_18 = arith.cmpi ne, %convert_element_type3A_16, %cond3A_17 : i32
    scf.if %cond3A_18 {
      "tpu.region"() ({
        %run_scoped3A = tpu.sem_alloc : memref<!tpu.dma_semaphore, #tpu.memory_space<semaphore_mem>>
        %dma_start3A_177 = arith.constant 9600 : i32
        %dma_start3A_178 = arith.constant 0 : i32
        %dma_start3A_179 = tpu.memref_slice %arg14[%dma_start3A_177, %dma_start3A_178] : memref<10000x128xf32, #tpu.memory_space<vmem_shared>> -> memref<80x128xf32, #tpu.memory_space<vmem_shared>>
        %dma_start3A_180 = arith.constant 9600 : i32
        %dma_start3A_181 = arith.constant 0 : i32
        %dma_start3A_182 = tpu.memref_slice %arg14[%dma_start3A_180, %dma_start3A_181] : memref<10000x128xf32, #tpu.memory_space<vmem_shared>> -> memref<80x128xf32, #tpu.memory_space<vmem_shared>>
        tpu.enqueue_dma source(%arg11 : memref<80x128xf32, #tpu.memory_space<vmem>>) target(%dma_start3A_182 : memref<80x128xf32, #tpu.memory_space<vmem_shared>>) target_semaphore(%run_scoped3A : memref<!tpu.dma_semaphore, #tpu.memory_space<semaphore_mem>>)
        %dma_wait3A_183 = arith.constant 9600 : i32
        %dma_wait3A_184 = arith.constant 0 : i32
        %dma_wait3A_185 = tpu.memref_slice %arg14[%dma_wait3A_183, %dma_wait3A_184] : memref<10000x128xf32, #tpu.memory_space<vmem_shared>> -> memref<80x128xf32, #tpu.memory_space<vmem_shared>>
        %dma_wait3A_186 = arith.constant 9600 : i32
        %dma_wait3A_187 = arith.constant 0 : i32
        %dma_wait3A_188 = tpu.memref_slice %arg14[%dma_wait3A_186, %dma_wait3A_187] : memref<10000x128xf32, #tpu.memory_space<vmem_shared>> -> memref<80x128xf32, #tpu.memory_space<vmem_shared>>
        tpu.wait_dma2 semaphore(%run_scoped3A : memref<!tpu.dma_semaphore, #tpu.memory_space<semaphore_mem>>) src(%arg11 : memref<80x128xf32, #tpu.memory_space<vmem>>) dst(%dma_wait3A_188 : memref<80x128xf32, #tpu.memory_space<vmem_shared>>)
        tpu.yield
      }) : () -> ()
      "tpu.region"() ({
        %run_scoped3A = tpu.sem_alloc : memref<!tpu.dma_semaphore, #tpu.memory_space<semaphore_mem>>
        %dma_start3A_177 = arith.constant 9680 : i32
        %dma_start3A_178 = arith.constant 0 : i32
        %dma_start3A_179 = tpu.memref_slice %arg14[%dma_start3A_177, %dma_start3A_178] : memref<10000x128xf32, #tpu.memory_space<vmem_shared>> -> memref<80x128xf32, #tpu.memory_space<vmem_shared>>
        %dma_start3A_180 = arith.constant 9680 : i32
        %dma_start3A_181 = arith.constant 0 : i32
        %dma_start3A_182 = tpu.memref_slice %arg14[%dma_start3A_180, %dma_start3A_181] : memref<10000x128xf32, #tpu.memory_space<vmem_shared>> -> memref<80x128xf32, #tpu.memory_space<vmem_shared>>
        tpu.enqueue_dma source(%arg11 : memref<80x128xf32, #tpu.memory_space<vmem>>) target(%dma_start3A_182 : memref<80x128xf32, #tpu.memory_space<vmem_shared>>) target_semaphore(%run_scoped3A : memref<!tpu.dma_semaphore, #tpu.memory_space<semaphore_mem>>)
        %dma_wait3A_183 = arith.constant 9680 : i32
        %dma_wait3A_184 = arith.constant 0 : i32
        %dma_wait3A_185 = tpu.memref_slice %arg14[%dma_wait3A_183, %dma_wait3A_184] : memref<10000x128xf32, #tpu.memory_space<vmem_shared>> -> memref<80x128xf32, #tpu.memory_space<vmem_shared>>
        %dma_wait3A_186 = arith.constant 9680 : i32
        %dma_wait3A_187 = arith.constant 0 : i32
        %dma_wait3A_188 = tpu.memref_slice %arg14[%dma_wait3A_186, %dma_wait3A_187] : memref<10000x128xf32, #tpu.memory_space<vmem_shared>> -> memref<80x128xf32, #tpu.memory_space<vmem_shared>>
        tpu.wait_dma2 semaphore(%run_scoped3A : memref<!tpu.dma_semaphore, #tpu.memory_space<semaphore_mem>>) src(%arg11 : memref<80x128xf32, #tpu.memory_space<vmem>>) dst(%dma_wait3A_188 : memref<80x128xf32, #tpu.memory_space<vmem_shared>>)
        tpu.yield
      }) : () -> ()
      "tpu.region"() ({
        %run_scoped3A = tpu.sem_alloc : memref<!tpu.dma_semaphore, #tpu.memory_space<semaphore_mem>>
        %dma_start3A_177 = arith.constant 9760 : i32
        %dma_start3A_178 = arith.constant 0 : i32
        %dma_start3A_179 = tpu.memref_slice %arg14[%dma_start3A_177, %dma_start3A_178] : memref<10000x128xf32, #tpu.memory_space<vmem_shared>> -> memref<80x128xf32, #tpu.memory_space<vmem_shared>>
        %dma_start3A_180 = arith.constant 9760 : i32
        %dma_start3A_181 = arith.constant 0 : i32
        %dma_start3A_182 = tpu.memref_slice %arg14[%dma_start3A_180, %dma_start3A_181] : memref<10000x128xf32, #tpu.memory_space<vmem_shared>> -> memref<80x128xf32, #tpu.memory_space<vmem_shared>>
        tpu.enqueue_dma source(%arg11 : memref<80x128xf32, #tpu.memory_space<vmem>>) target(%dma_start3A_182 : memref<80x128xf32, #tpu.memory_space<vmem_shared>>) target_semaphore(%run_scoped3A : memref<!tpu.dma_semaphore, #tpu.memory_space<semaphore_mem>>)
        %dma_wait3A_183 = arith.constant 9760 : i32
        %dma_wait3A_184 = arith.constant 0 : i32
        %dma_wait3A_185 = tpu.memref_slice %arg14[%dma_wait3A_183, %dma_wait3A_184] : memref<10000x128xf32, #tpu.memory_space<vmem_shared>> -> memref<80x128xf32, #tpu.memory_space<vmem_shared>>
        %dma_wait3A_186 = arith.constant 9760 : i32
        %dma_wait3A_187 = arith.constant 0 : i32
        %dma_wait3A_188 = tpu.memref_slice %arg14[%dma_wait3A_186, %dma_wait3A_187] : memref<10000x128xf32, #tpu.memory_space<vmem_shared>> -> memref<80x128xf32, #tpu.memory_space<vmem_shared>>
        tpu.wait_dma2 semaphore(%run_scoped3A : memref<!tpu.dma_semaphore, #tpu.memory_space<semaphore_mem>>) src(%arg11 : memref<80x128xf32, #tpu.memory_space<vmem>>) dst(%dma_wait3A_188 : memref<80x128xf32, #tpu.memory_space<vmem_shared>>)
        tpu.yield
      }) : () -> ()
      "tpu.region"() ({
        %run_scoped3A = tpu.sem_alloc : memref<!tpu.dma_semaphore, #tpu.memory_space<semaphore_mem>>
        %dma_start3A_177 = arith.constant 9840 : i32
        %dma_start3A_178 = arith.constant 0 : i32
        %dma_start3A_179 = tpu.memref_slice %arg14[%dma_start3A_177, %dma_start3A_178] : memref<10000x128xf32, #tpu.memory_space<vmem_shared>> -> memref<80x128xf32, #tpu.memory_space<vmem_shared>>
        %dma_start3A_180 = arith.constant 9840 : i32
        %dma_start3A_181 = arith.constant 0 : i32
        %dma_start3A_182 = tpu.memref_slice %arg14[%dma_start3A_180, %dma_start3A_181] : memref<10000x128xf32, #tpu.memory_space<vmem_shared>> -> memref<80x128xf32, #tpu.memory_space<vmem_shared>>
        tpu.enqueue_dma source(%arg11 : memref<80x128xf32, #tpu.memory_space<vmem>>) target(%dma_start3A_182 : memref<80x128xf32, #tpu.memory_space<vmem_shared>>) target_semaphore(%run_scoped3A : memref<!tpu.dma_semaphore, #tpu.memory_space<semaphore_mem>>)
        %dma_wait3A_183 = arith.constant 9840 : i32
        %dma_wait3A_184 = arith.constant 0 : i32
        %dma_wait3A_185 = tpu.memref_slice %arg14[%dma_wait3A_183, %dma_wait3A_184] : memref<10000x128xf32, #tpu.memory_space<vmem_shared>> -> memref<80x128xf32, #tpu.memory_space<vmem_shared>>
        %dma_wait3A_186 = arith.constant 9840 : i32
        %dma_wait3A_187 = arith.constant 0 : i32
        %dma_wait3A_188 = tpu.memref_slice %arg14[%dma_wait3A_186, %dma_wait3A_187] : memref<10000x128xf32, #tpu.memory_space<vmem_shared>> -> memref<80x128xf32, #tpu.memory_space<vmem_shared>>
        tpu.wait_dma2 semaphore(%run_scoped3A : memref<!tpu.dma_semaphore, #tpu.memory_space<semaphore_mem>>) src(%arg11 : memref<80x128xf32, #tpu.memory_space<vmem>>) dst(%dma_wait3A_188 : memref<80x128xf32, #tpu.memory_space<vmem_shared>>)
        tpu.yield
      }) : () -> ()
      "tpu.region"() ({
        %run_scoped3A = tpu.sem_alloc : memref<!tpu.dma_semaphore, #tpu.memory_space<semaphore_mem>>
        %dma_start3A_177 = arith.constant 9920 : i32
        %dma_start3A_178 = arith.constant 0 : i32
        %dma_start3A_179 = tpu.memref_slice %arg14[%dma_start3A_177, %dma_start3A_178] : memref<10000x128xf32, #tpu.memory_space<vmem_shared>> -> memref<80x128xf32, #tpu.memory_space<vmem_shared>>
        %dma_start3A_180 = arith.constant 9920 : i32
        %dma_start3A_181 = arith.constant 0 : i32
        %dma_start3A_182 = tpu.memref_slice %arg14[%dma_start3A_180, %dma_start3A_181] : memref<10000x128xf32, #tpu.memory_space<vmem_shared>> -> memref<80x128xf32, #tpu.memory_space<vmem_shared>>
        tpu.enqueue_dma source(%arg11 : memref<80x128xf32, #tpu.memory_space<vmem>>) target(%dma_start3A_182 : memref<80x128xf32, #tpu.memory_space<vmem_shared>>) target_semaphore(%run_scoped3A : memref<!tpu.dma_semaphore, #tpu.memory_space<semaphore_mem>>)
        %dma_wait3A_183 = arith.constant 9920 : i32
        %dma_wait3A_184 = arith.constant 0 : i32
        %dma_wait3A_185 = tpu.memref_slice %arg14[%dma_wait3A_183, %dma_wait3A_184] : memref<10000x128xf32, #tpu.memory_space<vmem_shared>> -> memref<80x128xf32, #tpu.memory_space<vmem_shared>>
        %dma_wait3A_186 = arith.constant 9920 : i32
        %dma_wait3A_187 = arith.constant 0 : i32
        %dma_wait3A_188 = tpu.memref_slice %arg14[%dma_wait3A_186, %dma_wait3A_187] : memref<10000x128xf32, #tpu.memory_space<vmem_shared>> -> memref<80x128xf32, #tpu.memory_space<vmem_shared>>
        tpu.wait_dma2 semaphore(%run_scoped3A : memref<!tpu.dma_semaphore, #tpu.memory_space<semaphore_mem>>) src(%arg11 : memref<80x128xf32, #tpu.memory_space<vmem>>) dst(%dma_wait3A_188 : memref<80x128xf32, #tpu.memory_space<vmem_shared>>)
        tpu.yield
      }) : () -> ()
    } else {
    }
    %dma_wait3A = tpu.memref_slice %arg2[%multiple_of3A_3] : memref<160000xi32, #tpu.memory_space<hbm>> -> memref<10000xi32, #tpu.memory_space<hbm>>
    %dma_wait3A_19 = tpu.memref_slice %arg2[%multiple_of3A_3] : memref<160000xi32, #tpu.memory_space<hbm>> -> memref<10000xi32, #tpu.memory_space<hbm>>
    tpu.wait_dma2 semaphore(%arg15 : memref<!tpu.dma_semaphore, #tpu.memory_space<semaphore_mem>>) src(%dma_wait3A_19 : memref<10000xi32, #tpu.memory_space<hbm>>) dst(%arg8 : memref<10000xi32, #tpu.memory_space<vmem>>)
    %dma_wait3A_20 = tpu.memref_slice %arg3[%multiple_of3A_3] : memref<160000xi32, #tpu.memory_space<hbm>> -> memref<10000xi32, #tpu.memory_space<hbm>>
    %dma_wait3A_21 = tpu.memref_slice %arg3[%multiple_of3A_3] : memref<160000xi32, #tpu.memory_space<hbm>> -> memref<10000xi32, #tpu.memory_space<hbm>>
    tpu.wait_dma2 semaphore(%arg16 : memref<!tpu.dma_semaphore, #tpu.memory_space<semaphore_mem>>) src(%dma_wait3A_21 : memref<10000xi32, #tpu.memory_space<hbm>>) dst(%arg9 : memref<10000xi32, #tpu.memory_space<vmem>>)
    %barrier3A = arith.constant 0 : index
    tpu.barrier barrier_id(%barrier3A)
    %multiple_of3A_22 = arith.constant 0 : i32
    %multiple_of3A_23 = tpu.assume_multiple %multiple_of3A_22, 8 : i32
    %eq3A_24 = arith.constant 0 : i32
    %eq3A_25 = arith.cmpi eq, %arg0, %eq3A_24 : i32
    %convert_element_type3A_26 = arith.extui %eq3A_25 : i1 to i32
    %cond3A_27 = arith.constant 0 : i32
    %cond3A_28 = arith.cmpi ne, %convert_element_type3A_26, %cond3A_27 : i32
    scf.if %cond3A_28 {
      %dma_start3A_177 = tpu.memref_slice %arg8[%multiple_of3A_23] : memref<10000xi32, #tpu.memory_space<vmem>> -> memref<80xi32, #tpu.memory_space<vmem>>
      %dma_start3A_178 = arith.constant 0 : i32
      %dma_start3A_179 = arith.constant 0 : i32
      %dma_start3A_180 = tpu.memref_slice %arg4[%dma_start3A_178, %dma_start3A_179] : memref<10000x128xf32, #tpu.memory_space<hbm>> -> memref<10000x128xf32, #tpu.memory_space<hbm>>
      tpu.enqueue_indirect_dma source(%dma_start3A_180 : memref<10000x128xf32, #tpu.memory_space<hbm>>) target(%arg11 : memref<80x128xf32, #tpu.memory_space<vmem>>) offsets(%dma_start3A_177 : memref<80xi32, #tpu.memory_space<vmem>>) semaphore(%arg15 : memref<!tpu.dma_semaphore, #tpu.memory_space<semaphore_mem>>)
    } else {
    }
    %eq3A_29 = arith.constant 1 : i32
    %eq3A_30 = arith.cmpi eq, %arg0, %eq3A_29 : i32
    %convert_element_type3A_31 = arith.extui %eq3A_30 : i1 to i32
    %cond3A_32 = arith.constant 0 : i32
    %cond3A_33 = arith.cmpi ne, %convert_element_type3A_31, %cond3A_32 : i32
    scf.if %cond3A_33 {
      %dma_start3A_177 = tpu.memref_slice %arg8[%multiple_of3A_23] : memref<10000xi32, #tpu.memory_space<vmem>> -> memref<80xi32, #tpu.memory_space<vmem>>
      %dma_start3A_178 = arith.constant 0 : i32
      %dma_start3A_179 = arith.constant 0 : i32
      %dma_start3A_180 = tpu.memref_slice %arg5[%dma_start3A_178, %dma_start3A_179] : memref<10000x128xf32, #tpu.memory_space<hbm>> -> memref<10000x128xf32, #tpu.memory_space<hbm>>
      tpu.enqueue_indirect_dma source(%dma_start3A_180 : memref<10000x128xf32, #tpu.memory_space<hbm>>) target(%arg11 : memref<80x128xf32, #tpu.memory_space<vmem>>) offsets(%dma_start3A_177 : memref<80xi32, #tpu.memory_space<vmem>>) semaphore(%arg15 : memref<!tpu.dma_semaphore, #tpu.memory_space<semaphore_mem>>)
    } else {
    }
    %multiple_of3A_34 = arith.constant 80 : i32
    %multiple_of3A_35 = tpu.assume_multiple %multiple_of3A_34, 8 : i32
    %eq3A_36 = arith.constant 0 : i32
    %eq3A_37 = arith.cmpi eq, %arg0, %eq3A_36 : i32
    %convert_element_type3A_38 = arith.extui %eq3A_37 : i1 to i32
    %cond3A_39 = arith.constant 0 : i32
    %cond3A_40 = arith.cmpi ne, %convert_element_type3A_38, %cond3A_39 : i32
    scf.if %cond3A_40 {
      %dma_start3A_177 = tpu.memref_slice %arg8[%multiple_of3A_35] : memref<10000xi32, #tpu.memory_space<vmem>> -> memref<80xi32, #tpu.memory_space<vmem>>
      %dma_start3A_178 = arith.constant 0 : i32
      %dma_start3A_179 = arith.constant 0 : i32
      %dma_start3A_180 = tpu.memref_slice %arg4[%dma_start3A_178, %dma_start3A_179] : memref<10000x128xf32, #tpu.memory_space<hbm>> -> memref<10000x128xf32, #tpu.memory_space<hbm>>
      tpu.enqueue_indirect_dma source(%dma_start3A_180 : memref<10000x128xf32, #tpu.memory_space<hbm>>) target(%arg12 : memref<80x128xf32, #tpu.memory_space<vmem>>) offsets(%dma_start3A_177 : memref<80xi32, #tpu.memory_space<vmem>>) semaphore(%arg16 : memref<!tpu.dma_semaphore, #tpu.memory_space<semaphore_mem>>)
    } else {
    }
    %eq3A_41 = arith.constant 1 : i32
    %eq3A_42 = arith.cmpi eq, %arg0, %eq3A_41 : i32
    %convert_element_type3A_43 = arith.extui %eq3A_42 : i1 to i32
    %cond3A_44 = arith.constant 0 : i32
    %cond3A_45 = arith.cmpi ne, %convert_element_type3A_43, %cond3A_44 : i32
    scf.if %cond3A_45 {
      %dma_start3A_177 = tpu.memref_slice %arg8[%multiple_of3A_35] : memref<10000xi32, #tpu.memory_space<vmem>> -> memref<80xi32, #tpu.memory_space<vmem>>
      %dma_start3A_178 = arith.constant 0 : i32
      %dma_start3A_179 = arith.constant 0 : i32
      %dma_start3A_180 = tpu.memref_slice %arg5[%dma_start3A_178, %dma_start3A_179] : memref<10000x128xf32, #tpu.memory_space<hbm>> -> memref<10000x128xf32, #tpu.memory_space<hbm>>
      tpu.enqueue_indirect_dma source(%dma_start3A_180 : memref<10000x128xf32, #tpu.memory_space<hbm>>) target(%arg12 : memref<80x128xf32, #tpu.memory_space<vmem>>) offsets(%dma_start3A_177 : memref<80xi32, #tpu.memory_space<vmem>>) semaphore(%arg16 : memref<!tpu.dma_semaphore, #tpu.memory_space<semaphore_mem>>)
    } else {
    }
    %multiple_of3A_46 = arith.constant 160 : i32
    %multiple_of3A_47 = tpu.assume_multiple %multiple_of3A_46, 8 : i32
    %eq3A_48 = arith.constant 0 : i32
    %eq3A_49 = arith.cmpi eq, %arg0, %eq3A_48 : i32
    %convert_element_type3A_50 = arith.extui %eq3A_49 : i1 to i32
    %cond3A_51 = arith.constant 0 : i32
    %cond3A_52 = arith.cmpi ne, %convert_element_type3A_50, %cond3A_51 : i32
    scf.if %cond3A_52 {
      %dma_start3A_177 = tpu.memref_slice %arg8[%multiple_of3A_47] : memref<10000xi32, #tpu.memory_space<vmem>> -> memref<80xi32, #tpu.memory_space<vmem>>
      %dma_start3A_178 = arith.constant 0 : i32
      %dma_start3A_179 = arith.constant 0 : i32
      %dma_start3A_180 = tpu.memref_slice %arg4[%dma_start3A_178, %dma_start3A_179] : memref<10000x128xf32, #tpu.memory_space<hbm>> -> memref<10000x128xf32, #tpu.memory_space<hbm>>
      tpu.enqueue_indirect_dma source(%dma_start3A_180 : memref<10000x128xf32, #tpu.memory_space<hbm>>) target(%arg13 : memref<80x128xf32, #tpu.memory_space<vmem>>) offsets(%dma_start3A_177 : memref<80xi32, #tpu.memory_space<vmem>>) semaphore(%arg17 : memref<!tpu.dma_semaphore, #tpu.memory_space<semaphore_mem>>)
    } else {
    }
    %eq3A_53 = arith.constant 1 : i32
    %eq3A_54 = arith.cmpi eq, %arg0, %eq3A_53 : i32
    %convert_element_type3A_55 = arith.extui %eq3A_54 : i1 to i32
    %cond3A_56 = arith.constant 0 : i32
    %cond3A_57 = arith.cmpi ne, %convert_element_type3A_55, %cond3A_56 : i32
    scf.if %cond3A_57 {
      %dma_start3A_177 = tpu.memref_slice %arg8[%multiple_of3A_47] : memref<10000xi32, #tpu.memory_space<vmem>> -> memref<80xi32, #tpu.memory_space<vmem>>
      %dma_start3A_178 = arith.constant 0 : i32
      %dma_start3A_179 = arith.constant 0 : i32
      %dma_start3A_180 = tpu.memref_slice %arg5[%dma_start3A_178, %dma_start3A_179] : memref<10000x128xf32, #tpu.memory_space<hbm>> -> memref<10000x128xf32, #tpu.memory_space<hbm>>
      tpu.enqueue_indirect_dma source(%dma_start3A_180 : memref<10000x128xf32, #tpu.memory_space<hbm>>) target(%arg13 : memref<80x128xf32, #tpu.memory_space<vmem>>) offsets(%dma_start3A_177 : memref<80xi32, #tpu.memory_space<vmem>>) semaphore(%arg17 : memref<!tpu.dma_semaphore, #tpu.memory_space<semaphore_mem>>)
    } else {
    }
    %scan3A_58 = arith.constant 0 : i32
    %scan3A_59 = arith.constant 0 : i32
    %scan3A_60 = arith.constant 41 : i32
    %scan3A_61 = arith.addi %scan3A_59, %scan3A_60 : i32
    %scan3A_62 = arith.constant 1 : i32
    %scan3A_63 = scf.for %scan3A_177 = %scan3A_59 to %scan3A_61 step %scan3A_62 iter_args(%scan3A_178 = %scan3A_58) -> (i32)  : i32 {
      %mul3A_179 = arith.constant 3 : i32
      %mul3A_180 = arith.muli %scan3A_177, %mul3A_179 : i32
      %add3A = arith.constant 0 : i32
      %add3A_181 = arith.addi %mul3A_180, %add3A : i32
      %mul3A_182 = arith.constant 80 : i32
      %mul3A_183 = arith.muli %add3A_181, %mul3A_182 : i32
      %add3A_184 = arith.constant 0 : i32
      %add3A_185 = arith.addi %mul3A_183, %add3A_184 : i32
      %get3A_186 = arith.index_cast %add3A_185 : i32 to index
      %get3A_187 = tpu.vector_load %arg9[%get3A_186] {strides = array<i32>} : memref<10000xi32, #tpu.memory_space<vmem>>, vector<16xi32>,
      %get3A_188 = vector.shape_cast %get3A_187 : vector<16xi32> to vector<16xi32>
      %swap3A_189 = arith.constant 0 : index
      %swap3A_190 = tpu.vector_load %arg10[%swap3A_189] {strides = array<i32>} : memref<80xi32, #tpu.memory_space<vmem>>, vector<16xi32>,
      %swap3A_191 = vector.shape_cast %swap3A_190 : vector<16xi32> to vector<16xi32>
      %swap3A_192 = vector.shape_cast %get3A_188 : vector<16xi32> to vector<16xi32>
      tpu.vector_store %arg10[%swap3A_189], %swap3A_192 {strides = array<i32>} : memref<80xi32, #tpu.memory_space<vmem>>, vector<16xi32>,
      %mul3A_193 = arith.constant 80 : i32
      %mul3A_194 = arith.muli %add3A_181, %mul3A_193 : i32
      %add3A_195 = arith.constant 16 : i32
      %add3A_196 = arith.addi %mul3A_194, %add3A_195 : i32
      %get3A_197 = arith.index_cast %add3A_196 : i32 to index
      %get3A_198 = tpu.vector_load %arg9[%get3A_197] {strides = array<i32>} : memref<10000xi32, #tpu.memory_space<vmem>>, vector<16xi32>,
      %get3A_199 = vector.shape_cast %get3A_198 : vector<16xi32> to vector<16xi32>
      %swap3A_200 = arith.constant 16 : index
      %swap3A_201 = tpu.vector_load %arg10[%swap3A_200] {strides = array<i32>} : memref<80xi32, #tpu.memory_space<vmem>>, vector<16xi32>,
      %swap3A_202 = vector.shape_cast %swap3A_201 : vector<16xi32> to vector<16xi32>
      %swap3A_203 = vector.shape_cast %get3A_199 : vector<16xi32> to vector<16xi32>
      tpu.vector_store %arg10[%swap3A_200], %swap3A_203 {strides = array<i32>} : memref<80xi32, #tpu.memory_space<vmem>>, vector<16xi32>,
      %mul3A_204 = arith.constant 80 : i32
      %mul3A_205 = arith.muli %add3A_181, %mul3A_204 : i32
      %add3A_206 = arith.constant 32 : i32
      %add3A_207 = arith.addi %mul3A_205, %add3A_206 : i32
      %get3A_208 = arith.index_cast %add3A_207 : i32 to index
      %get3A_209 = tpu.vector_load %arg9[%get3A_208] {strides = array<i32>} : memref<10000xi32, #tpu.memory_space<vmem>>, vector<16xi32>,
      %get3A_210 = vector.shape_cast %get3A_209 : vector<16xi32> to vector<16xi32>
      %swap3A_211 = arith.constant 32 : index
      %swap3A_212 = tpu.vector_load %arg10[%swap3A_211] {strides = array<i32>} : memref<80xi32, #tpu.memory_space<vmem>>, vector<16xi32>,
      %swap3A_213 = vector.shape_cast %swap3A_212 : vector<16xi32> to vector<16xi32>
      %swap3A_214 = vector.shape_cast %get3A_210 : vector<16xi32> to vector<16xi32>
      tpu.vector_store %arg10[%swap3A_211], %swap3A_214 {strides = array<i32>} : memref<80xi32, #tpu.memory_space<vmem>>, vector<16xi32>,
      %mul3A_215 = arith.constant 80 : i32
      %mul3A_216 = arith.muli %add3A_181, %mul3A_215 : i32
      %add3A_217 = arith.constant 48 : i32
      %add3A_218 = arith.addi %mul3A_216, %add3A_217 : i32
      %get3A_219 = arith.index_cast %add3A_218 : i32 to index
      %get3A_220 = tpu.vector_load %arg9[%get3A_219] {strides = array<i32>} : memref<10000xi32, #tpu.memory_space<vmem>>, vector<16xi32>,
      %get3A_221 = vector.shape_cast %get3A_220 : vector<16xi32> to vector<16xi32>
      %swap3A_222 = arith.constant 48 : index
      %swap3A_223 = tpu.vector_load %arg10[%swap3A_222] {strides = array<i32>} : memref<80xi32, #tpu.memory_space<vmem>>, vector<16xi32>,
      %swap3A_224 = vector.shape_cast %swap3A_223 : vector<16xi32> to vector<16xi32>
      %swap3A_225 = vector.shape_cast %get3A_221 : vector<16xi32> to vector<16xi32>
      tpu.vector_store %arg10[%swap3A_222], %swap3A_225 {strides = array<i32>} : memref<80xi32, #tpu.memory_space<vmem>>, vector<16xi32>,
      %mul3A_226 = arith.constant 80 : i32
      %mul3A_227 = arith.muli %add3A_181, %mul3A_226 : i32
      %add3A_228 = arith.constant 64 : i32
      %add3A_229 = arith.addi %mul3A_227, %add3A_228 : i32
      %get3A_230 = arith.index_cast %add3A_229 : i32 to index
      %get3A_231 = tpu.vector_load %arg9[%get3A_230] {strides = array<i32>} : memref<10000xi32, #tpu.memory_space<vmem>>, vector<16xi32>,
      %get3A_232 = vector.shape_cast %get3A_231 : vector<16xi32> to vector<16xi32>
      %swap3A_233 = arith.constant 64 : index
      %swap3A_234 = tpu.vector_load %arg10[%swap3A_233] {strides = array<i32>} : memref<80xi32, #tpu.memory_space<vmem>>, vector<16xi32>,
      %swap3A_235 = vector.shape_cast %swap3A_234 : vector<16xi32> to vector<16xi32>
      %swap3A_236 = vector.shape_cast %get3A_232 : vector<16xi32> to vector<16xi32>
      tpu.vector_store %arg10[%swap3A_233], %swap3A_236 {strides = array<i32>} : memref<80xi32, #tpu.memory_space<vmem>>, vector<16xi32>,
      %mul3A_237 = arith.constant 80 : i32
      %mul3A_238 = arith.muli %add3A_181, %mul3A_237 : i32
      %multiple_of3A_239 = tpu.assume_multiple %mul3A_238, 8 : i32
      %dma_wait3A_240 = tpu.memref_slice %arg8[%multiple_of3A_239] : memref<10000xi32, #tpu.memory_space<vmem>> -> memref<80xi32, #tpu.memory_space<vmem>>
      %dma_wait3A_241 = arith.constant 0 : i32
      %dma_wait3A_242 = arith.constant 0 : i32
      %dma_wait3A_243 = tpu.memref_slice %arg4[%dma_wait3A_241, %dma_wait3A_242] : memref<10000x128xf32, #tpu.memory_space<hbm>> -> memref<10000x128xf32, #tpu.memory_space<hbm>>
      tpu.wait_indirect_dma semaphore(%arg15 : memref<!tpu.dma_semaphore, #tpu.memory_space<semaphore_mem>>) src(%dma_wait3A_243 : memref<10000x128xf32, #tpu.memory_space<hbm>>) dst(%arg11 : memref<80x128xf32, #tpu.memory_space<vmem>>)
      %add3A_244 = arith.constant 3 : i32
      %add3A_245 = arith.addi %add3A_181, %add3A_244 : i32
      %lt3A_246 = arith.constant 125 : i32
      %lt3A_247 = arith.cmpi slt, %add3A_245, %lt3A_246 : i32
      %convert_element_type3A_248 = arith.extui %lt3A_247 : i1 to i32
      %cond3A_249 = arith.constant 0 : i32
      %cond3A_250 = arith.cmpi ne, %convert_element_type3A_248, %cond3A_249 : i32
      scf.if %cond3A_250 {
        %add3A_398 = arith.constant 3 : i32
        %add3A_399 = arith.addi %add3A_181, %add3A_398 : i32
        %mul3A_400 = arith.constant 80 : i32
        %mul3A_401 = arith.muli %add3A_399, %mul3A_400 : i32
        %multiple_of3A_402 = tpu.assume_multiple %mul3A_401, 8 : i32
        %eq3A_403 = arith.constant 0 : i32
        %eq3A_404 = arith.cmpi eq, %arg0, %eq3A_403 : i32
        %convert_element_type3A_405 = arith.extui %eq3A_404 : i1 to i32
        %cond3A_406 = arith.constant 0 : i32
        %cond3A_407 = arith.cmpi ne, %convert_element_type3A_405, %cond3A_406 : i32
        scf.if %cond3A_407 {
          %dma_start3A_413 = tpu.memref_slice %arg8[%multiple_of3A_402] : memref<10000xi32, #tpu.memory_space<vmem>> -> memref<80xi32, #tpu.memory_space<vmem>>
          %dma_start3A_414 = arith.constant 0 : i32
          %dma_start3A_415 = arith.constant 0 : i32
          %dma_start3A_416 = tpu.memref_slice %arg4[%dma_start3A_414, %dma_start3A_415] : memref<10000x128xf32, #tpu.memory_space<hbm>> -> memref<10000x128xf32, #tpu.memory_space<hbm>>
          tpu.enqueue_indirect_dma source(%dma_start3A_416 : memref<10000x128xf32, #tpu.memory_space<hbm>>) target(%arg11 : memref<80x128xf32, #tpu.memory_space<vmem>>) offsets(%dma_start3A_413 : memref<80xi32, #tpu.memory_space<vmem>>) semaphore(%arg15 : memref<!tpu.dma_semaphore, #tpu.memory_space<semaphore_mem>>)
        } else {
        }
        %eq3A_408 = arith.constant 1 : i32
        %eq3A_409 = arith.cmpi eq, %arg0, %eq3A_408 : i32
        %convert_element_type3A_410 = arith.extui %eq3A_409 : i1 to i32
        %cond3A_411 = arith.constant 0 : i32
        %cond3A_412 = arith.cmpi ne, %convert_element_type3A_410, %cond3A_411 : i32
        scf.if %cond3A_412 {
          %dma_start3A_413 = tpu.memref_slice %arg8[%multiple_of3A_402] : memref<10000xi32, #tpu.memory_space<vmem>> -> memref<80xi32, #tpu.memory_space<vmem>>
          %dma_start3A_414 = arith.constant 0 : i32
          %dma_start3A_415 = arith.constant 0 : i32
          %dma_start3A_416 = tpu.memref_slice %arg5[%dma_start3A_414, %dma_start3A_415] : memref<10000x128xf32, #tpu.memory_space<hbm>> -> memref<10000x128xf32, #tpu.memory_space<hbm>>
          tpu.enqueue_indirect_dma source(%dma_start3A_416 : memref<10000x128xf32, #tpu.memory_space<hbm>>) target(%arg11 : memref<80x128xf32, #tpu.memory_space<vmem>>) offsets(%dma_start3A_413 : memref<80xi32, #tpu.memory_space<vmem>>) semaphore(%arg15 : memref<!tpu.dma_semaphore, #tpu.memory_space<semaphore_mem>>)
        } else {
        }
      } else {
      }
      "tpu.region"() ({
        %run_scoped3A = tpu.sem_alloc : memref<!tpu.dma_semaphore, #tpu.memory_space<semaphore_mem>>
        %dma_start3A_398 = arith.constant 0 : i32
        %dma_start3A_399 = arith.constant 0 : i32
        %dma_start3A_400 = tpu.memref_slice %arg14[%dma_start3A_398, %dma_start3A_399] : memref<10000x128xf32, #tpu.memory_space<vmem_shared>> -> memref<10000x128xf32, #tpu.memory_space<vmem_shared>>
        tpu.enqueue_indirect_dma source(%arg11 : memref<80x128xf32, #tpu.memory_space<vmem>>) target(%dma_start3A_400 : memref<10000x128xf32, #tpu.memory_space<vmem_shared>>) offsets(%arg10 : memref<80xi32, #tpu.memory_space<vmem>>) semaphore(%run_scoped3A : memref<!tpu.dma_semaphore, #tpu.memory_space<semaphore_mem>>) {add = true}
        %dma_wait3A_401 = arith.constant 0 : i32
        %dma_wait3A_402 = arith.constant 0 : i32
        %dma_wait3A_403 = tpu.memref_slice %arg14[%dma_wait3A_401, %dma_wait3A_402] : memref<10000x128xf32, #tpu.memory_space<vmem_shared>> -> memref<10000x128xf32, #tpu.memory_space<vmem_shared>>
        tpu.wait_indirect_dma semaphore(%run_scoped3A : memref<!tpu.dma_semaphore, #tpu.memory_space<semaphore_mem>>) src(%arg11 : memref<80x128xf32, #tpu.memory_space<vmem>>) dst(%dma_wait3A_403 : memref<10000x128xf32, #tpu.memory_space<vmem_shared>>)
        tpu.yield
      }) : () -> ()
      %mul3A_251 = arith.constant 3 : i32
      %mul3A_252 = arith.muli %scan3A_177, %mul3A_251 : i32
      %add3A_253 = arith.constant 1 : i32
      %add3A_254 = arith.addi %mul3A_252, %add3A_253 : i32
      %mul3A_255 = arith.constant 80 : i32
      %mul3A_256 = arith.muli %add3A_254, %mul3A_255 : i32
      %add3A_257 = arith.constant 0 : i32
      %add3A_258 = arith.addi %mul3A_256, %add3A_257 : i32
      %get3A_259 = arith.index_cast %add3A_258 : i32 to index
      %get3A_260 = tpu.vector_load %arg9[%get3A_259] {strides = array<i32>} : memref<10000xi32, #tpu.memory_space<vmem>>, vector<16xi32>,
      %get3A_261 = vector.shape_cast %get3A_260 : vector<16xi32> to vector<16xi32>
      %swap3A_262 = arith.constant 0 : index
      %swap3A_263 = tpu.vector_load %arg10[%swap3A_262] {strides = array<i32>} : memref<80xi32, #tpu.memory_space<vmem>>, vector<16xi32>,
      %swap3A_264 = vector.shape_cast %swap3A_263 : vector<16xi32> to vector<16xi32>
      %swap3A_265 = vector.shape_cast %get3A_261 : vector<16xi32> to vector<16xi32>
      tpu.vector_store %arg10[%swap3A_262], %swap3A_265 {strides = array<i32>} : memref<80xi32, #tpu.memory_space<vmem>>, vector<16xi32>,
      %mul3A_266 = arith.constant 80 : i32
      %mul3A_267 = arith.muli %add3A_254, %mul3A_266 : i32
      %add3A_268 = arith.constant 16 : i32
      %add3A_269 = arith.addi %mul3A_267, %add3A_268 : i32
      %get3A_270 = arith.index_cast %add3A_269 : i32 to index
      %get3A_271 = tpu.vector_load %arg9[%get3A_270] {strides = array<i32>} : memref<10000xi32, #tpu.memory_space<vmem>>, vector<16xi32>,
      %get3A_272 = vector.shape_cast %get3A_271 : vector<16xi32> to vector<16xi32>
      %swap3A_273 = arith.constant 16 : index
      %swap3A_274 = tpu.vector_load %arg10[%swap3A_273] {strides = array<i32>} : memref<80xi32, #tpu.memory_space<vmem>>, vector<16xi32>,
      %swap3A_275 = vector.shape_cast %swap3A_274 : vector<16xi32> to vector<16xi32>
      %swap3A_276 = vector.shape_cast %get3A_272 : vector<16xi32> to vector<16xi32>
      tpu.vector_store %arg10[%swap3A_273], %swap3A_276 {strides = array<i32>} : memref<80xi32, #tpu.memory_space<vmem>>, vector<16xi32>,
      %mul3A_277 = arith.constant 80 : i32
      %mul3A_278 = arith.muli %add3A_254, %mul3A_277 : i32
      %add3A_279 = arith.constant 32 : i32
      %add3A_280 = arith.addi %mul3A_278, %add3A_279 : i32
      %get3A_281 = arith.index_cast %add3A_280 : i32 to index
      %get3A_282 = tpu.vector_load %arg9[%get3A_281] {strides = array<i32>} : memref<10000xi32, #tpu.memory_space<vmem>>, vector<16xi32>,
      %get3A_283 = vector.shape_cast %get3A_282 : vector<16xi32> to vector<16xi32>
      %swap3A_284 = arith.constant 32 : index
      %swap3A_285 = tpu.vector_load %arg10[%swap3A_284] {strides = array<i32>} : memref<80xi32, #tpu.memory_space<vmem>>, vector<16xi32>,
      %swap3A_286 = vector.shape_cast %swap3A_285 : vector<16xi32> to vector<16xi32>
      %swap3A_287 = vector.shape_cast %get3A_283 : vector<16xi32> to vector<16xi32>
      tpu.vector_store %arg10[%swap3A_284], %swap3A_287 {strides = array<i32>} : memref<80xi32, #tpu.memory_space<vmem>>, vector<16xi32>,
      %mul3A_288 = arith.constant 80 : i32
      %mul3A_289 = arith.muli %add3A_254, %mul3A_288 : i32
      %add3A_290 = arith.constant 48 : i32
      %add3A_291 = arith.addi %mul3A_289, %add3A_290 : i32
      %get3A_292 = arith.index_cast %add3A_291 : i32 to index
      %get3A_293 = tpu.vector_load %arg9[%get3A_292] {strides = array<i32>} : memref<10000xi32, #tpu.memory_space<vmem>>, vector<16xi32>,
      %get3A_294 = vector.shape_cast %get3A_293 : vector<16xi32> to vector<16xi32>
      %swap3A_295 = arith.constant 48 : index
      %swap3A_296 = tpu.vector_load %arg10[%swap3A_295] {strides = array<i32>} : memref<80xi32, #tpu.memory_space<vmem>>, vector<16xi32>,
      %swap3A_297 = vector.shape_cast %swap3A_296 : vector<16xi32> to vector<16xi32>
      %swap3A_298 = vector.shape_cast %get3A_294 : vector<16xi32> to vector<16xi32>
      tpu.vector_store %arg10[%swap3A_295], %swap3A_298 {strides = array<i32>} : memref<80xi32, #tpu.memory_space<vmem>>, vector<16xi32>,
      %mul3A_299 = arith.constant 80 : i32
      %mul3A_300 = arith.muli %add3A_254, %mul3A_299 : i32
      %add3A_301 = arith.constant 64 : i32
      %add3A_302 = arith.addi %mul3A_300, %add3A_301 : i32
      %get3A_303 = arith.index_cast %add3A_302 : i32 to index
      %get3A_304 = tpu.vector_load %arg9[%get3A_303] {strides = array<i32>} : memref<10000xi32, #tpu.memory_space<vmem>>, vector<16xi32>,
      %get3A_305 = vector.shape_cast %get3A_304 : vector<16xi32> to vector<16xi32>
      %swap3A_306 = arith.constant 64 : index
      %swap3A_307 = tpu.vector_load %arg10[%swap3A_306] {strides = array<i32>} : memref<80xi32, #tpu.memory_space<vmem>>, vector<16xi32>,
      %swap3A_308 = vector.shape_cast %swap3A_307 : vector<16xi32> to vector<16xi32>
      %swap3A_309 = vector.shape_cast %get3A_305 : vector<16xi32> to vector<16xi32>
      tpu.vector_store %arg10[%swap3A_306], %swap3A_309 {strides = array<i32>} : memref<80xi32, #tpu.memory_space<vmem>>, vector<16xi32>,
      %mul3A_310 = arith.constant 80 : i32
      %mul3A_311 = arith.muli %add3A_254, %mul3A_310 : i32
      %multiple_of3A_312 = tpu.assume_multiple %mul3A_311, 8 : i32
      %dma_wait3A_313 = tpu.memref_slice %arg8[%multiple_of3A_312] : memref<10000xi32, #tpu.memory_space<vmem>> -> memref<80xi32, #tpu.memory_space<vmem>>
      %dma_wait3A_314 = arith.constant 0 : i32
      %dma_wait3A_315 = arith.constant 0 : i32
      %dma_wait3A_316 = tpu.memref_slice %arg4[%dma_wait3A_314, %dma_wait3A_315] : memref<10000x128xf32, #tpu.memory_space<hbm>> -> memref<10000x128xf32, #tpu.memory_space<hbm>>
      tpu.wait_indirect_dma semaphore(%arg16 : memref<!tpu.dma_semaphore, #tpu.memory_space<semaphore_mem>>) src(%dma_wait3A_316 : memref<10000x128xf32, #tpu.memory_space<hbm>>) dst(%arg12 : memref<80x128xf32, #tpu.memory_space<vmem>>)
      %add3A_317 = arith.constant 3 : i32
      %add3A_318 = arith.addi %add3A_254, %add3A_317 : i32
      %lt3A_319 = arith.constant 125 : i32
      %lt3A_320 = arith.cmpi slt, %add3A_318, %lt3A_319 : i32
      %convert_element_type3A_321 = arith.extui %lt3A_320 : i1 to i32
      %cond3A_322 = arith.constant 0 : i32
      %cond3A_323 = arith.cmpi ne, %convert_element_type3A_321, %cond3A_322 : i32
      scf.if %cond3A_323 {
        %add3A_398 = arith.constant 3 : i32
        %add3A_399 = arith.addi %add3A_254, %add3A_398 : i32
        %mul3A_400 = arith.constant 80 : i32
        %mul3A_401 = arith.muli %add3A_399, %mul3A_400 : i32
        %multiple_of3A_402 = tpu.assume_multiple %mul3A_401, 8 : i32
        %eq3A_403 = arith.constant 0 : i32
        %eq3A_404 = arith.cmpi eq, %arg0, %eq3A_403 : i32
        %convert_element_type3A_405 = arith.extui %eq3A_404 : i1 to i32
        %cond3A_406 = arith.constant 0 : i32
        %cond3A_407 = arith.cmpi ne, %convert_element_type3A_405, %cond3A_406 : i32
        scf.if %cond3A_407 {
          %dma_start3A_413 = tpu.memref_slice %arg8[%multiple_of3A_402] : memref<10000xi32, #tpu.memory_space<vmem>> -> memref<80xi32, #tpu.memory_space<vmem>>
          %dma_start3A_414 = arith.constant 0 : i32
          %dma_start3A_415 = arith.constant 0 : i32
          %dma_start3A_416 = tpu.memref_slice %arg4[%dma_start3A_414, %dma_start3A_415] : memref<10000x128xf32, #tpu.memory_space<hbm>> -> memref<10000x128xf32, #tpu.memory_space<hbm>>
          tpu.enqueue_indirect_dma source(%dma_start3A_416 : memref<10000x128xf32, #tpu.memory_space<hbm>>) target(%arg12 : memref<80x128xf32, #tpu.memory_space<vmem>>) offsets(%dma_start3A_413 : memref<80xi32, #tpu.memory_space<vmem>>) semaphore(%arg16 : memref<!tpu.dma_semaphore, #tpu.memory_space<semaphore_mem>>)
        } else {
        }
        %eq3A_408 = arith.constant 1 : i32
        %eq3A_409 = arith.cmpi eq, %arg0, %eq3A_408 : i32
        %convert_element_type3A_410 = arith.extui %eq3A_409 : i1 to i32
        %cond3A_411 = arith.constant 0 : i32
        %cond3A_412 = arith.cmpi ne, %convert_element_type3A_410, %cond3A_411 : i32
        scf.if %cond3A_412 {
          %dma_start3A_413 = tpu.memref_slice %arg8[%multiple_of3A_402] : memref<10000xi32, #tpu.memory_space<vmem>> -> memref<80xi32, #tpu.memory_space<vmem>>
          %dma_start3A_414 = arith.constant 0 : i32
          %dma_start3A_415 = arith.constant 0 : i32
          %dma_start3A_416 = tpu.memref_slice %arg5[%dma_start3A_414, %dma_start3A_415] : memref<10000x128xf32, #tpu.memory_space<hbm>> -> memref<10000x128xf32, #tpu.memory_space<hbm>>
          tpu.enqueue_indirect_dma source(%dma_start3A_416 : memref<10000x128xf32, #tpu.memory_space<hbm>>) target(%arg12 : memref<80x128xf32, #tpu.memory_space<vmem>>) offsets(%dma_start3A_413 : memref<80xi32, #tpu.memory_space<vmem>>) semaphore(%arg16 : memref<!tpu.dma_semaphore, #tpu.memory_space<semaphore_mem>>)
        } else {
        }
      } else {
      }
      "tpu.region"() ({
        %run_scoped3A = tpu.sem_alloc : memref<!tpu.dma_semaphore, #tpu.memory_space<semaphore_mem>>
        %dma_start3A_398 = arith.constant 0 : i32
        %dma_start3A_399 = arith.constant 0 : i32
        %dma_start3A_400 = tpu.memref_slice %arg14[%dma_start3A_398, %dma_start3A_399] : memref<10000x128xf32, #tpu.memory_space<vmem_shared>> -> memref<10000x128xf32, #tpu.memory_space<vmem_shared>>
        tpu.enqueue_indirect_dma source(%arg12 : memref<80x128xf32, #tpu.memory_space<vmem>>) target(%dma_start3A_400 : memref<10000x128xf32, #tpu.memory_space<vmem_shared>>) offsets(%arg10 : memref<80xi32, #tpu.memory_space<vmem>>) semaphore(%run_scoped3A : memref<!tpu.dma_semaphore, #tpu.memory_space<semaphore_mem>>) {add = true}
        %dma_wait3A_401 = arith.constant 0 : i32
        %dma_wait3A_402 = arith.constant 0 : i32
        %dma_wait3A_403 = tpu.memref_slice %arg14[%dma_wait3A_401, %dma_wait3A_402] : memref<10000x128xf32, #tpu.memory_space<vmem_shared>> -> memref<10000x128xf32, #tpu.memory_space<vmem_shared>>
        tpu.wait_indirect_dma semaphore(%run_scoped3A : memref<!tpu.dma_semaphore, #tpu.memory_space<semaphore_mem>>) src(%arg12 : memref<80x128xf32, #tpu.memory_space<vmem>>) dst(%dma_wait3A_403 : memref<10000x128xf32, #tpu.memory_space<vmem_shared>>)
        tpu.yield
      }) : () -> ()
      %mul3A_324 = arith.constant 3 : i32
      %mul3A_325 = arith.muli %scan3A_177, %mul3A_324 : i32
      %add3A_326 = arith.constant 2 : i32
      %add3A_327 = arith.addi %mul3A_325, %add3A_326 : i32
      %mul3A_328 = arith.constant 80 : i32
      %mul3A_329 = arith.muli %add3A_327, %mul3A_328 : i32
      %add3A_330 = arith.constant 0 : i32
      %add3A_331 = arith.addi %mul3A_329, %add3A_330 : i32
      %get3A_332 = arith.index_cast %add3A_331 : i32 to index
      %get3A_333 = tpu.vector_load %arg9[%get3A_332] {strides = array<i32>} : memref<10000xi32, #tpu.memory_space<vmem>>, vector<16xi32>,
      %get3A_334 = vector.shape_cast %get3A_333 : vector<16xi32> to vector<16xi32>
      %swap3A_335 = arith.constant 0 : index
      %swap3A_336 = tpu.vector_load %arg10[%swap3A_335] {strides = array<i32>} : memref<80xi32, #tpu.memory_space<vmem>>, vector<16xi32>,
      %swap3A_337 = vector.shape_cast %swap3A_336 : vector<16xi32> to vector<16xi32>
      %swap3A_338 = vector.shape_cast %get3A_334 : vector<16xi32> to vector<16xi32>
      tpu.vector_store %arg10[%swap3A_335], %swap3A_338 {strides = array<i32>} : memref<80xi32, #tpu.memory_space<vmem>>, vector<16xi32>,
      %mul3A_339 = arith.constant 80 : i32
      %mul3A_340 = arith.muli %add3A_327, %mul3A_339 : i32
      %add3A_341 = arith.constant 16 : i32
      %add3A_342 = arith.addi %mul3A_340, %add3A_341 : i32
      %get3A_343 = arith.index_cast %add3A_342 : i32 to index
      %get3A_344 = tpu.vector_load %arg9[%get3A_343] {strides = array<i32>} : memref<10000xi32, #tpu.memory_space<vmem>>, vector<16xi32>,
      %get3A_345 = vector.shape_cast %get3A_344 : vector<16xi32> to vector<16xi32>
      %swap3A_346 = arith.constant 16 : index
      %swap3A_347 = tpu.vector_load %arg10[%swap3A_346] {strides = array<i32>} : memref<80xi32, #tpu.memory_space<vmem>>, vector<16xi32>,
      %swap3A_348 = vector.shape_cast %swap3A_347 : vector<16xi32> to vector<16xi32>
      %swap3A_349 = vector.shape_cast %get3A_345 : vector<16xi32> to vector<16xi32>
      tpu.vector_store %arg10[%swap3A_346], %swap3A_349 {strides = array<i32>} : memref<80xi32, #tpu.memory_space<vmem>>, vector<16xi32>,
      %mul3A_350 = arith.constant 80 : i32
      %mul3A_351 = arith.muli %add3A_327, %mul3A_350 : i32
      %add3A_352 = arith.constant 32 : i32
      %add3A_353 = arith.addi %mul3A_351, %add3A_352 : i32
      %get3A_354 = arith.index_cast %add3A_353 : i32 to index
      %get3A_355 = tpu.vector_load %arg9[%get3A_354] {strides = array<i32>} : memref<10000xi32, #tpu.memory_space<vmem>>, vector<16xi32>,
      %get3A_356 = vector.shape_cast %get3A_355 : vector<16xi32> to vector<16xi32>
      %swap3A_357 = arith.constant 32 : index
      %swap3A_358 = tpu.vector_load %arg10[%swap3A_357] {strides = array<i32>} : memref<80xi32, #tpu.memory_space<vmem>>, vector<16xi32>,
      %swap3A_359 = vector.shape_cast %swap3A_358 : vector<16xi32> to vector<16xi32>
      %swap3A_360 = vector.shape_cast %get3A_356 : vector<16xi32> to vector<16xi32>
      tpu.vector_store %arg10[%swap3A_357], %swap3A_360 {strides = array<i32>} : memref<80xi32, #tpu.memory_space<vmem>>, vector<16xi32>,
      %mul3A_361 = arith.constant 80 : i32
      %mul3A_362 = arith.muli %add3A_327, %mul3A_361 : i32
      %add3A_363 = arith.constant 48 : i32
      %add3A_364 = arith.addi %mul3A_362, %add3A_363 : i32
      %get3A_365 = arith.index_cast %add3A_364 : i32 to index
      %get3A_366 = tpu.vector_load %arg9[%get3A_365] {strides = array<i32>} : memref<10000xi32, #tpu.memory_space<vmem>>, vector<16xi32>,
      %get3A_367 = vector.shape_cast %get3A_366 : vector<16xi32> to vector<16xi32>
      %swap3A_368 = arith.constant 48 : index
      %swap3A_369 = tpu.vector_load %arg10[%swap3A_368] {strides = array<i32>} : memref<80xi32, #tpu.memory_space<vmem>>, vector<16xi32>,
      %swap3A_370 = vector.shape_cast %swap3A_369 : vector<16xi32> to vector<16xi32>
      %swap3A_371 = vector.shape_cast %get3A_367 : vector<16xi32> to vector<16xi32>
      tpu.vector_store %arg10[%swap3A_368], %swap3A_371 {strides = array<i32>} : memref<80xi32, #tpu.memory_space<vmem>>, vector<16xi32>,
      %mul3A_372 = arith.constant 80 : i32
      %mul3A_373 = arith.muli %add3A_327, %mul3A_372 : i32
      %add3A_374 = arith.constant 64 : i32
      %add3A_375 = arith.addi %mul3A_373, %add3A_374 : i32
      %get3A_376 = arith.index_cast %add3A_375 : i32 to index
      %get3A_377 = tpu.vector_load %arg9[%get3A_376] {strides = array<i32>} : memref<10000xi32, #tpu.memory_space<vmem>>, vector<16xi32>,
      %get3A_378 = vector.shape_cast %get3A_377 : vector<16xi32> to vector<16xi32>
      %swap3A_379 = arith.constant 64 : index
      %swap3A_380 = tpu.vector_load %arg10[%swap3A_379] {strides = array<i32>} : memref<80xi32, #tpu.memory_space<vmem>>, vector<16xi32>,
      %swap3A_381 = vector.shape_cast %swap3A_380 : vector<16xi32> to vector<16xi32>
      %swap3A_382 = vector.shape_cast %get3A_378 : vector<16xi32> to vector<16xi32>
      tpu.vector_store %arg10[%swap3A_379], %swap3A_382 {strides = array<i32>} : memref<80xi32, #tpu.memory_space<vmem>>, vector<16xi32>,
      %mul3A_383 = arith.constant 80 : i32
      %mul3A_384 = arith.muli %add3A_327, %mul3A_383 : i32
      %multiple_of3A_385 = tpu.assume_multiple %mul3A_384, 8 : i32
      %dma_wait3A_386 = tpu.memref_slice %arg8[%multiple_of3A_385] : memref<10000xi32, #tpu.memory_space<vmem>> -> memref<80xi32, #tpu.memory_space<vmem>>
      %dma_wait3A_387 = arith.constant 0 : i32
      %dma_wait3A_388 = arith.constant 0 : i32
      %dma_wait3A_389 = tpu.memref_slice %arg4[%dma_wait3A_387, %dma_wait3A_388] : memref<10000x128xf32, #tpu.memory_space<hbm>> -> memref<10000x128xf32, #tpu.memory_space<hbm>>
      tpu.wait_indirect_dma semaphore(%arg17 : memref<!tpu.dma_semaphore, #tpu.memory_space<semaphore_mem>>) src(%dma_wait3A_389 : memref<10000x128xf32, #tpu.memory_space<hbm>>) dst(%arg13 : memref<80x128xf32, #tpu.memory_space<vmem>>)
      %add3A_390 = arith.constant 3 : i32
      %add3A_391 = arith.addi %add3A_327, %add3A_390 : i32
      %lt3A_392 = arith.constant 125 : i32
      %lt3A_393 = arith.cmpi slt, %add3A_391, %lt3A_392 : i32
      %convert_element_type3A_394 = arith.extui %lt3A_393 : i1 to i32
      %cond3A_395 = arith.constant 0 : i32
      %cond3A_396 = arith.cmpi ne, %convert_element_type3A_394, %cond3A_395 : i32
      scf.if %cond3A_396 {
        %add3A_398 = arith.constant 3 : i32
        %add3A_399 = arith.addi %add3A_327, %add3A_398 : i32
        %mul3A_400 = arith.constant 80 : i32
        %mul3A_401 = arith.muli %add3A_399, %mul3A_400 : i32
        %multiple_of3A_402 = tpu.assume_multiple %mul3A_401, 8 : i32
        %eq3A_403 = arith.constant 0 : i32
        %eq3A_404 = arith.cmpi eq, %arg0, %eq3A_403 : i32
        %convert_element_type3A_405 = arith.extui %eq3A_404 : i1 to i32
        %cond3A_406 = arith.constant 0 : i32
        %cond3A_407 = arith.cmpi ne, %convert_element_type3A_405, %cond3A_406 : i32
        scf.if %cond3A_407 {
          %dma_start3A_413 = tpu.memref_slice %arg8[%multiple_of3A_402] : memref<10000xi32, #tpu.memory_space<vmem>> -> memref<80xi32, #tpu.memory_space<vmem>>
          %dma_start3A_414 = arith.constant 0 : i32
          %dma_start3A_415 = arith.constant 0 : i32
          %dma_start3A_416 = tpu.memref_slice %arg4[%dma_start3A_414, %dma_start3A_415] : memref<10000x128xf32, #tpu.memory_space<hbm>> -> memref<10000x128xf32, #tpu.memory_space<hbm>>
          tpu.enqueue_indirect_dma source(%dma_start3A_416 : memref<10000x128xf32, #tpu.memory_space<hbm>>) target(%arg13 : memref<80x128xf32, #tpu.memory_space<vmem>>) offsets(%dma_start3A_413 : memref<80xi32, #tpu.memory_space<vmem>>) semaphore(%arg17 : memref<!tpu.dma_semaphore, #tpu.memory_space<semaphore_mem>>)
        } else {
        }
        %eq3A_408 = arith.constant 1 : i32
        %eq3A_409 = arith.cmpi eq, %arg0, %eq3A_408 : i32
        %convert_element_type3A_410 = arith.extui %eq3A_409 : i1 to i32
        %cond3A_411 = arith.constant 0 : i32
        %cond3A_412 = arith.cmpi ne, %convert_element_type3A_410, %cond3A_411 : i32
        scf.if %cond3A_412 {
          %dma_start3A_413 = tpu.memref_slice %arg8[%multiple_of3A_402] : memref<10000xi32, #tpu.memory_space<vmem>> -> memref<80xi32, #tpu.memory_space<vmem>>
          %dma_start3A_414 = arith.constant 0 : i32
          %dma_start3A_415 = arith.constant 0 : i32
          %dma_start3A_416 = tpu.memref_slice %arg5[%dma_start3A_414, %dma_start3A_415] : memref<10000x128xf32, #tpu.memory_space<hbm>> -> memref<10000x128xf32, #tpu.memory_space<hbm>>
          tpu.enqueue_indirect_dma source(%dma_start3A_416 : memref<10000x128xf32, #tpu.memory_space<hbm>>) target(%arg13 : memref<80x128xf32, #tpu.memory_space<vmem>>) offsets(%dma_start3A_413 : memref<80xi32, #tpu.memory_space<vmem>>) semaphore(%arg17 : memref<!tpu.dma_semaphore, #tpu.memory_space<semaphore_mem>>)
        } else {
        }
      } else {
      }
      "tpu.region"() ({
        %run_scoped3A = tpu.sem_alloc : memref<!tpu.dma_semaphore, #tpu.memory_space<semaphore_mem>>
        %dma_start3A_398 = arith.constant 0 : i32
        %dma_start3A_399 = arith.constant 0 : i32
        %dma_start3A_400 = tpu.memref_slice %arg14[%dma_start3A_398, %dma_start3A_399] : memref<10000x128xf32, #tpu.memory_space<vmem_shared>> -> memref<10000x128xf32, #tpu.memory_space<vmem_shared>>
        tpu.enqueue_indirect_dma source(%arg13 : memref<80x128xf32, #tpu.memory_space<vmem>>) target(%dma_start3A_400 : memref<10000x128xf32, #tpu.memory_space<vmem_shared>>) offsets(%arg10 : memref<80xi32, #tpu.memory_space<vmem>>) semaphore(%run_scoped3A : memref<!tpu.dma_semaphore, #tpu.memory_space<semaphore_mem>>) {add = true}
        %dma_wait3A_401 = arith.constant 0 : i32
        %dma_wait3A_402 = arith.constant 0 : i32
        %dma_wait3A_403 = tpu.memref_slice %arg14[%dma_wait3A_401, %dma_wait3A_402] : memref<10000x128xf32, #tpu.memory_space<vmem_shared>> -> memref<10000x128xf32, #tpu.memory_space<vmem_shared>>
        tpu.wait_indirect_dma semaphore(%run_scoped3A : memref<!tpu.dma_semaphore, #tpu.memory_space<semaphore_mem>>) src(%arg13 : memref<80x128xf32, #tpu.memory_space<vmem>>) dst(%dma_wait3A_403 : memref<10000x128xf32, #tpu.memory_space<vmem_shared>>)
        tpu.yield
      }) : () -> ()
      %scan3A_397 = arith.constant 0 : i32
      scf.yield %scan3A_397 : i32
    }
    %scan3A_64 = arith.constant 41 : i32
    %get3A = arith.constant 9840 : index
    %get3A_65 = tpu.vector_load %arg9[%get3A] {strides = array<i32>} : memref<10000xi32, #tpu.memory_space<vmem>>, vector<16xi32>,
    %get3A_66 = vector.shape_cast %get3A_65 : vector<16xi32> to vector<16xi32>
    %swap3A = arith.constant 0 : index
    %swap3A_67 = tpu.vector_load %arg10[%swap3A] {strides = array<i32>} : memref<80xi32, #tpu.memory_space<vmem>>, vector<16xi32>,
    %swap3A_68 = vector.shape_cast %swap3A_67 : vector<16xi32> to vector<16xi32>
    %swap3A_69 = vector.shape_cast %get3A_66 : vector<16xi32> to vector<16xi32>
    tpu.vector_store %arg10[%swap3A], %swap3A_69 {strides = array<i32>} : memref<80xi32, #tpu.memory_space<vmem>>, vector<16xi32>,
    %get3A_70 = arith.constant 9856 : index
    %get3A_71 = tpu.vector_load %arg9[%get3A_70] {strides = array<i32>} : memref<10000xi32, #tpu.memory_space<vmem>>, vector<16xi32>,
    %get3A_72 = vector.shape_cast %get3A_71 : vector<16xi32> to vector<16xi32>
    %swap3A_73 = arith.constant 16 : index
    %swap3A_74 = tpu.vector_load %arg10[%swap3A_73] {strides = array<i32>} : memref<80xi32, #tpu.memory_space<vmem>>, vector<16xi32>,
    %swap3A_75 = vector.shape_cast %swap3A_74 : vector<16xi32> to vector<16xi32>
    %swap3A_76 = vector.shape_cast %get3A_72 : vector<16xi32> to vector<16xi32>
    tpu.vector_store %arg10[%swap3A_73], %swap3A_76 {strides = array<i32>} : memref<80xi32, #tpu.memory_space<vmem>>, vector<16xi32>,
    %get3A_77 = arith.constant 9872 : index
    %get3A_78 = tpu.vector_load %arg9[%get3A_77] {strides = array<i32>} : memref<10000xi32, #tpu.memory_space<vmem>>, vector<16xi32>,
    %get3A_79 = vector.shape_cast %get3A_78 : vector<16xi32> to vector<16xi32>
    %swap3A_80 = arith.constant 32 : index
    %swap3A_81 = tpu.vector_load %arg10[%swap3A_80] {strides = array<i32>} : memref<80xi32, #tpu.memory_space<vmem>>, vector<16xi32>,
    %swap3A_82 = vector.shape_cast %swap3A_81 : vector<16xi32> to vector<16xi32>
    %swap3A_83 = vector.shape_cast %get3A_79 : vector<16xi32> to vector<16xi32>
    tpu.vector_store %arg10[%swap3A_80], %swap3A_83 {strides = array<i32>} : memref<80xi32, #tpu.memory_space<vmem>>, vector<16xi32>,
    %get3A_84 = arith.constant 9888 : index
    %get3A_85 = tpu.vector_load %arg9[%get3A_84] {strides = array<i32>} : memref<10000xi32, #tpu.memory_space<vmem>>, vector<16xi32>,
    %get3A_86 = vector.shape_cast %get3A_85 : vector<16xi32> to vector<16xi32>
    %swap3A_87 = arith.constant 48 : index
    %swap3A_88 = tpu.vector_load %arg10[%swap3A_87] {strides = array<i32>} : memref<80xi32, #tpu.memory_space<vmem>>, vector<16xi32>,
    %swap3A_89 = vector.shape_cast %swap3A_88 : vector<16xi32> to vector<16xi32>
    %swap3A_90 = vector.shape_cast %get3A_86 : vector<16xi32> to vector<16xi32>
    tpu.vector_store %arg10[%swap3A_87], %swap3A_90 {strides = array<i32>} : memref<80xi32, #tpu.memory_space<vmem>>, vector<16xi32>,
    %get3A_91 = arith.constant 9904 : index
    %get3A_92 = tpu.vector_load %arg9[%get3A_91] {strides = array<i32>} : memref<10000xi32, #tpu.memory_space<vmem>>, vector<16xi32>,
    %get3A_93 = vector.shape_cast %get3A_92 : vector<16xi32> to vector<16xi32>
    %swap3A_94 = arith.constant 64 : index
    %swap3A_95 = tpu.vector_load %arg10[%swap3A_94] {strides = array<i32>} : memref<80xi32, #tpu.memory_space<vmem>>, vector<16xi32>,
    %swap3A_96 = vector.shape_cast %swap3A_95 : vector<16xi32> to vector<16xi32>
    %swap3A_97 = vector.shape_cast %get3A_93 : vector<16xi32> to vector<16xi32>
    tpu.vector_store %arg10[%swap3A_94], %swap3A_97 {strides = array<i32>} : memref<80xi32, #tpu.memory_space<vmem>>, vector<16xi32>,
    %multiple_of3A_98 = arith.constant 9840 : i32
    %multiple_of3A_99 = tpu.assume_multiple %multiple_of3A_98, 8 : i32
    %dma_wait3A_100 = tpu.memref_slice %arg8[%multiple_of3A_99] : memref<10000xi32, #tpu.memory_space<vmem>> -> memref<80xi32, #tpu.memory_space<vmem>>
    %dma_wait3A_101 = arith.constant 0 : i32
    %dma_wait3A_102 = arith.constant 0 : i32
    %dma_wait3A_103 = tpu.memref_slice %arg4[%dma_wait3A_101, %dma_wait3A_102] : memref<10000x128xf32, #tpu.memory_space<hbm>> -> memref<10000x128xf32, #tpu.memory_space<hbm>>
    tpu.wait_indirect_dma semaphore(%arg15 : memref<!tpu.dma_semaphore, #tpu.memory_space<semaphore_mem>>) src(%dma_wait3A_103 : memref<10000x128xf32, #tpu.memory_space<hbm>>) dst(%arg11 : memref<80x128xf32, #tpu.memory_space<vmem>>)
    "tpu.region"() ({
      %run_scoped3A = tpu.sem_alloc : memref<!tpu.dma_semaphore, #tpu.memory_space<semaphore_mem>>
      %dma_start3A_177 = arith.constant 0 : i32
      %dma_start3A_178 = arith.constant 0 : i32
      %dma_start3A_179 = tpu.memref_slice %arg14[%dma_start3A_177, %dma_start3A_178] : memref<10000x128xf32, #tpu.memory_space<vmem_shared>> -> memref<10000x128xf32, #tpu.memory_space<vmem_shared>>
      tpu.enqueue_indirect_dma source(%arg11 : memref<80x128xf32, #tpu.memory_space<vmem>>) target(%dma_start3A_179 : memref<10000x128xf32, #tpu.memory_space<vmem_shared>>) offsets(%arg10 : memref<80xi32, #tpu.memory_space<vmem>>) semaphore(%run_scoped3A : memref<!tpu.dma_semaphore, #tpu.memory_space<semaphore_mem>>) {add = true}
      %dma_wait3A_180 = arith.constant 0 : i32
      %dma_wait3A_181 = arith.constant 0 : i32
      %dma_wait3A_182 = tpu.memref_slice %arg14[%dma_wait3A_180, %dma_wait3A_181] : memref<10000x128xf32, #tpu.memory_space<vmem_shared>> -> memref<10000x128xf32, #tpu.memory_space<vmem_shared>>
      tpu.wait_indirect_dma semaphore(%run_scoped3A : memref<!tpu.dma_semaphore, #tpu.memory_space<semaphore_mem>>) src(%arg11 : memref<80x128xf32, #tpu.memory_space<vmem>>) dst(%dma_wait3A_182 : memref<10000x128xf32, #tpu.memory_space<vmem_shared>>)
      tpu.yield
    }) : () -> ()
    %get3A_104 = arith.constant 9920 : index
    %get3A_105 = tpu.vector_load %arg9[%get3A_104] {strides = array<i32>} : memref<10000xi32, #tpu.memory_space<vmem>>, vector<16xi32>,
    %get3A_106 = vector.shape_cast %get3A_105 : vector<16xi32> to vector<16xi32>
    %swap3A_107 = arith.constant 0 : index
    %swap3A_108 = tpu.vector_load %arg10[%swap3A_107] {strides = array<i32>} : memref<80xi32, #tpu.memory_space<vmem>>, vector<16xi32>,
    %swap3A_109 = vector.shape_cast %swap3A_108 : vector<16xi32> to vector<16xi32>
    %swap3A_110 = vector.shape_cast %get3A_106 : vector<16xi32> to vector<16xi32>
    tpu.vector_store %arg10[%swap3A_107], %swap3A_110 {strides = array<i32>} : memref<80xi32, #tpu.memory_space<vmem>>, vector<16xi32>,
    %get3A_111 = arith.constant 9936 : index
    %get3A_112 = tpu.vector_load %arg9[%get3A_111] {strides = array<i32>} : memref<10000xi32, #tpu.memory_space<vmem>>, vector<16xi32>,
    %get3A_113 = vector.shape_cast %get3A_112 : vector<16xi32> to vector<16xi32>
    %swap3A_114 = arith.constant 16 : index
    %swap3A_115 = tpu.vector_load %arg10[%swap3A_114] {strides = array<i32>} : memref<80xi32, #tpu.memory_space<vmem>>, vector<16xi32>,
    %swap3A_116 = vector.shape_cast %swap3A_115 : vector<16xi32> to vector<16xi32>
    %swap3A_117 = vector.shape_cast %get3A_113 : vector<16xi32> to vector<16xi32>
    tpu.vector_store %arg10[%swap3A_114], %swap3A_117 {strides = array<i32>} : memref<80xi32, #tpu.memory_space<vmem>>, vector<16xi32>,
    %get3A_118 = arith.constant 9952 : index
    %get3A_119 = tpu.vector_load %arg9[%get3A_118] {strides = array<i32>} : memref<10000xi32, #tpu.memory_space<vmem>>, vector<16xi32>,
    %get3A_120 = vector.shape_cast %get3A_119 : vector<16xi32> to vector<16xi32>
    %swap3A_121 = arith.constant 32 : index
    %swap3A_122 = tpu.vector_load %arg10[%swap3A_121] {strides = array<i32>} : memref<80xi32, #tpu.memory_space<vmem>>, vector<16xi32>,
    %swap3A_123 = vector.shape_cast %swap3A_122 : vector<16xi32> to vector<16xi32>
    %swap3A_124 = vector.shape_cast %get3A_120 : vector<16xi32> to vector<16xi32>
    tpu.vector_store %arg10[%swap3A_121], %swap3A_124 {strides = array<i32>} : memref<80xi32, #tpu.memory_space<vmem>>, vector<16xi32>,
    %get3A_125 = arith.constant 9968 : index
    %get3A_126 = tpu.vector_load %arg9[%get3A_125] {strides = array<i32>} : memref<10000xi32, #tpu.memory_space<vmem>>, vector<16xi32>,
    %get3A_127 = vector.shape_cast %get3A_126 : vector<16xi32> to vector<16xi32>
    %swap3A_128 = arith.constant 48 : index
    %swap3A_129 = tpu.vector_load %arg10[%swap3A_128] {strides = array<i32>} : memref<80xi32, #tpu.memory_space<vmem>>, vector<16xi32>,
    %swap3A_130 = vector.shape_cast %swap3A_129 : vector<16xi32> to vector<16xi32>
    %swap3A_131 = vector.shape_cast %get3A_127 : vector<16xi32> to vector<16xi32>
    tpu.vector_store %arg10[%swap3A_128], %swap3A_131 {strides = array<i32>} : memref<80xi32, #tpu.memory_space<vmem>>, vector<16xi32>,
    %get3A_132 = arith.constant 9984 : index
    %get3A_133 = tpu.vector_load %arg9[%get3A_132] {strides = array<i32>} : memref<10000xi32, #tpu.memory_space<vmem>>, vector<16xi32>,
    %get3A_134 = vector.shape_cast %get3A_133 : vector<16xi32> to vector<16xi32>
    %swap3A_135 = arith.constant 64 : index
    %swap3A_136 = tpu.vector_load %arg10[%swap3A_135] {strides = array<i32>} : memref<80xi32, #tpu.memory_space<vmem>>, vector<16xi32>,
    %swap3A_137 = vector.shape_cast %swap3A_136 : vector<16xi32> to vector<16xi32>
    %swap3A_138 = vector.shape_cast %get3A_134 : vector<16xi32> to vector<16xi32>
    tpu.vector_store %arg10[%swap3A_135], %swap3A_138 {strides = array<i32>} : memref<80xi32, #tpu.memory_space<vmem>>, vector<16xi32>,
    %multiple_of3A_139 = arith.constant 9920 : i32
    %multiple_of3A_140 = tpu.assume_multiple %multiple_of3A_139, 8 : i32
    %dma_wait3A_141 = tpu.memref_slice %arg8[%multiple_of3A_140] : memref<10000xi32, #tpu.memory_space<vmem>> -> memref<80xi32, #tpu.memory_space<vmem>>
    %dma_wait3A_142 = arith.constant 0 : i32
    %dma_wait3A_143 = arith.constant 0 : i32
    %dma_wait3A_144 = tpu.memref_slice %arg4[%dma_wait3A_142, %dma_wait3A_143] : memref<10000x128xf32, #tpu.memory_space<hbm>> -> memref<10000x128xf32, #tpu.memory_space<hbm>>
    tpu.wait_indirect_dma semaphore(%arg16 : memref<!tpu.dma_semaphore, #tpu.memory_space<semaphore_mem>>) src(%dma_wait3A_144 : memref<10000x128xf32, #tpu.memory_space<hbm>>) dst(%arg12 : memref<80x128xf32, #tpu.memory_space<vmem>>)
    "tpu.region"() ({
      %run_scoped3A = tpu.sem_alloc : memref<!tpu.dma_semaphore, #tpu.memory_space<semaphore_mem>>
      %dma_start3A_177 = arith.constant 0 : i32
      %dma_start3A_178 = arith.constant 0 : i32
      %dma_start3A_179 = tpu.memref_slice %arg14[%dma_start3A_177, %dma_start3A_178] : memref<10000x128xf32, #tpu.memory_space<vmem_shared>> -> memref<10000x128xf32, #tpu.memory_space<vmem_shared>>
      tpu.enqueue_indirect_dma source(%arg12 : memref<80x128xf32, #tpu.memory_space<vmem>>) target(%dma_start3A_179 : memref<10000x128xf32, #tpu.memory_space<vmem_shared>>) offsets(%arg10 : memref<80xi32, #tpu.memory_space<vmem>>) semaphore(%run_scoped3A : memref<!tpu.dma_semaphore, #tpu.memory_space<semaphore_mem>>) {add = true}
      %dma_wait3A_180 = arith.constant 0 : i32
      %dma_wait3A_181 = arith.constant 0 : i32
      %dma_wait3A_182 = tpu.memref_slice %arg14[%dma_wait3A_180, %dma_wait3A_181] : memref<10000x128xf32, #tpu.memory_space<vmem_shared>> -> memref<10000x128xf32, #tpu.memory_space<vmem_shared>>
      tpu.wait_indirect_dma semaphore(%run_scoped3A : memref<!tpu.dma_semaphore, #tpu.memory_space<semaphore_mem>>) src(%arg12 : memref<80x128xf32, #tpu.memory_space<vmem>>) dst(%dma_wait3A_182 : memref<10000x128xf32, #tpu.memory_space<vmem_shared>>)
      tpu.yield
    }) : () -> ()
    %barrier3A_145 = arith.constant 0 : index
    tpu.barrier barrier_id(%barrier3A_145)
    %eq3A_146 = arith.constant 0 : i32
    %eq3A_147 = arith.cmpi eq, %arg0, %eq3A_146 : i32
    %lt3A_148 = arith.constant 15 : i32
    %lt3A_149 = arith.cmpi slt, %arg1, %lt3A_148 : i32
    %and3A = arith.andi %eq3A_147, %lt3A_149 : i1
    %convert_element_type3A_150 = arith.extui %and3A : i1 to i32
    %cond3A_151 = arith.constant 0 : i32
    %cond3A_152 = arith.cmpi ne, %convert_element_type3A_150, %cond3A_151 : i32
    scf.if %cond3A_152 {
      "tpu.region"() ({
        %run_scoped3A = tpu.sem_alloc : memref<!tpu.dma_semaphore, #tpu.memory_space<semaphore_mem>>
        %dma_start3A_177 = arith.constant 0 : i32
        %dma_start3A_178 = tpu.memref_slice %arg6[%multiple_of3A, %dma_start3A_177] : memref<10000x128xf32, #tpu.memory_space<hbm>> -> memref<640x128xf32, #tpu.memory_space<hbm>>
        %dma_start3A_179 = arith.constant 0 : i32
        %dma_start3A_180 = tpu.memref_slice %arg14[%multiple_of3A, %dma_start3A_179] : memref<10000x128xf32, #tpu.memory_space<vmem_shared>> -> memref<640x128xf32, #tpu.memory_space<vmem_shared>>
        tpu.enqueue_dma source(%dma_start3A_180 : memref<640x128xf32, #tpu.memory_space<vmem_shared>>) target(%dma_start3A_178 : memref<640x128xf32, #tpu.memory_space<hbm>>) target_semaphore(%run_scoped3A : memref<!tpu.dma_semaphore, #tpu.memory_space<semaphore_mem>>)
        %dma_wait3A_181 = arith.constant 0 : i32
        %dma_wait3A_182 = tpu.memref_slice %arg6[%multiple_of3A, %dma_wait3A_181] : memref<10000x128xf32, #tpu.memory_space<hbm>> -> memref<640x128xf32, #tpu.memory_space<hbm>>
        %dma_wait3A_183 = arith.constant 0 : i32
        %dma_wait3A_184 = tpu.memref_slice %arg14[%multiple_of3A, %dma_wait3A_183] : memref<10000x128xf32, #tpu.memory_space<vmem_shared>> -> memref<640x128xf32, #tpu.memory_space<vmem_shared>>
        tpu.wait_dma2 semaphore(%run_scoped3A : memref<!tpu.dma_semaphore, #tpu.memory_space<semaphore_mem>>) src(%dma_wait3A_184 : memref<640x128xf32, #tpu.memory_space<vmem_shared>>) dst(%dma_wait3A_182 : memref<640x128xf32, #tpu.memory_space<hbm>>)
        tpu.yield
      }) : () -> ()
    } else {
    }
    %eq3A_153 = arith.constant 0 : i32
    %eq3A_154 = arith.cmpi eq, %arg0, %eq3A_153 : i32
    %eq3A_155 = arith.constant 15 : i32
    %eq3A_156 = arith.cmpi eq, %arg1, %eq3A_155 : i32
    %and3A_157 = arith.andi %eq3A_154, %eq3A_156 : i1
    %convert_element_type3A_158 = arith.extui %and3A_157 : i1 to i32
    %cond3A_159 = arith.constant 0 : i32
    %cond3A_160 = arith.cmpi ne, %convert_element_type3A_158, %cond3A_159 : i32
    scf.if %cond3A_160 {
      "tpu.region"() ({
        %run_scoped3A = tpu.sem_alloc : memref<!tpu.dma_semaphore, #tpu.memory_space<semaphore_mem>>
        %dma_start3A_177 = arith.constant 9600 : i32
        %dma_start3A_178 = arith.constant 0 : i32
        %dma_start3A_179 = tpu.memref_slice %arg6[%dma_start3A_177, %dma_start3A_178] : memref<10000x128xf32, #tpu.memory_space<hbm>> -> memref<400x128xf32, #tpu.memory_space<hbm>>
        %dma_start3A_180 = arith.constant 9600 : i32
        %dma_start3A_181 = arith.constant 0 : i32
        %dma_start3A_182 = tpu.memref_slice %arg14[%dma_start3A_180, %dma_start3A_181] : memref<10000x128xf32, #tpu.memory_space<vmem_shared>> -> memref<400x128xf32, #tpu.memory_space<vmem_shared>>
        tpu.enqueue_dma source(%dma_start3A_182 : memref<400x128xf32, #tpu.memory_space<vmem_shared>>) target(%dma_start3A_179 : memref<400x128xf32, #tpu.memory_space<hbm>>) target_semaphore(%run_scoped3A : memref<!tpu.dma_semaphore, #tpu.memory_space<semaphore_mem>>)
        %dma_wait3A_183 = arith.constant 9600 : i32
        %dma_wait3A_184 = arith.constant 0 : i32
        %dma_wait3A_185 = tpu.memref_slice %arg6[%dma_wait3A_183, %dma_wait3A_184] : memref<10000x128xf32, #tpu.memory_space<hbm>> -> memref<400x128xf32, #tpu.memory_space<hbm>>
        %dma_wait3A_186 = arith.constant 9600 : i32
        %dma_wait3A_187 = arith.constant 0 : i32
        %dma_wait3A_188 = tpu.memref_slice %arg14[%dma_wait3A_186, %dma_wait3A_187] : memref<10000x128xf32, #tpu.memory_space<vmem_shared>> -> memref<400x128xf32, #tpu.memory_space<vmem_shared>>
        tpu.wait_dma2 semaphore(%run_scoped3A : memref<!tpu.dma_semaphore, #tpu.memory_space<semaphore_mem>>) src(%dma_wait3A_188 : memref<400x128xf32, #tpu.memory_space<vmem_shared>>) dst(%dma_wait3A_185 : memref<400x128xf32, #tpu.memory_space<hbm>>)
        tpu.yield
      }) : () -> ()
    } else {
    }
    %eq3A_161 = arith.constant 1 : i32
    %eq3A_162 = arith.cmpi eq, %arg0, %eq3A_161 : i32
    %lt3A_163 = arith.constant 15 : i32
    %lt3A_164 = arith.cmpi slt, %arg1, %lt3A_163 : i32
    %and3A_165 = arith.andi %eq3A_162, %lt3A_164 : i1
    %convert_element_type3A_166 = arith.extui %and3A_165 : i1 to i32
    %cond3A_167 = arith.constant 0 : i32
    %cond3A_168 = arith.cmpi ne, %convert_element_type3A_166, %cond3A_167 : i32
    scf.if %cond3A_168 {
      "tpu.region"() ({
        %run_scoped3A = tpu.sem_alloc : memref<!tpu.dma_semaphore, #tpu.memory_space<semaphore_mem>>
        %dma_start3A_177 = arith.constant 0 : i32
        %dma_start3A_178 = tpu.memref_slice %arg7[%multiple_of3A, %dma_start3A_177] : memref<10000x128xf32, #tpu.memory_space<hbm>> -> memref<640x128xf32, #tpu.memory_space<hbm>>
        %dma_start3A_179 = arith.constant 0 : i32
        %dma_start3A_180 = tpu.memref_slice %arg14[%multiple_of3A, %dma_start3A_179] : memref<10000x128xf32, #tpu.memory_space<vmem_shared>> -> memref<640x128xf32, #tpu.memory_space<vmem_shared>>
        tpu.enqueue_dma source(%dma_start3A_180 : memref<640x128xf32, #tpu.memory_space<vmem_shared>>) target(%dma_start3A_178 : memref<640x128xf32, #tpu.memory_space<hbm>>) target_semaphore(%run_scoped3A : memref<!tpu.dma_semaphore, #tpu.memory_space<semaphore_mem>>)
        %dma_wait3A_181 = arith.constant 0 : i32
        %dma_wait3A_182 = tpu.memref_slice %arg7[%multiple_of3A, %dma_wait3A_181] : memref<10000x128xf32, #tpu.memory_space<hbm>> -> memref<640x128xf32, #tpu.memory_space<hbm>>
        %dma_wait3A_183 = arith.constant 0 : i32
        %dma_wait3A_184 = tpu.memref_slice %arg14[%multiple_of3A, %dma_wait3A_183] : memref<10000x128xf32, #tpu.memory_space<vmem_shared>> -> memref<640x128xf32, #tpu.memory_space<vmem_shared>>
        tpu.wait_dma2 semaphore(%run_scoped3A : memref<!tpu.dma_semaphore, #tpu.memory_space<semaphore_mem>>) src(%dma_wait3A_184 : memref<640x128xf32, #tpu.memory_space<vmem_shared>>) dst(%dma_wait3A_182 : memref<640x128xf32, #tpu.memory_space<hbm>>)
        tpu.yield
      }) : () -> ()
    } else {
    }
    %eq3A_169 = arith.constant 1 : i32
    %eq3A_170 = arith.cmpi eq, %arg0, %eq3A_169 : i32
    %eq3A_171 = arith.constant 15 : i32
    %eq3A_172 = arith.cmpi eq, %arg1, %eq3A_171 : i32
    %and3A_173 = arith.andi %eq3A_170, %eq3A_172 : i1
    %convert_element_type3A_174 = arith.extui %and3A_173 : i1 to i32
    %cond3A_175 = arith.constant 0 : i32
    %cond3A_176 = arith.cmpi ne, %convert_element_type3A_174, %cond3A_175 : i32
    scf.if %cond3A_176 {
      "tpu.region"() ({
        %run_scoped3A = tpu.sem_alloc : memref<!tpu.dma_semaphore, #tpu.memory_space<semaphore_mem>>
        %dma_start3A_177 = arith.constant 9600 : i32
        %dma_start3A_178 = arith.constant 0 : i32
        %dma_start3A_179 = tpu.memref_slice %arg7[%dma_start3A_177, %dma_start3A_178] : memref<10000x128xf32, #tpu.memory_space<hbm>> -> memref<400x128xf32, #tpu.memory_space<hbm>>
        %dma_start3A_180 = arith.constant 9600 : i32
        %dma_start3A_181 = arith.constant 0 : i32
        %dma_start3A_182 = tpu.memref_slice %arg14[%dma_start3A_180, %dma_start3A_181] : memref<10000x128xf32, #tpu.memory_space<vmem_shared>> -> memref<400x128xf32, #tpu.memory_space<vmem_shared>>
        tpu.enqueue_dma source(%dma_start3A_182 : memref<400x128xf32, #tpu.memory_space<vmem_shared>>) target(%dma_start3A_179 : memref<400x128xf32, #tpu.memory_space<hbm>>) target_semaphore(%run_scoped3A : memref<!tpu.dma_semaphore, #tpu.memory_space<semaphore_mem>>)
        %dma_wait3A_183 = arith.constant 9600 : i32
        %dma_wait3A_184 = arith.constant 0 : i32
        %dma_wait3A_185 = tpu.memref_slice %arg7[%dma_wait3A_183, %dma_wait3A_184] : memref<10000x128xf32, #tpu.memory_space<hbm>> -> memref<400x128xf32, #tpu.memory_space<hbm>>
        %dma_wait3A_186 = arith.constant 9600 : i32
        %dma_wait3A_187 = arith.constant 0 : i32
        %dma_wait3A_188 = tpu.memref_slice %arg14[%dma_wait3A_186, %dma_wait3A_187] : memref<10000x128xf32, #tpu.memory_space<vmem_shared>> -> memref<400x128xf32, #tpu.memory_space<vmem_shared>>
        tpu.wait_dma2 semaphore(%run_scoped3A : memref<!tpu.dma_semaphore, #tpu.memory_space<semaphore_mem>>) src(%dma_wait3A_188 : memref<400x128xf32, #tpu.memory_space<vmem_shared>>) dst(%dma_wait3A_185 : memref<400x128xf32, #tpu.memory_space<hbm>>)
        tpu.yield
      }) : () -> ()
    } else {
    }
    return
  }
}

module attributes {stable_mosaic.version = 14 : i64} {
  func.func @_comb1_body(%arg0: i32, %arg1: memref<2000x128xf32, #tpu.memory_space<vmem>>, %arg2: memref<2000x128xf32, #tpu.memory_space<vmem>>, %arg3: memref<2000x128xf32, #tpu.memory_space<vmem>>, %arg4: memref<2000x128xf32, #tpu.memory_space<vmem>>, %arg5: memref<256x256xf32, #tpu.memory_space<vmem>>, %arg6: memref<2000x128xf32, #tpu.memory_space<vmem>>, %arg7: memref<2000x128xf32, #tpu.memory_space<vmem>>) attributes {dimension_semantics = [#tpu.dimension_semantics<arbitrary>], iteration_bounds = array<i64: 5>, scalar_prefetch = 0 : i64, scratch_operands = 0 : i64, tpu.core_type = #tpu.core_type<tc>, window_params = [{transform_indices = @transform_0, window_bounds = array<i64: 2000, 128>}, {transform_indices = @transform_1, window_bounds = array<i64: 2000, 128>}, {transform_indices = @transform_2, window_bounds = array<i64: 2000, 128>}, {transform_indices = @transform_3, window_bounds = array<i64: 2000, 128>}, {pipeline_mode = #tpu.pipeline_mode<synchronous>, transform_indices = @transform_4, window_bounds = array<i64: 256, 256>}, {transform_indices = @transform_5, window_bounds = array<i64: 2000, 128>}, {transform_indices = @transform_6, window_bounds = array<i64: 2000, 128>}]} {
    %get3A = arith.constant 0 : index
    %get3A_0 = arith.constant 0 : index
    %get3A_1 = vector.load %arg1[%get3A, %get3A_0] : memref<2000x128xf32, #tpu.memory_space<vmem>>, vector<2000x128xf32>
    %get3A_2 = arith.constant 0 : index
    %get3A_3 = arith.constant 0 : index
    %get3A_4 = vector.load %arg2[%get3A_2, %get3A_3] : memref<2000x128xf32, #tpu.memory_space<vmem>>, vector<2000x128xf32>
    %concatenate3A = tpu.concatenate %get3A_1, %get3A_4 in 1 : vector<2000x128xf32>, vector<2000x128xf32> -> vector<2000x256xf32>
    %get3A_5 = arith.constant 0 : index
    %get3A_6 = arith.constant 0 : index
    %get3A_7 = vector.load %arg3[%get3A_5, %get3A_6] : memref<2000x128xf32, #tpu.memory_space<vmem>>, vector<2000x128xf32>
    %get3A_8 = arith.constant 0 : index
    %get3A_9 = arith.constant 0 : index
    %get3A_10 = vector.load %arg4[%get3A_8, %get3A_9] : memref<2000x128xf32, #tpu.memory_space<vmem>>, vector<2000x128xf32>
    %concatenate3A_11 = tpu.concatenate %get3A_7, %get3A_10 in 1 : vector<2000x128xf32>, vector<2000x128xf32> -> vector<2000x256xf32>
    %mul3A = arith.constant 0.899999976 : f32
    %mul3A_12 = vector.broadcast %mul3A : f32 to vector<2000x256xf32>
    %mul3A_13 = arith.mulf %mul3A_12, %concatenate3A : vector<2000x256xf32>
    %mul3A_14 = arith.constant 1.000000e-01 : f32
    %mul3A_15 = vector.broadcast %mul3A_14 : f32 to vector<2000x256xf32>
    %mul3A_16 = arith.mulf %mul3A_15, %concatenate3A_11 : vector<2000x256xf32>
    %add3A = arith.addf %mul3A_13, %mul3A_16 : vector<2000x256xf32>
    %mul3A_17 = arith.constant 0.594534874 : f32
    %mul3A_18 = vector.broadcast %mul3A_17 : f32 to vector<2000x256xf32>
    %mul3A_19 = arith.mulf %mul3A_18, %add3A : vector<2000x256xf32>
    %get3A_20 = arith.constant 0 : index
    %get3A_21 = arith.constant 0 : index
    %get3A_22 = vector.load %arg5[%get3A_20, %get3A_21] : memref<256x256xf32, #tpu.memory_space<vmem>>, vector<256x256xf32>
    %dot_general3A = arith.constant dense<0.000000e+00> : vector<2000x256xf32>
    %dot_general3A_23 = tpu.matmul %add3A, %get3A_22, %dot_general3A {dimension_numbers = #tpu.dot_dimension_numbers<[1], [0], [0], [1], [0, 0, 1, 1], [], []>, transpose_lhs_hint = false} : vector<2000x256xf32>, vector<256x256xf32>, vector<2000x256xf32> -> vector<2000x256xf32>
    %mul3A_24 = arith.constant 0.405465096 : f32
    %mul3A_25 = vector.broadcast %mul3A_24 : f32 to vector<2000x256xf32>
    %mul3A_26 = arith.mulf %mul3A_25, %dot_general3A_23 : vector<2000x256xf32>
    %add3A_27 = arith.addf %mul3A_19, %mul3A_26 : vector<2000x256xf32>
    %max3A = arith.constant 0.000000e+00 : f32
    %max3A_28 = vector.broadcast %max3A : f32 to vector<2000x256xf32>
    %max3A_29 = arith.maximumf %add3A_27, %max3A_28 : vector<2000x256xf32>
    %slice3A = vector.extract_strided_slice %max3A_29 {offsets = [0, 0], sizes = [2000, 128], strides = [1, 1]} : vector<2000x256xf32> to vector<2000x128xf32>
    %swap3A = arith.constant 0 : index
    %swap3A_30 = arith.constant 0 : index
    %swap3A_31 = vector.load %arg6[%swap3A, %swap3A_30] : memref<2000x128xf32, #tpu.memory_space<vmem>>, vector<2000x128xf32>
    tpu.vector_store %arg6[%swap3A, %swap3A_30], %slice3A {strides = array<i32>} : memref<2000x128xf32, #tpu.memory_space<vmem>>, vector<2000x128xf32>,
    %slice3A_32 = vector.extract_strided_slice %max3A_29 {offsets = [0, 128], sizes = [2000, 128], strides = [1, 1]} : vector<2000x256xf32> to vector<2000x128xf32>
    %swap3A_33 = arith.constant 0 : index
    %swap3A_34 = arith.constant 0 : index
    %swap3A_35 = vector.load %arg7[%swap3A_33, %swap3A_34] : memref<2000x128xf32, #tpu.memory_space<vmem>>, vector<2000x128xf32>
    tpu.vector_store %arg7[%swap3A_33, %swap3A_34], %slice3A_32 {strides = array<i32>} : memref<2000x128xf32, #tpu.memory_space<vmem>>, vector<2000x128xf32>,
    return
  }
  func.func @transform_0(%arg0: i32) -> (i32, i32) {
    %c0_i32 = arith.constant 0 : i32
    %c0_i32_0 = arith.constant 0 : i32
    return %arg0, %c0_i32 : i32, i32
  }
  func.func @transform_1(%arg0: i32) -> (i32, i32) {
    %c0_i32 = arith.constant 0 : i32
    %c0_i32_0 = arith.constant 0 : i32
    return %arg0, %c0_i32 : i32, i32
  }
  func.func @transform_2(%arg0: i32) -> (i32, i32) {
    %c0_i32 = arith.constant 0 : i32
    %c0_i32_0 = arith.constant 0 : i32
    return %arg0, %c0_i32 : i32, i32
  }
  func.func @transform_3(%arg0: i32) -> (i32, i32) {
    %c0_i32 = arith.constant 0 : i32
    %c0_i32_0 = arith.constant 0 : i32
    return %arg0, %c0_i32 : i32, i32
  }
  func.func @transform_4(%arg0: i32) -> (i32, i32) {
    %c0_i32 = arith.constant 0 : i32
    %c0_i32_0 = arith.constant 0 : i32
    %c0_i32_1 = arith.constant 0 : i32
    return %c0_i32, %c0_i32_0 : i32, i32
  }
  func.func @transform_5(%arg0: i32) -> (i32, i32) {
    %c0_i32 = arith.constant 0 : i32
    %c0_i32_0 = arith.constant 0 : i32
    return %arg0, %c0_i32 : i32, i32
  }
  func.func @transform_6(%arg0: i32) -> (i32, i32) {
    %c0_i32 = arith.constant 0 : i32
    %c0_i32_0 = arith.constant 0 : i32
    return %arg0, %c0_i32 : i32, i32
  }
}

module attributes {stable_mosaic.version = 14 : i64} {
  func.func @_lin0_body(%arg0: i32, %arg1: memref<2000x256xf32, #tpu.memory_space<vmem>>, %arg2: memref<256x256xf32, #tpu.memory_space<vmem>>, %arg3: memref<1x256xf32, #tpu.memory_space<vmem>>, %arg4: memref<2000x128xf32, #tpu.memory_space<vmem>>, %arg5: memref<2000x128xf32, #tpu.memory_space<vmem>>) attributes {dimension_semantics = [#tpu.dimension_semantics<arbitrary>], iteration_bounds = array<i64: 5>, scalar_prefetch = 0 : i64, scratch_operands = 0 : i64, tpu.core_type = #tpu.core_type<tc>, window_params = [{transform_indices = @transform_0, window_bounds = array<i64: 2000, 256>}, {pipeline_mode = #tpu.pipeline_mode<synchronous>, transform_indices = @transform_1, window_bounds = array<i64: 256, 256>}, {pipeline_mode = #tpu.pipeline_mode<synchronous>, transform_indices = @transform_2, window_bounds = array<i64: 1, 256>}, {transform_indices = @transform_3, window_bounds = array<i64: 2000, 128>}, {transform_indices = @transform_4, window_bounds = array<i64: 2000, 128>}]} {
    %get3A = arith.constant 0 : index
    %get3A_0 = arith.constant 0 : index
    %get3A_1 = vector.load %arg1[%get3A, %get3A_0] : memref<2000x256xf32, #tpu.memory_space<vmem>>, vector<2000x256xf32>
    %get3A_2 = arith.constant 0 : index
    %get3A_3 = arith.constant 0 : index
    %get3A_4 = vector.load %arg2[%get3A_2, %get3A_3] : memref<256x256xf32, #tpu.memory_space<vmem>>, vector<256x256xf32>
    %dot_general3A = arith.constant dense<0.000000e+00> : vector<2000x256xf32>
    %dot_general3A_5 = tpu.matmul %get3A_1, %get3A_4, %dot_general3A {dimension_numbers = #tpu.dot_dimension_numbers<[1], [1], [0], [0], [0, 0, 1, 0], [], []>, transpose_lhs_hint = false} : vector<2000x256xf32>, vector<256x256xf32>, vector<2000x256xf32> -> vector<2000x256xf32>
    %get3A_6 = arith.constant 0 : index
    %get3A_7 = arith.constant 0 : index
    %get3A_8 = vector.load %arg3[%get3A_6, %get3A_7] : memref<1x256xf32, #tpu.memory_space<vmem>>, vector<1x256xf32>
    %add3A = vector.broadcast %get3A_8 : vector<1x256xf32> to vector<2000x256xf32>
    %add3A_9 = arith.addf %dot_general3A_5, %add3A : vector<2000x256xf32>
    %max3A = arith.constant 0.000000e+00 : f32
    %max3A_10 = vector.broadcast %max3A : f32 to vector<2000x256xf32>
    %max3A_11 = arith.maximumf %add3A_9, %max3A_10 : vector<2000x256xf32>
    %slice3A = vector.extract_strided_slice %max3A_11 {offsets = [0, 0], sizes = [2000, 128], strides = [1, 1]} : vector<2000x256xf32> to vector<2000x128xf32>
    %swap3A = arith.constant 0 : index
    %swap3A_12 = arith.constant 0 : index
    %swap3A_13 = vector.load %arg4[%swap3A, %swap3A_12] : memref<2000x128xf32, #tpu.memory_space<vmem>>, vector<2000x128xf32>
    tpu.vector_store %arg4[%swap3A, %swap3A_12], %slice3A {strides = array<i32>} : memref<2000x128xf32, #tpu.memory_space<vmem>>, vector<2000x128xf32>,
    %slice3A_14 = vector.extract_strided_slice %max3A_11 {offsets = [0, 128], sizes = [2000, 128], strides = [1, 1]} : vector<2000x256xf32> to vector<2000x128xf32>
    %swap3A_15 = arith.constant 0 : index
    %swap3A_16 = arith.constant 0 : index
    %swap3A_17 = vector.load %arg5[%swap3A_15, %swap3A_16] : memref<2000x128xf32, #tpu.memory_space<vmem>>, vector<2000x128xf32>
    tpu.vector_store %arg5[%swap3A_15, %swap3A_16], %slice3A_14 {strides = array<i32>} : memref<2000x128xf32, #tpu.memory_space<vmem>>, vector<2000x128xf32>,
    return
  }
  func.func @transform_0(%arg0: i32) -> (i32, i32) {
    %c0_i32 = arith.constant 0 : i32
    %c0_i32_0 = arith.constant 0 : i32
    return %arg0, %c0_i32 : i32, i32
  }
  func.func @transform_1(%arg0: i32) -> (i32, i32) {
    %c0_i32 = arith.constant 0 : i32
    %c0_i32_0 = arith.constant 0 : i32
    %c0_i32_1 = arith.constant 0 : i32
    return %c0_i32, %c0_i32_0 : i32, i32
  }
  func.func @transform_2(%arg0: i32) -> (i32, i32) {
    %c0_i32 = arith.constant 0 : i32
    %c0_i32_0 = arith.constant 0 : i32
    %c0_i32_1 = arith.constant 0 : i32
    return %c0_i32, %c0_i32_0 : i32, i32
  }
  func.func @transform_3(%arg0: i32) -> (i32, i32) {
    %c0_i32 = arith.constant 0 : i32
    %c0_i32_0 = arith.constant 0 : i32
    return %arg0, %c0_i32 : i32, i32
  }
  func.func @transform_4(%arg0: i32) -> (i32, i32) {
    %c0_i32 = arith.constant 0 : i32
    %c0_i32_0 = arith.constant 0 : i32
    return %arg0, %c0_i32 : i32, i32
  }
}

module attributes {stable_mosaic.version = 14 : i64} {
  func.func @_comb2_body(%arg0: i32, %arg1: memref<2000x128xf32, #tpu.memory_space<vmem>>, %arg2: memref<2000x128xf32, #tpu.memory_space<vmem>>, %arg3: memref<2000x128xf32, #tpu.memory_space<vmem>>, %arg4: memref<2000x128xf32, #tpu.memory_space<vmem>>, %arg5: memref<256x256xf32, #tpu.memory_space<vmem>>, %arg6: memref<256x256xf32, #tpu.memory_space<vmem>>, %arg7: memref<1x256xf32, #tpu.memory_space<vmem>>, %arg8: memref<2000x256xf32, #tpu.memory_space<vmem>>) attributes {dimension_semantics = [#tpu.dimension_semantics<arbitrary>], iteration_bounds = array<i64: 5>, scalar_prefetch = 0 : i64, scratch_operands = 0 : i64, tpu.core_type = #tpu.core_type<tc>, window_params = [{transform_indices = @transform_0, window_bounds = array<i64: 2000, 128>}, {transform_indices = @transform_1, window_bounds = array<i64: 2000, 128>}, {transform_indices = @transform_2, window_bounds = array<i64: 2000, 128>}, {transform_indices = @transform_3, window_bounds = array<i64: 2000, 128>}, {pipeline_mode = #tpu.pipeline_mode<synchronous>, transform_indices = @transform_4, window_bounds = array<i64: 256, 256>}, {pipeline_mode = #tpu.pipeline_mode<synchronous>, transform_indices = @transform_5, window_bounds = array<i64: 256, 256>}, {pipeline_mode = #tpu.pipeline_mode<synchronous>, transform_indices = @transform_6, window_bounds = array<i64: 1, 256>}, {transform_indices = @transform_7, window_bounds = array<i64: 2000, 256>}]} {
    %get3A = arith.constant 0 : index
    %get3A_0 = arith.constant 0 : index
    %get3A_1 = vector.load %arg1[%get3A, %get3A_0] : memref<2000x128xf32, #tpu.memory_space<vmem>>, vector<2000x128xf32>
    %get3A_2 = arith.constant 0 : index
    %get3A_3 = arith.constant 0 : index
    %get3A_4 = vector.load %arg2[%get3A_2, %get3A_3] : memref<2000x128xf32, #tpu.memory_space<vmem>>, vector<2000x128xf32>
    %concatenate3A = tpu.concatenate %get3A_1, %get3A_4 in 1 : vector<2000x128xf32>, vector<2000x128xf32> -> vector<2000x256xf32>
    %get3A_5 = arith.constant 0 : index
    %get3A_6 = arith.constant 0 : index
    %get3A_7 = vector.load %arg3[%get3A_5, %get3A_6] : memref<2000x128xf32, #tpu.memory_space<vmem>>, vector<2000x128xf32>
    %get3A_8 = arith.constant 0 : index
    %get3A_9 = arith.constant 0 : index
    %get3A_10 = vector.load %arg4[%get3A_8, %get3A_9] : memref<2000x128xf32, #tpu.memory_space<vmem>>, vector<2000x128xf32>
    %concatenate3A_11 = tpu.concatenate %get3A_7, %get3A_10 in 1 : vector<2000x128xf32>, vector<2000x128xf32> -> vector<2000x256xf32>
    %mul3A = arith.constant 0.899999976 : f32
    %mul3A_12 = vector.broadcast %mul3A : f32 to vector<2000x256xf32>
    %mul3A_13 = arith.mulf %mul3A_12, %concatenate3A : vector<2000x256xf32>
    %mul3A_14 = arith.constant 1.000000e-01 : f32
    %mul3A_15 = vector.broadcast %mul3A_14 : f32 to vector<2000x256xf32>
    %mul3A_16 = arith.mulf %mul3A_15, %concatenate3A_11 : vector<2000x256xf32>
    %add3A = arith.addf %mul3A_13, %mul3A_16 : vector<2000x256xf32>
    %mul3A_17 = arith.constant 0.776856422 : f32
    %mul3A_18 = vector.broadcast %mul3A_17 : f32 to vector<2000x256xf32>
    %mul3A_19 = arith.mulf %mul3A_18, %add3A : vector<2000x256xf32>
    %get3A_20 = arith.constant 0 : index
    %get3A_21 = arith.constant 0 : index
    %get3A_22 = vector.load %arg5[%get3A_20, %get3A_21] : memref<256x256xf32, #tpu.memory_space<vmem>>, vector<256x256xf32>
    %dot_general3A = arith.constant dense<0.000000e+00> : vector<2000x256xf32>
    %dot_general3A_23 = tpu.matmul %add3A, %get3A_22, %dot_general3A {dimension_numbers = #tpu.dot_dimension_numbers<[1], [0], [0], [1], [0, 0, 1, 1], [], []>, transpose_lhs_hint = false} : vector<2000x256xf32>, vector<256x256xf32>, vector<2000x256xf32> -> vector<2000x256xf32>
    %mul3A_24 = arith.constant 0.223143548 : f32
    %mul3A_25 = vector.broadcast %mul3A_24 : f32 to vector<2000x256xf32>
    %mul3A_26 = arith.mulf %mul3A_25, %dot_general3A_23 : vector<2000x256xf32>
    %add3A_27 = arith.addf %mul3A_19, %mul3A_26 : vector<2000x256xf32>
    %get3A_28 = arith.constant 0 : index
    %get3A_29 = arith.constant 0 : index
    %get3A_30 = vector.load %arg6[%get3A_28, %get3A_29] : memref<256x256xf32, #tpu.memory_space<vmem>>, vector<256x256xf32>
    %dot_general3A_31 = arith.constant dense<0.000000e+00> : vector<2000x256xf32>
    %dot_general3A_32 = tpu.matmul %add3A_27, %get3A_30, %dot_general3A_31 {dimension_numbers = #tpu.dot_dimension_numbers<[1], [1], [0], [0], [0, 0, 1, 0], [], []>, transpose_lhs_hint = false} : vector<2000x256xf32>, vector<256x256xf32>, vector<2000x256xf32> -> vector<2000x256xf32>
    %get3A_33 = arith.constant 0 : index
    %get3A_34 = arith.constant 0 : index
    %get3A_35 = vector.load %arg7[%get3A_33, %get3A_34] : memref<1x256xf32, #tpu.memory_space<vmem>>, vector<1x256xf32>
    %add3A_36 = vector.broadcast %get3A_35 : vector<1x256xf32> to vector<2000x256xf32>
    %add3A_37 = arith.addf %dot_general3A_32, %add3A_36 : vector<2000x256xf32>
    %swap3A = arith.constant 0 : index
    %swap3A_38 = arith.constant 0 : index
    %swap3A_39 = vector.load %arg8[%swap3A, %swap3A_38] : memref<2000x256xf32, #tpu.memory_space<vmem>>, vector<2000x256xf32>
    tpu.vector_store %arg8[%swap3A, %swap3A_38], %add3A_37 {strides = array<i32>} : memref<2000x256xf32, #tpu.memory_space<vmem>>, vector<2000x256xf32>,
    return
  }
  func.func @transform_0(%arg0: i32) -> (i32, i32) {
    %c0_i32 = arith.constant 0 : i32
    %c0_i32_0 = arith.constant 0 : i32
    return %arg0, %c0_i32 : i32, i32
  }
  func.func @transform_1(%arg0: i32) -> (i32, i32) {
    %c0_i32 = arith.constant 0 : i32
    %c0_i32_0 = arith.constant 0 : i32
    return %arg0, %c0_i32 : i32, i32
  }
  func.func @transform_2(%arg0: i32) -> (i32, i32) {
    %c0_i32 = arith.constant 0 : i32
    %c0_i32_0 = arith.constant 0 : i32
    return %arg0, %c0_i32 : i32, i32
  }
  func.func @transform_3(%arg0: i32) -> (i32, i32) {
    %c0_i32 = arith.constant 0 : i32
    %c0_i32_0 = arith.constant 0 : i32
    return %arg0, %c0_i32 : i32, i32
  }
  func.func @transform_4(%arg0: i32) -> (i32, i32) {
    %c0_i32 = arith.constant 0 : i32
    %c0_i32_0 = arith.constant 0 : i32
    %c0_i32_1 = arith.constant 0 : i32
    return %c0_i32, %c0_i32_0 : i32, i32
  }
  func.func @transform_5(%arg0: i32) -> (i32, i32) {
    %c0_i32 = arith.constant 0 : i32
    %c0_i32_0 = arith.constant 0 : i32
    %c0_i32_1 = arith.constant 0 : i32
    return %c0_i32, %c0_i32_0 : i32, i32
  }
  func.func @transform_6(%arg0: i32) -> (i32, i32) {
    %c0_i32 = arith.constant 0 : i32
    %c0_i32_0 = arith.constant 0 : i32
    %c0_i32_1 = arith.constant 0 : i32
    return %c0_i32, %c0_i32_0 : i32, i32
  }
  func.func @transform_7(%arg0: i32) -> (i32, i32) {
    %c0_i32 = arith.constant 0 : i32
    %c0_i32_0 = arith.constant 0 : i32
    return %arg0, %c0_i32 : i32, i32
  }
}

</mosaic_0001>

<sc_bundles>
// kernel: kernel.10.cloned.1.call-start
scs
__scs_entry_jumppad:
0x0: {  	(pc) =	sbr.rel $0x88, $3  }
0x1: {  	(tag) =	ssettag $0x0;
	lr =	simm.s32 $0x1  }
0x2: {  	[smem:$0x3F99] =	sst lr;
	_ =	strace $0xD0000000  }
0x3: {  	_ = 	snop  }
0x4: {  	_ = 	snop  }
0x5: {  	_ = 	snop  }
0x6: {  	_ = 	snop  }
0x7: {  	_ = 	snop  }
__scs_overlays_trampoline_lowered:
0x8: {  	[smem:$0x3FA8] =	sst s0  }
0x9: {  	[smem:$0x3FA9] =	sst s1  }
0xa: {  	[smem:$0x3FAA] =	sst s2  }
0xb: {  	[smem:$0x3FAB] =	sst s3  }
0xc: {  	[smem:$0x3FAC] =	sst s4  }
0xd: {  	[smem:$0x3FAD] =	sst s5  }
0xe: {  	[smem:$0x3FAE] =	sst s6  }
0xf: {  	[smem:$0x3FAF] =	sst s7  }
0x10: {  	[smem:$0x3FB0] =	sst s8  }
0x11: {  	[smem:$0x3FB1] =	sst s9;
	s0 =	simm.s32 @!p0 $0x0  }
0x12: {  	s1 =	sld [smem:$0x3F97];
	s0 =	simm.s32 @p0 $0x1  }
0x13: {  	[smem:$0x3FB2] =	sst s0;
	s0 =	simm.s32 @!p1 $0x0  }
0x14: {  	s2 =	sld [smem:$0x3F96];
	s0 =	simm.s32 @p1 $0x1  }
0x15: {  	[smem:$0x3FB3] =	sst s0;
	s0 =	simm.s32 @!p2 $0x0  }
0x16: {  	s3 =	sld [smem:$0x3FDB];
	s0 =	simm.s32 @p2 $0x1  }
0x17: {  	s4 =	simm.s32 $0x1BF5;
	[smem:$0x3FB5] =	sst s0  }
0x18: {  	s0 =	sld [smem:$0x3F98];
	_ =	swait.ge [sflag:s4], $0x0  }
0x19: {  	s7 =	sld [smem:$0x3F99]  }
0x1a: {  	s8 =	sadd.s32 $0xFFFFE003, lr  }
0x1b: {  	s9 =	sadd.s32 $0xFFFFFEF7, lr;
	s5 =	simm.s32 $0xFFFFFFFF;
	p2 =	slt.u32 s8, $0xFFFFF086  }
0x1c: {  	p1 =	slt.u32 s9, $0xF7A;
	s5 =	simm.s32 @!p2 $0x0  }
0x1d: {  	s5 =	simm.s32 @p1 $0x1;
	p0 =	seq.s32 s7, s2  }
0x1e: {  	s7 =	smul.u32 @!p0 $0xF7A, s2;
	p2 =	seq.s32 @!p0 s5, $0x0  }
0x1f: {  	s9 =	smul.u32 $0xF7A, s1;
	s8 =	simm.s32 @!p0 $0x1BF5;
	p2 =	por !p2, p0  }
0x20: {  	[sflag:s8] =	ssyncset.s32 @!p0 $0xFFFFF086;
	s6 =	sadd.s32 @!p0 s3, s7;
	s7 =	simm.s32 @!p0 $0x108  }
0x21: {  	s3 =	sadd.s32 s3, s9;
	s6 =	sadd.s32 @!p0 $0x88, s6;
	s7 =	simm.s32 @p2 $0x1082  }
0x22: {  	[simem:s7], [sflag:s8] =	dma.local @!p0 [hbm:s6], $0xF7A  }
0x23: {  	s9 =	sor.u32 $0xD0000000, s2;
	s6 =	simm.s32 $0x108;
	_ =	swait.ge @!p0 [sflag:s8], $0x0  }
0x24: {  	s3 =	sadd.s32 $0x88, s3;
	s6 =	simm.s32 @!p1 $0x1082;
	[sflag:s4] =	ssyncset.s32 $0xFFFFF086  }
0x25: {  	[simem:s6], [sflag:s4] =	dma.local [hbm:s3], $0xF7A  }
0x26: {  	[smem:$0x3F99] =	sst s1;
	(tag) =	ssettag s2;
	_ =	strace s9  }
0x27: {  	s1 =	sld [smem:$0x3FA9]  }
0x28: {  	s2 =	sld [smem:$0x3FAA]  }
0x29: {  	s4 =	sld [smem:$0x3FAC]  }
0x2a: {  	p0 =	seq.s32 s5, $0x0;
	s5 =	sld [smem:$0x3FAD]  }
0x2b: {  	s6 =	sld [smem:$0x3FAE]  }
0x2c: {  	s7 =	sld [smem:$0x3FAF]  }
0x2d: {  	s3 =	simm.s32 $0x108;
	s8 =	sld [smem:$0x3FB0]  }
0x2e: {  	s3 =	simm.s32 @!p0 $0x1082;
	s9 =	sld [smem:$0x3FB1]  }
0x2f: {  	lr =	sadd.s32 s0, s3;
	s0 =	sld [smem:$0x3FA8]  }
0x30: {  	s3 =	sld [smem:$0x3FAB]  }
0x31: {  	[smem:$0x3FB4] =	sst s10  }
0x32: {  	s10 =	sld [smem:$0x3FB2];
	_ =	sdelay $0x3  }
0x33: {  	p0 =	seq.s32 s10, $0x1;
	s10 =	sld [smem:$0x3FB4];
	_ =	sdelay $0x3  }
0x34: {  	[smem:$0x3FB4] =	sst s10  }
0x35: {  	s10 =	sld [smem:$0x3FB3];
	_ =	sdelay $0x3  }
0x36: {  	p1 =	seq.s32 s10, $0x1;
	s10 =	sld [smem:$0x3FB4];
	_ =	sdelay $0x3  }
0x37: {  	[smem:$0x3FB4] =	sst s10  }
0x38: {  	s10 =	sld [smem:$0x3FB5]  }
0x39: {  	_ = 	snop;
	(pc) =	sbr.ind lr, $3  }
0x3a: {  	_ = 	snop  }
0x3b: {  	_ = 	snop  }
0x3c: {  	p2 =	seq.s32 s10, $0x1;
	s10 =	sld [smem:$0x3FB4]  }
0x3d: {  	_ =	shalt  }
0x3e: {  	_ =	shalt  }
0x3f: {  	_ =	shalt  }
0x40: {  	_ =	shalt  }
0x41: {  	_ =	shalt  }
0x42: {  	_ =	shalt  }
0x43: {  	_ =	shalt  }
0x44: {  	_ =	shalt  }
0x45: {  	_ =	shalt  }
0x46: {  	_ =	shalt  }
0x47: {  	_ =	shalt  }
0x48: {  	_ =	shalt  }
0x49: {  	_ =	shalt  }
0x4a: {  	_ =	shalt  }
0x4b: {  	_ =	shalt  }
0x4c: {  	_ =	shalt  }
0x4d: {  	_ =	shalt  }
0x4e: {  	_ =	shalt  }
0x4f: {  	_ =	shalt  }
0x50: {  	_ =	shalt  }
0x51: {  	_ =	shalt  }
0x52: {  	_ =	shalt  }
0x53: {  	_ =	shalt  }
0x54: {  	_ =	shalt  }
0x55: {  	_ =	shalt  }
0x56: {  	_ =	shalt  }
0x57: {  	_ =	shalt  }
0x58: {  	_ =	shalt  }
0x59: {  	_ =	shalt  }
0x5a: {  	_ =	shalt  }
0x5b: {  	_ =	shalt  }
0x5c: {  	_ =	shalt  }
0x5d: {  	_ =	shalt  }
0x5e: {  	_ =	shalt  }
0x5f: {  	_ =	shalt  }
0x60: {  	_ =	shalt  }
0x61: {  	_ =	shalt  }
0x62: {  	_ =	shalt  }
0x63: {  	_ =	shalt  }
0x64: {  	_ =	shalt  }
0x65: {  	_ =	shalt  }
0x66: {  	_ =	shalt  }
0x67: {  	_ =	shalt  }
0x68: {  	_ =	shalt  }
0x69: {  	_ =	shalt  }
0x6a: {  	_ =	shalt  }
0x6b: {  	_ =	shalt  }
0x6c: {  	_ =	shalt  }
0x6d: {  	_ =	shalt  }
0x6e: {  	_ =	shalt  }
0x6f: {  	_ =	shalt  }
0x70: {  	_ =	shalt  }
0x71: {  	_ =	shalt  }
0x72: {  	_ =	shalt  }
0x73: {  	_ =	shalt  }
0x74: {  	_ =	shalt  }
0x75: {  	_ =	shalt  }
0x76: {  	_ =	shalt  }
0x77: {  	_ =	shalt  }
0x78: {  	_ =	shalt  }
0x79: {  	_ =	shalt  }
0x7a: {  	_ =	shalt  }
0x7b: {  	_ =	shalt  }
0x7c: {  	_ =	shalt  }
0x7d: {  	_ =	shalt  }
0x7e: {  	_ =	shalt  }
0x7f: {  	_ =	shalt  }
0x80: {  	_ =	shalt  }
0x81: {  	_ =	shalt  }
0x82: {  	_ =	shalt  }
0x83: {  	_ =	shalt  }
0x84: {  	_ =	shalt  }
0x85: {  	_ =	shalt  }
0x86: {  	_ =	shalt  }
0x87: {  	_ =	shalt  }
.Lfunc_end0:
.L_simem_size_0:
called_computation.1_lowered:
.L_overlay_start_0:
0x88: {  	s2 =	sld [smem:$0x3FD9]  }
0x89: {  	s3 =	sld [smem:$0x3FFE];
	_ =	sdelay $0x1  }
0x8a: {  	s1 =	srdreg.scid  }
0x8b: {  	s0 =	sand.u32 $0x1, s1  }
0x8c: {  	s16 =	sshll.u32 s0, $0xA;
	s2 =	sadd.s32 s3, s2  }
0x8d: {  	s2 =	sadd.s32 s2, s16  }
0x8e: {  	[smem:$0x3FC0] =	sst s2  }
0x8f: {  	_ = 	snop  }
0x90: {  	(tm) =	ssettm $0x1  }
0x91: {  	s17 =	sld [smem:$0x3FFB];
	_ =	sdelay $0x3  }
0x92: {  	_ =	strace s17  }
0x93: {  	s2 =	sld [smem:$0x3FFC];
	_ =	sdelay $0x3  }
0x94: {  	_ =	strace s2  }
0x95: {  	s2 =	sld [smem:$0x3FFD];
	_ =	sdelay $0x3  }
0x96: {  	_ =	strace s2  }
0x97: {  	_ =	strace $0x8FFFFFFF  }
0x98: {  	s18 =	sld [smem:$0x3FDB];
	_ =	sdelay $0x1  }
0x99: {  	s19 =	simm.s32 $_scs_section_size  }
0x9a: {  	s4 =	simm.s32 $_size__tile_overlayer_lowered;
	s5 =	simm.s32 $_tile_overlayer_lowered  }
0x9b: {  	s22 =	simm.s32 $0x1BFF;
	s21 =	sshll.u32 s5, $0x1;
	s2 =	sadd.s32 s19, s18  }
0x9c: {  	s6 =	simm.s32 $0x0;
	s20 =	sshll.u32 s4, $0x1;
	s4 =	sadd.s32 s21, s2  }
0x9d: {  	[timem:s6], [sflag:s22] =	dma.local [hbm:s4], s20  }
0x9e: {  	_ =	swait.ge [sflag:s22], s20  }
0x9f: {  	s3 =	ssub.s32 $0x0, s20;
	[sflag:s22] =	ssyncset.done $0x0  }
0xa0: {  	[sflag:s22] =	ssyncadd.s32 s3;
	_ =	sdelay $0x1  }
0xa1: {  	s23 =	simm.s32 $0x1B8B  }
0xa2: {  	_ =	swait.ge [sflag:s23], $0x1  }
0xa3: {  	[sflag:s23] =	ssyncset.done $0x0  }
0xa4: {  	s25 =	simm.s32 $0x1B8E;
	s24 =	sld [smem:$0x3FFE];
	[sflag:s23] =	ssyncadd.s32 $0xFFFFFFFF  }
0xa5: {  	s26 =	simm.s32 $execute0_lowered;
	[smem:$0x3FD2] =	sst s25  }
0xa6: {  	s4 =	sshll.u32 s26, $0x1;
	_ =	strace $0x80000049;
	[dreg:$0x1] =	wrdreg $0xFFFFFFFF  }
0xa7: {  	s28 =	simm.s32 $_size_execute0_lowered;
	s2 =	sadd.s32 s2, s4;
	[dreg:$0x0] =	wrdreg $0x0  }
0xa8: {  	s4 =	sshll.u32 s28, $0x1;
	[dreg:$0x2] =	wrdreg s2  }
0xa9: {  	[dreg:$0x3] =	wrdreg s4  }
0xaa: {  	[dreg:$0x4] =	wrdreg $0xC0  }
0xab: {  	_ =	task [dreg:s6], $0x5FFFF  }
0xac: {  	[dreg:$0x1] =	wrdreg $0xFFFFFFFF  }
0xad: {  	[dreg:$0x0] =	wrdreg $0x60  }
0xae: {  	[dreg:$0x2] =	wrdreg s24  }
0xaf: {  	[dreg:$0x3] =	wrdreg $0xC7800  }
0xb0: {  	[dreg:$0x4] =	wrdreg $0x9  }
0xb1: {  	_ =	task.clear_ibuf [dreg:s6], $0x5FFFF;
	_ =	strace $0x90000049  }
0xb2: {  	s29 =	simm.s32 $0x9;
	_ =	strace $0x8000004B  }
0xb3: {  	_ =	swait.ge [sflag:s29], $0x1  }
0xb4: {  	[sflag:s29] =	ssyncadd.s32 $0xFFFFFFFF  }
0xb5: {  	_ =	strace $0x9000004B  }
0xb6: {  	_ =	sfence  }
0xb7: {  	s30 =	sld [smem:$0x0];
	_ =	sdelay $0x2  }
0xb8: {  	s31 =	sshll.u32 s1, $0xD;
	s1 =	sshrl.u32 s1, $0x2  }
0xb9: {  	s3 =	sand.u32 $0x4000, s31;
	s1 =	sadd.s32 s1, s30  }
0xba: {  	s0 =	sor.u32 s3, s0;
	s1 =	sshll.u32 s1, $0x11  }
0xbb: {  	s0 =	sor.u32 s1, s0  }
0xbc: {  	s0 =	sadd.s32 $0x8F2B, s0  }
0xbd: {  	[sflag:s0] =	ssyncadd.remote.s32 $0x1  }
0xbe: {  	_ =	sfence.sel $0xFFFF  }
0xbf: {  	[dreg:$0x0] =	wrdreg $0xFFFFFFFF;
	(pc) =	sbr.abs _section_cstart, $3  }
0xc0: {  	[dreg:$0x1] =	wrdreg $0xFFFFFFFF  }
0xc1: {  	_ =	task.clear_ibuf [dreg:s6], $0x2FFFF;
	_ =	strace $0x9FFFFFFF  }
0xc2: {  	(tm) =	ssettm $0x7FFFFFFF  }
0xc3: {  	_ =	shalt  }
tec
execute0_lowered:
.L_overlay_start_1:
0x0: {  	(tag) =	ssettag $0x1  }
0x1: {  	s0 =	rddreg [dreg:$0x0]  }
0x2: {  	s2 =	rddreg [dreg:$0x1]  }
0x3: {  	s3 =	simm.s32 $0x0;
	s11 =	stileid.u32;
	s4 =	srdreg.scid  }
0x4: {  	s26 =	simm.s32 $0x9F80;
	s28 =	simm.s32 $0x2;
	s29 =	simm.s32 $0x50  }
0x5: {  	s30 =	simm.s32 $0x4F00;
	s31 =	simm.s32 $0x7780;
	s1 =	smul.u32 $0x4E2, s11  }
0x6: {  	[smem:$0x7FF] =	sst s3;
	s4 =	sand.u32 $0x1, s4;
	s7 =	smul.u32 $0x2800, s11  }
0x7: {  	s5 =	sadd.s32 $0x34C00, s0;
	s6 =	sadd.s32 $0x5BE00, s0;
	s10 =	smul.u32 $0x50000, s11  }
0x8: {  	p0 =	seq.s32 s11, $0xF;
	p3 =	sne.s32 s11, $0xF;
	s11 =	sadd.s32 $0x12E800, s2  }
0x9: {  	s12 =	sadd.s32 $0x131000, s2;
	s13 =	sadd.s32 $0x136000, s2;
	s24 =	sadd.s32 $0xA8800, s0  }
0xa: {  	_ =	strace $0x8000004A;
	s8 =	ssub.s32 $0x2, s4;
	p4 =	seq.s32 s4, $0x0  }
0xb: {  	p1 =	seq.s32 s4, $0x1;
	[dreg:$0xc] =	wrdreg s24;
	s24 =	simm.s32 $0x4F80  }
0xc: {  	[dreg:$0x3] =	wrdreg s26;
	s26 =	simm.s32 $0x1;
	s1 =	sadd.s32 s1, s0  }
0xd: {  	s9 =	sshrl.u32 s8, $0x1;
	s7 =	sadd.s32 s7, s0;
	s21 =	sshrl.u32 s10, $0x2  }
0xe: {  	p2 =	por !p4, !p3;
	p4 =	por !p4, !p0;
	p3 =	por !p3, !p1  }
0xf: {  	p6 =	por !p1, !p0;
	s0 =	sadd.s32 $0xCFA00, s0;
	s8 =	ssub.s32 s8, s9  }
0x10: {  	s20 =	sadd.s32 $0x8A00, s1;
	s1 =	sadd.s32 $0x3A00, s1;
	s9 =	sadd.s32 $0x12C000, s2  }
0x11: {  	s10 =	sadd.s32 s21, s2;
	p2 =	por !p2, !p2;
	[dreg:$0xe] =	wrdreg s0  }
0x12: {  	s23 =	sadd.s32 $0x83000, s7;
	s7 =	sadd.s32 $0xAA200, s7;
	[dreg:$0x4] =	wrdreg s20  }
0x13: {  	s0 =	simm.s32 $0x3;
	[dreg:$0x5] =	wrdreg s1;
	s1 =	sadd.s32 $0x133800, s2  }
0x14: {  	s14 =	sadd.s32 $0x2800, s10;
	s22 =	sadd.s32 $0x5000, s10;
	s15 =	sadd.s32 $0xA000, s10  }
0x15: {  	s18 =	sadd.s32 $0xC800, s10;
	s16 =	sadd.s32 $0xF000, s10;
	[dreg:$0xb] =	wrdreg s23  }
0x16: {  	s17 =	sadd.s32 $0x11800, s10;
	s19 =	simm.s32 @!p2 $0x0;
	[dreg:$0xd] =	wrdreg s7  }
0x17: {  	s25 =	smax.u32 s8, $0x1;
	s23 =	simm.s32 $0x0;
	[dreg:$0x6] =	wrdreg s14  }
0x18: {  	[dreg:$0x7] =	wrdreg s22;
	s14 =	sadd.s32 $0x7800, s10;
	s19 =	simm.s32 @p2 $0x1  }
0x19: {  	p2 =	por !p4, !p4;
	s15 =	smov.u32 @p0 s11;
	[dreg:$0xf] =	wrdreg s25  }
0x1a: {  	s18 =	smov.u32 @p0 s12;
	[smem:$0x7FA] =	sst s19;
	s19 =	simm.s32 @!p2 $0x0  }
0x1b: {  	[dreg:$0x9] =	wrdreg s15;
	s19 =	simm.s32 @p2 $0x1;
	p2 =	por !p3, !p3  }
0x1c: {  	s14 =	smov.u32 @p0 s9;
	[dreg:$0xa] =	wrdreg s18;
	s11 =	simm.s32 @!p2 $0x0  }
0x1d: {  	[dreg:$0x8] =	wrdreg s14;
	s11 =	simm.s32 @p2 $0x1;
	p2 =	por !p6, !p6  }
0x1e: {  	s16 =	smov.u32 @p0 s1;
	[smem:$0x7FB] =	sst s19;
	s7 =	simm.s32 @!p2 $0x0  }
0x1f: {  	s17 =	smov.u32 @p0 s13;
	[smem:$0x7FC] =	sst s11;
	s7 =	simm.s32 @p2 $0x1  }
0x20: {  	v0 =	vimm.f32 $0.0e+00;
	s25 =	simm.s32 $0x4;
	p6 =	sne.s32 s4, $0x0;
	[smem:$0x7FD] =	sst s7  }
.LBB2_1:
0x21: {  	s1 =	rddreg [dreg:$0x4]  }
0x22: {  	s20 =	rddreg [dreg:$0x5];
	s21 =	sand.u32 $0xFE00, s3  }
0x23: {  	[tilespmem:s3], [sflag:$0x1] =	stream.linear.gather [hbm4b:s1+s3], $0x2710, $0x38;
	v63 =	vld [tilespmem:$0x0]  }
0x24: {  	s7 =	simm.s32 $0x2780;
	s22 =	sand.u32 $0x70, s3;
	s8 =	sshrl.u32 s21, $0x2  }
0x25: {  	[tilespmem:s7], [sflag:$0x2] =	stream.linear.gather [hbm4b:s20+s3], $0x2710, $0x38;
	v63 =	vld [tilespmem:$0x0]  }
0x26: {  	s1 =	simm.s32 $0x40;
	s8 =	sor.u32 s22, s8;
	s7 =	simm.s32 $0x0  }
.LBB2_2:
0x27: {  	p3 =	sne.s32 s1, $0x9FC0  }
0x28: {  	[tilespmem:s8+$0x4F80] =	vst v0;
	s7 =	sadd.s32 $0x10, s7;
	s8 =	smov.u32 s1;
	s1 =	sadd.s32 $0x40, s1  }
.Ltmp0:
0x29: {  	(pc) =	sbr.rel @p3 .LBB2_2-.Ltmp0, $4  }
0x2a: {  	_ = 	snop  }
0x2b: {  	s8 =	sand.u32 $0xFE00, s8  }
0x2c: {  	s11 =	sand.u32 $0x70, s7;
	s8 =	sshrl.u32 s8, $0x2  }
0x2d: {  	s8 =	sor.u32 s11, s8  }
0x2e: {  	[tilespmem:s8+$0x4F80] =	vst v0;
	s1 =	simm.s32 @!p0 $0x4F80;
	s7 =	simm.s32 @!p0 $0x4  }
0x2f: {  	[spmem:s10] =	stream.linear.scatter @!p0 [tilespmem:s1], [sflag:$0x4], $0x2800, $0x38;
	v63 =	vld [tilespmem:$0x0]  }
0x30: {  	_ =	swait.ge @!p0 [sflag:s7], $0x2800  }
0x31: {  	[sflag:s7] =	ssyncset.done @!p0 $0x0  }
0x32: {  	s8 =	rddreg [dreg:$0x6];
	[sflag:s7] =	ssyncadd.s32 @!p0 $0xFFFFD800  }
0x33: {  	[spmem:s8] =	stream.linear.scatter @!p0 [tilespmem:s1], [sflag:$0x4], $0x2800, $0x38;
	v63 =	vld [tilespmem:$0x0]  }
0x34: {  	_ =	swait.ge @!p0 [sflag:s7], $0x2800  }
0x35: {  	[sflag:s7] =	ssyncset.done @!p0 $0x0  }
0x36: {  	s8 =	rddreg [dreg:$0x7];
	[sflag:s7] =	ssyncadd.s32 @!p0 $0xFFFFD800  }
0x37: {  	[spmem:s8] =	stream.linear.scatter @!p0 [tilespmem:s1], [sflag:$0x4], $0x2800, $0x38;
	v63 =	vld [tilespmem:$0x0]  }
0x38: {  	_ =	swait.ge @!p0 [sflag:s7], $0x2800  }
0x39: {  	[sflag:s7] =	ssyncset.done @!p0 $0x0  }
0x3a: {  	s15 =	rddreg [dreg:$0x8];
	[sflag:s7] =	ssyncadd.s32 @!p0 $0xFFFFD800  }
0x3b: {  	[spmem:s15] =	stream.linear.scatter [tilespmem:s24], [sflag:$0x4], $0x2800, $0x38;
	v63 =	vld [tilespmem:$0x0]  }
0x3c: {  	_ =	swait.ge [sflag:s25], $0x2800  }
0x3d: {  	[sflag:s25] =	ssyncset.done $0x0  }
0x3e: {  	s18 =	rddreg [dreg:$0x9];
	[sflag:s25] =	ssyncadd.s32 $0xFFFFD800  }
0x3f: {  	[spmem:s18] =	stream.linear.scatter [tilespmem:s24], [sflag:$0x4], $0x2800, $0x38;
	v63 =	vld [tilespmem:$0x0]  }
0x40: {  	_ =	swait.ge [sflag:s25], $0x2800  }
0x41: {  	[sflag:s25] =	ssyncset.done $0x0  }
0x42: {  	s19 =	rddreg [dreg:$0xa];
	[sflag:s25] =	ssyncadd.s32 $0xFFFFD800  }
0x43: {  	[spmem:s19] =	stream.linear.scatter [tilespmem:s24], [sflag:$0x4], $0x2800, $0x38;
	v63 =	vld [tilespmem:$0x0]  }
0x44: {  	_ =	swait.ge [sflag:s25], $0x2800  }
0x45: {  	[sflag:s25] =	ssyncset.done $0x0  }
0x46: {  	[sflag:s25] =	ssyncadd.s32 $0xFFFFD800  }
0x47: {  	[spmem:s16] =	stream.linear.scatter [tilespmem:s24], [sflag:$0x4], $0x2800, $0x38;
	v63 =	vld [tilespmem:$0x0]  }
0x48: {  	_ =	swait.ge [sflag:s25], $0x2800  }
0x49: {  	[sflag:s25] =	ssyncset.done $0x0  }
0x4a: {  	[sflag:s25] =	ssyncadd.s32 $0xFFFFD800  }
0x4b: {  	[spmem:s17] =	stream.linear.scatter [tilespmem:s24], [sflag:$0x4], $0x2800, $0x38;
	v63 =	vld [tilespmem:$0x0]  }
0x4c: {  	_ =	swait.ge [sflag:s25], $0x2800  }
0x4d: {  	[sflag:s25] =	ssyncset.done $0x0  }
0x4e: {  	[sflag:s25] =	ssyncadd.s32 $0xFFFFD800  }
0x4f: {  	_ =	swait.ge [sflag:s26], $0x2710  }
0x50: {  	[sflag:s26] =	ssyncset.done $0x0  }
0x51: {  	[sflag:s26] =	ssyncadd.s32 $0xFFFFD8F0  }
0x52: {  	_ =	swait.ge [sflag:s28], $0x2710  }
0x53: {  	[sflag:s28] =	ssyncset.done $0x0  }
0x54: {  	s1 =	simm.s32 @!p6 $0x0;
	[sflag:s28] =	ssyncadd.s32 $0xFFFFD8F0  }
0x55: {  	s8 =	simm.s32 @!p6 $0x4F80;
	s7 =	simm.s32 @!p6 $0x50;
	[bflag:$0x0] =	sbarrier.arrive $0xFFFF  }
0x56: {  	[tilespmem:s8], [sflag:$0x1] =	stream.indirect.gather @!p6 [hbm4b:s5+s7], $0x80, s1, s7, $0xb8;
	v63 =	vld [tilespmem:$0x0]  }
0x57: {  	s11 =	simm.s32 @p1 $0x50;
	s12 =	simm.s32 @p1 $0x4F80;
	s1 =	simm.s32 @p1 $0x0  }
0x58: {  	[tilespmem:s12], [sflag:$0x1] =	stream.indirect.gather @p1 [hbm4b:s6+s11], $0x80, s1, s11, $0xb8;
	v63 =	vld [tilespmem:$0x0]  }
0x59: {  	s1 =	simm.s32 @!p6 $0x7780  }
0x5a: {  	[tilespmem:s1], [sflag:$0x2] =	stream.indirect.gather @!p6 [hbm4b:s5+s7], $0x80, s7, s7, $0xb8;
	v63 =	vld [tilespmem:$0x0]  }
0x5b: {  	s18 =	simm.s32 @p1 $0x7780  }
0x5c: {  	[tilespmem:s18], [sflag:$0x2] =	stream.indirect.gather @p1 [hbm4b:s6+s11], $0x80, s11, s11, $0xb8;
	v63 =	vld [tilespmem:$0x0]  }
0x5d: {  	s13 =	simm.s32 @!p6 $0xA0;
	s14 =	simm.s32 @!p6 $0x9F80  }
0x5e: {  	[tilespmem:s14], [sflag:$0x3] =	stream.indirect.gather @!p6 [hbm4b:s5+s7], $0x80, s13, s7, $0xb8;
	v63 =	vld [tilespmem:$0x0]  }
0x5f: {  	s20 =	simm.s32 $0x0;
	s13 =	simm.s32 @p1 $0xA0;
	s14 =	simm.s32 @p1 $0x9F80  }
0x60: {  	[tilespmem:s14], [sflag:$0x3] =	stream.indirect.gather @p1 [hbm4b:s6+s11], $0x80, s13, s11, $0xb8;
	v63 =	vld [tilespmem:$0x0]  }
0x61: {  	v1 =	vld [tilespmem:s20+$0x2780];
	_ =	sdelay $0x4  }
0x62: {  	[tilespmem:$0x4F00] =	vst v1  }
0x63: {  	v1 =	vld [tilespmem:s20+$0x2790];
	_ =	sdelay $0x4  }
0x64: {  	[tilespmem:$0x4F10] =	vst v1  }
0x65: {  	v1 =	vld [tilespmem:s20+$0x27A0];
	_ =	sdelay $0x4  }
0x66: {  	[tilespmem:$0x4F20] =	vst v1  }
0x67: {  	v1 =	vld [tilespmem:s20+$0x27B0];
	_ =	sdelay $0x4  }
0x68: {  	[tilespmem:$0x4F30] =	vst v1  }
0x69: {  	v1 =	vld [tilespmem:s20+$0x27C0];
	_ =	sdelay $0x4  }
0x6a: {  	[tilespmem:$0x4F40] =	vst v1  }
0x6b: {  	_ =	swait.ge [sflag:s26], $0x2800  }
0x6c: {  	[sflag:s26] =	ssyncset.done $0x0  }
0x6d: {  	s14 =	simm.s32 @!p6 $0xF0;
	[sflag:s26] =	ssyncadd.s32 $0xFFFFD800  }
0x6e: {  	[tilespmem:s8], [sflag:$0x1] =	stream.indirect.gather @!p6 [hbm4b:s5+s7], $0x80, s14, s7, $0xb8;
	v63 =	vld [tilespmem:$0x0]  }
0x6f: {  	s14 =	simm.s32 @p1 $0xF0  }
0x70: {  	[tilespmem:s12], [sflag:$0x1] =	stream.indirect.gather @p1 [hbm4b:s6+s11], $0x80, s14, s11, $0xb8;
	v63 =	vld [tilespmem:$0x0]  }
0x71: {  	_ = 	snop  }
0x72: {  	[spmem:s2] =	stream.indirect.scatter.add.f32 [tilespmem:s24], [sflag:$0x4], $0x80, s30, s29, $0xb8;
	v63 =	vld [tilespmem:$0x0]  }
0x73: {  	_ =	swait.ge [sflag:s25], $0x2800  }
0x74: {  	[sflag:s25] =	ssyncset.done $0x0  }
0x75: {  	[sflag:s25] =	ssyncadd.s32 $0xFFFFD800  }
0x76: {  	v1 =	vld [tilespmem:s20+$0x27D0];
	_ =	sdelay $0x4  }
0x77: {  	[tilespmem:$0x4F00] =	vst v1  }
0x78: {  	v1 =	vld [tilespmem:s20+$0x27E0];
	_ =	sdelay $0x4  }
0x79: {  	[tilespmem:$0x4F10] =	vst v1  }
0x7a: {  	v1 =	vld [tilespmem:s20+$0x27F0];
	_ =	sdelay $0x3  }
0x7b: {  	s19 =	simm.s32 $0x0  }
0x7c: {  	s21 =	sand.u32 $0x3FF0, s19;
	[tilespmem:$0x4F20] =	vst v1  }
0x7d: {  	v1 =	vld [tilespmem:s21+$0x2800];
	_ =	sdelay $0x4  }
0x7e: {  	[tilespmem:$0x4F30] =	vst v1  }
0x7f: {  	v1 =	vld [tilespmem:s20+$0x2810];
	_ =	sdelay $0x4  }
0x80: {  	[tilespmem:$0x4F40] =	vst v1  }
0x81: {  	_ =	swait.ge [sflag:s28], $0x2800  }
0x82: {  	[sflag:s28] =	ssyncset.done $0x0  }
0x83: {  	s14 =	simm.s32 @!p6 $0x140;
	[sflag:s28] =	ssyncadd.s32 $0xFFFFD800  }
0x84: {  	[tilespmem:s1], [sflag:$0x2] =	stream.indirect.gather @!p6 [hbm4b:s5+s7], $0x80, s14, s7, $0xb8;
	v63 =	vld [tilespmem:$0x0]  }
0x85: {  	s14 =	simm.s32 @p1 $0x140  }
0x86: {  	[tilespmem:s18], [sflag:$0x2] =	stream.indirect.gather @p1 [hbm4b:s6+s11], $0x80, s14, s11, $0xb8;
	v63 =	vld [tilespmem:$0x0]  }
0x87: {  	_ = 	snop  }
0x88: {  	[spmem:s2] =	stream.indirect.scatter.add.f32 [tilespmem:s31], [sflag:$0x4], $0x80, s30, s29, $0xb8;
	v63 =	vld [tilespmem:$0x0]  }
0x89: {  	_ =	swait.ge [sflag:s25], $0x2800  }
0x8a: {  	[sflag:s25] =	ssyncset.done $0x0  }
0x8b: {  	[sflag:s25] =	ssyncadd.s32 $0xFFFFD800  }
0x8c: {  	v1 =	vld [tilespmem:s20+$0x2820];
	_ =	sdelay $0x4  }
0x8d: {  	[tilespmem:$0x4F00] =	vst v1  }
0x8e: {  	v1 =	vld [tilespmem:s20+$0x2830];
	_ =	sdelay $0x4  }
0x8f: {  	[tilespmem:$0x4F10] =	vst v1  }
0x90: {  	v1 =	vld [tilespmem:s20+$0x2840];
	_ =	sdelay $0x4  }
0x91: {  	[tilespmem:$0x4F20] =	vst v1  }
0x92: {  	v1 =	vld [tilespmem:s20+$0x2850];
	_ =	sdelay $0x4  }
0x93: {  	[tilespmem:$0x4F30] =	vst v1  }
0x94: {  	v1 =	vld [tilespmem:s20+$0x2860];
	_ =	sdelay $0x3  }
0x95: {  	p3 =	por $0x0, $0x0  }
0x96: {  	p5 =	sne.s32 @!p3 s4, $0x0;
	[tilespmem:$0x4F40] =	vst v1  }
0x97: {  	p2 =	por !p1, p3;
	p3 =	por p5, p3;
	_ =	swait.ge [sflag:s0], $0x2800  }
0x98: {  	s21 =	simm.s32 @!p3 $0x9F80;
	[sflag:s0] =	ssyncset.done $0x0  }
0x99: {  	s14 =	simm.s32 @!p3 $0x190;
	s20 =	simm.s32 @!p3 $0x50;
	[sflag:s0] =	ssyncadd.s32 $0xFFFFD800  }
0x9a: {  	[tilespmem:s21], [sflag:$0x3] =	stream.indirect.gather @!p3 [hbm4b:s5+s20], $0x80, s14, s20, $0xb8;
	v63 =	vld [tilespmem:$0x0]  }
0x9b: {  	s13 =	simm.s32 @!p2 $0x9F80;
	s14 =	simm.s32 @!p2 $0x190;
	s20 =	simm.s32 @!p2 $0x50  }
0x9c: {  	[tilespmem:s13], [sflag:$0x3] =	stream.indirect.gather @!p2 [hbm4b:s6+s20], $0x80, s14, s20, $0xb8;
	v63 =	vld [tilespmem:$0x0]  }
0x9d: {  	s22 =	rddreg [dreg:$0x3]  }
0x9e: {  	[spmem:s2] =	stream.indirect.scatter.add.f32 [tilespmem:s22], [sflag:$0x4], $0x80, s30, s29, $0xb8;
	v63 =	vld [tilespmem:$0x0]  }
0x9f: {  	s20 =	simm.s32 $0x3C0;
	_ =	swait.ge [sflag:s25], $0x2800  }
.LBB2_4:
0xa0: {  	[sflag:s25] =	ssyncset.done $0x0;
	s21 =	smov.u32 s20  }
0xa1: {  	s22 =	sshra.s32 s21, $0x2;
	[sflag:s25] =	ssyncadd.s32 $0xFFFFD800  }
0xa2: {  	v1 =	vld [tilespmem:s22+$0x2780];
	_ =	sdelay $0x4  }
0xa3: {  	[tilespmem:$0x4F00] =	vst v1  }
0xa4: {  	v1 =	vld [tilespmem:s22+$0x2790];
	_ =	sdelay $0x4  }
0xa5: {  	[tilespmem:$0x4F10] =	vst v1  }
0xa6: {  	v1 =	vld [tilespmem:s22+$0x27A0];
	_ =	sdelay $0x4  }
0xa7: {  	[tilespmem:$0x4F20] =	vst v1  }
0xa8: {  	v1 =	vld [tilespmem:s22+$0x27B0];
	_ =	sdelay $0x4  }
0xa9: {  	[tilespmem:$0x4F30] =	vst v1  }
0xaa: {  	v1 =	vld [tilespmem:s22+$0x27C0];
	_ =	sdelay $0x4  }
0xab: {  	[tilespmem:$0x4F40] =	vst v1  }
0xac: {  	_ =	swait.ge [sflag:s26], $0x2800  }
0xad: {  	s13 =	sshra.s32 @!p6 s21, $0x2;
	[sflag:s26] =	ssyncset.done $0x0  }
0xae: {  	s14 =	sshra.s32 @p1 s21, $0x2;
	s15 =	sadd.s32 @!p6 $0xF0, s13;
	[sflag:s26] =	ssyncadd.s32 $0xFFFFD800  }
0xaf: {  	[tilespmem:s8], [sflag:$0x1] =	stream.indirect.gather @!p6 [hbm4b:s5+s7], $0x80, s15, s7, $0xb8;
	v63 =	vld [tilespmem:$0x0]  }
0xb0: {  	s15 =	sadd.s32 @p1 $0xF0, s14  }
0xb1: {  	[tilespmem:s12], [sflag:$0x1] =	stream.indirect.gather @p1 [hbm4b:s6+s11], $0x80, s15, s11, $0xb8;
	v63 =	vld [tilespmem:$0x0]  }
0xb2: {  	_ = 	snop  }
0xb3: {  	[spmem:s2] =	stream.indirect.scatter.add.f32 [tilespmem:s24], [sflag:$0x4], $0x80, s30, s29, $0xb8;
	v63 =	vld [tilespmem:$0x0]  }
0xb4: {  	_ =	swait.ge [sflag:s25], $0x2800  }
0xb5: {  	[sflag:s25] =	ssyncset.done $0x0  }
0xb6: {  	[sflag:s25] =	ssyncadd.s32 $0xFFFFD800  }
0xb7: {  	v1 =	vld [tilespmem:s22+$0x27D0];
	_ =	sdelay $0x4  }
0xb8: {  	[tilespmem:$0x4F00] =	vst v1  }
0xb9: {  	v1 =	vld [tilespmem:s22+$0x27E0];
	_ =	sdelay $0x4  }
0xba: {  	[tilespmem:$0x4F10] =	vst v1  }
0xbb: {  	v1 =	vld [tilespmem:s22+$0x27F0];
	_ =	sdelay $0x3  }
0xbc: {  	s19 =	sadd.s32 $0xF0, s19  }
0xbd: {  	s15 =	sand.u32 $0x3FF0, s19;
	[tilespmem:$0x4F20] =	vst v1  }
0xbe: {  	v1 =	vld [tilespmem:s15+$0x2800];
	_ =	sdelay $0x4  }
0xbf: {  	[tilespmem:$0x4F30] =	vst v1  }
0xc0: {  	v1 =	vld [tilespmem:s22+$0x2810];
	_ =	sdelay $0x4  }
0xc1: {  	[tilespmem:$0x4F40] =	vst v1  }
0xc2: {  	_ =	swait.ge [sflag:s28], $0x2800  }
0xc3: {  	[sflag:s28] =	ssyncset.done $0x0  }
0xc4: {  	s13 =	sadd.s32 @!p6 $0x140, s13;
	[sflag:s28] =	ssyncadd.s32 $0xFFFFD800  }
0xc5: {  	[tilespmem:s1], [sflag:$0x2] =	stream.indirect.gather @!p6 [hbm4b:s5+s7], $0x80, s13, s7, $0xb8;
	v63 =	vld [tilespmem:$0x0]  }
0xc6: {  	s13 =	sadd.s32 @p1 $0x140, s14  }
0xc7: {  	[tilespmem:s18], [sflag:$0x2] =	stream.indirect.gather @p1 [hbm4b:s6+s11], $0x80, s13, s11, $0xb8;
	v63 =	vld [tilespmem:$0x0]  }
0xc8: {  	_ = 	snop  }
0xc9: {  	[spmem:s2] =	stream.indirect.scatter.add.f32 [tilespmem:s31], [sflag:$0x4], $0x80, s30, s29, $0xb8;
	v63 =	vld [tilespmem:$0x0]  }
0xca: {  	_ =	swait.ge [sflag:s25], $0x2800  }
0xcb: {  	[sflag:s25] =	ssyncset.done $0x0  }
0xcc: {  	[sflag:s25] =	ssyncadd.s32 $0xFFFFD800  }
0xcd: {  	v1 =	vld [tilespmem:s22+$0x2820];
	_ =	sdelay $0x4  }
0xce: {  	[tilespmem:$0x4F00] =	vst v1  }
0xcf: {  	v1 =	vld [tilespmem:s22+$0x2830];
	_ =	sdelay $0x4  }
0xd0: {  	[tilespmem:$0x4F10] =	vst v1  }
0xd1: {  	v1 =	vld [tilespmem:s22+$0x2840];
	_ =	sdelay $0x4  }
0xd2: {  	[tilespmem:$0x4F20] =	vst v1  }
0xd3: {  	v1 =	vld [tilespmem:s22+$0x2850];
	_ =	sdelay $0x4  }
0xd4: {  	[tilespmem:$0x4F30] =	vst v1  }
0xd5: {  	v1 =	vld [tilespmem:s22+$0x2860];
	_ =	sdelay $0x2  }
0xd6: {  	p2 =	seq.s32 s21, $0x9600  }
0xd7: {  	s20 =	sadd.s32 $0x3C0, s20;
	p5 =	sne.s32 @!p2 s4, $0x0  }
0xd8: {  	p3 =	sne.s32 s20, $0x99C0;
	p4 =	por p5, p2;
	p5 =	por !p1, p2;
	[tilespmem:$0x4F40] =	vst v1  }
0xd9: {  	s15 =	simm.s32 @!p4 $0x50;
	s14 =	simm.s32 @!p5 $0x9F80;
	_ =	swait.ge [sflag:s0], $0x2800  }
0xda: {  	s13 =	sshra.s32 @!p4 s21, $0x2;
	s21 =	sshra.s32 @!p5 s21, $0x2;
	[sflag:s0] =	ssyncset.done $0x0  }
0xdb: {  	s13 =	sadd.s32 @!p4 $0x190, s13;
	s22 =	simm.s32 @!p4 $0x9F80;
	[sflag:s0] =	ssyncadd.s32 $0xFFFFD800  }
0xdc: {  	[tilespmem:s22], [sflag:$0x3] =	stream.indirect.gather @!p4 [hbm4b:s5+s15], $0x80, s13, s15, $0xb8;
	v63 =	vld [tilespmem:$0x0]  }
.Ltmp1:
0xdd: {  	s13 =	sadd.s32 @!p5 $0x190, s21;
	s15 =	simm.s32 @!p5 $0x50;
	(pc) =	sbr.rel @p3 .LBB2_4-.Ltmp1, $4  }
0xde: {  	[tilespmem:s14], [sflag:$0x3] =	stream.indirect.gather @!p5 [hbm4b:s6+s15], $0x80, s13, s15, $0xb8;
	v63 =	vld [tilespmem:$0x0]  }
0xdf: {  	s22 =	rddreg [dreg:$0x3]  }
0xe0: {  	[spmem:s2] =	stream.indirect.scatter.add.f32 [tilespmem:s22], [sflag:$0x4], $0x80, s30, s29, $0xb8;
	v63 =	vld [tilespmem:$0x0]  }
0xe1: {  	_ =	swait.ge [sflag:s25], $0x2800  }
0xe2: {  	[sflag:s25] =	ssyncset.done $0x0  }
0xe3: {  	[sflag:s25] =	ssyncadd.s32 $0xFFFFD800  }
0xe4: {  	v1 =	vld [tilespmem:$0x4DF0]  }
0xe5: {  	v2 =	vld [tilespmem:$0x4E00]  }
0xe6: {  	v3 =	vld [tilespmem:$0x4E10]  }
0xe7: {  	v4 =	vld [tilespmem:$0x4E20]  }
0xe8: {  	v5 =	vld [tilespmem:$0x4E30]  }
0xe9: {  	[tilespmem:$0x4F00] =	vst v1  }
0xea: {  	[tilespmem:$0x4F10] =	vst v2  }
0xeb: {  	[tilespmem:$0x4F20] =	vst v3  }
0xec: {  	[tilespmem:$0x4F30] =	vst v4  }
0xed: {  	[tilespmem:$0x4F40] =	vst v5  }
0xee: {  	_ =	swait.ge [sflag:s26], $0x2800  }
0xef: {  	[sflag:s26] =	ssyncset.done $0x0  }
0xf0: {  	[sflag:s26] =	ssyncadd.s32 $0xFFFFD800  }
0xf1: {  	[spmem:s2] =	stream.indirect.scatter.add.f32 [tilespmem:s24], [sflag:$0x4], $0x80, s30, s29, $0xb8;
	v63 =	vld [tilespmem:$0x0]  }
0xf2: {  	_ =	swait.ge [sflag:s25], $0x2800  }
0xf3: {  	[sflag:s25] =	ssyncset.done $0x0  }
0xf4: {  	[sflag:s25] =	ssyncadd.s32 $0xFFFFD800  }
0xf5: {  	v1 =	vld [tilespmem:$0x4E40]  }
0xf6: {  	v2 =	vld [tilespmem:$0x4E50]  }
0xf7: {  	v3 =	vld [tilespmem:$0x4E60]  }
0xf8: {  	v61 =	vld [tilespmem:$0x4E70]  }
0xf9: {  	v62 =	vld [tilespmem:$0x4E80]  }
0xfa: {  	[tilespmem:$0x4F00] =	vst v1  }
0xfb: {  	[tilespmem:$0x4F10] =	vst v2  }
0xfc: {  	[tilespmem:$0x4F20] =	vst v3  }
0xfd: {  	[tilespmem:$0x4F30] =	vst v61  }
0xfe: {  	[tilespmem:$0x4F40] =	vst v62  }
0xff: {  	_ =	swait.ge [sflag:s28], $0x2800  }
0x100: {  	[sflag:s28] =	ssyncset.done $0x0  }
0x101: {  	[sflag:s28] =	ssyncadd.s32 $0xFFFFD800  }
0x102: {  	[spmem:s2] =	stream.indirect.scatter.add.f32 [tilespmem:s31], [sflag:$0x4], $0x80, s30, s29, $0xb8;
	v63 =	vld [tilespmem:$0x0]  }
0x103: {  	_ =	swait.ge [sflag:s25], $0x2800  }
0x104: {  	s1 =	sld [smem:$0x7FA];
	_ =	sdelay $0x1  }
0x105: {  	[sflag:s25] =	ssyncset.done $0x0  }
0x106: {  	s11 =	stileid.u32;
	[sflag:s25] =	ssyncadd.s32 $0xFFFFD800;
	p2 =	seq.s32 s1, $0x1  }
0x107: {  	[bflag:$0x0] =	sbarrier.arrive $0xFFFF;
	s1 =	sshll.u32 @p2 s11, $0x6  }
0x108: {  	s8 =	rddreg [dreg:$0xb];
	s7 =	sshrl.u32 @p2 s10, $0x3;
	s1 =	sor.u32 @p2 $0x1C04, s1  }
0x109: {  	[hbm:s8], [sflag:s1] =	dma.local @p2 [spmem:s7], $0x2800  }
0x10a: {  	s1 =	simm.s32 @p2 $0x4  }
0x10b: {  	_ =	swait.ge @p2 [sflag:s1], $0x2800  }
0x10c: {  	s19 =	sld [smem:$0x7FB];
	_ =	sdelay $0x1  }
0x10d: {  	[sflag:s1] =	ssyncset.done @p2 $0x0  }
0x10e: {  	[sflag:s1] =	ssyncadd.s32 @p2 $0xFFFFD800;
	p2 =	seq.s32 s19, $0x1  }
0x10f: {  	s8 =	rddreg [dreg:$0xc];
	s1 =	sshrl.u32 @p2 s9, $0x3;
	s7 =	simm.s32 @p2 $0x1FC4  }
0x110: {  	[hbm:s8], [sflag:s7] =	dma.local @p2 [spmem:s1], $0x1900  }
0x111: {  	s1 =	simm.s32 @p2 $0x4  }
0x112: {  	_ =	swait.ge @p2 [sflag:s1], $0x1900  }
0x113: {  	s20 =	sld [smem:$0x7FC];
	_ =	sdelay $0x2  }
0x114: {  	[sflag:s1] =	ssyncset.done @p2 $0x0;
	p3 =	seq.s32 s20, $0x1  }
0x115: {  	[sflag:s1] =	ssyncadd.s32 @p2 $0xFFFFE700;
	s7 =	sshll.u32 @p3 s11, $0x6  }
0x116: {  	s11 =	rddreg [dreg:$0xd];
	s1 =	sor.u32 @p3 $0x1C04, s7;
	s7 =	sshrl.u32 @p3 s10, $0x3  }
0x117: {  	[hbm:s11], [sflag:s1] =	dma.local @p3 [spmem:s7], $0x2800  }
0x118: {  	s1 =	simm.s32 @p3 $0x4  }
0x119: {  	_ =	swait.ge @p3 [sflag:s1], $0x2800  }
0x11a: {  	s21 =	sld [smem:$0x7FD];
	_ =	sdelay $0x1  }
0x11b: {  	[sflag:s1] =	ssyncset.done @p3 $0x0  }
0x11c: {  	[sflag:s1] =	ssyncadd.s32 @p3 $0xFFFFD800;
	p3 =	seq.s32 s21, $0x1  }
0x11d: {  	s11 =	rddreg [dreg:$0xe];
	s1 =	sshrl.u32 @p3 s9, $0x3;
	s7 =	simm.s32 @p3 $0x1FC4  }
0x11e: {  	[hbm:s11], [sflag:s7] =	dma.local @p3 [spmem:s1], $0x1900  }
0x11f: {  	s1 =	simm.s32 @p3 $0x4  }
0x120: {  	_ =	swait.ge @p3 [sflag:s1], $0x1900  }
0x121: {  	s23 =	sadd.s32 $0x1, s23;
	s22 =	rddreg [dreg:$0xf]  }
0x122: {  	p2 =	sne.s32 s23, s22  }
.Ltmp2:
0x123: {  	_ = 	snop;
	(pc) =	sbr.rel @p2 .LBB2_1-.Ltmp2, $3  }
0x124: {  	_ =	sdelay $0x1  }
0x125: {  	[sflag:s1] =	ssyncset.done @p3 $0x0  }
0x126: {  	s8 =	stileid.u32;
	[sflag:s1] =	ssyncadd.s32 @p3 $0xFFFFE700  }
0x127: {  	_ =	sfence.sel $0x180000  }
0x128: {  	[bflag:$0x0] =	sbarrier.arrive $0xFFFF  }
0x129: {  	_ =	strace $0x9000004A  }
0x12a: {  	[bflag:$0x2] =	sbarrier.arrive $0xFFFF  }
0x12b: {  	p0 =	sne.s32 s8, $0x0;
	s0 =	rddreg [dreg:$0x2]  }
0x12c: {  	s0 =	sadd.s32 @!p0 $0x100000, s0  }
0x12d: {  	[sflag:s0] =	ssyncadd.tile.s32 @!p0 $0x1;
	_ =	shalt  }
.Lfunc_end2:
_tile_overlayer_lowered:
.L_overlay_start_2:
0x12e: {  	(tag) =	ssettag $0x2  }
0x12f: {  	s0 =	rddreg [dreg:$0x0];
	s2 =	stileid.u32  }
0x130: {  	s1 =	rddreg [dreg:$0x1];
	p0 =	sne.s32 s2, $0x0  }
0x131: {  	s3 =	rddreg [dreg:$0x2];
	[bflag:$0x3] =	sbarrier.arrive $0xFFFF;
	s2 =	simm.s32 @!p0 $0x1C04  }
0x132: {  	[timem:s3], [sflag:s2] =	dma.local @!p0 [hbm:s0], s1  }
0x133: {  	s0 =	simm.s32 @!p0 $0x4  }
0x134: {  	_ =	swait.ge @!p0 [sflag:s0], s1  }
0x135: {  	s1 =	ssub.s32 @!p0 $0x0, s1;
	[sflag:s0] =	ssyncset.done @!p0 $0x0  }
0x136: {  	[sflag:s0] =	ssyncadd.s32 @!p0 s1  }
0x137: {  	[bflag:$0x3] =	sbarrier.arrive $0xFFFF  }
0x138: {  	_ =	shalt  }

// kernel: kernel.7.cloned.1.call-start
scs
__scs_entry_jumppad:
0x0: {  	(pc) =	sbr.rel $0x88, $3  }
0x1: {  	(tag) =	ssettag $0x0;
	lr =	simm.s32 $0x1  }
0x2: {  	[smem:$0x3F99] =	sst lr;
	_ =	strace $0xD0000000  }
0x3: {  	_ = 	snop  }
0x4: {  	_ = 	snop  }
0x5: {  	_ = 	snop  }
0x6: {  	_ = 	snop  }
0x7: {  	_ = 	snop  }
__scs_overlays_trampoline_lowered:
0x8: {  	[smem:$0x3FA8] =	sst s0  }
0x9: {  	[smem:$0x3FA9] =	sst s1  }
0xa: {  	[smem:$0x3FAA] =	sst s2  }
0xb: {  	[smem:$0x3FAB] =	sst s3  }
0xc: {  	[smem:$0x3FAC] =	sst s4  }
0xd: {  	[smem:$0x3FAD] =	sst s5  }
0xe: {  	[smem:$0x3FAE] =	sst s6  }
0xf: {  	[smem:$0x3FAF] =	sst s7  }
0x10: {  	[smem:$0x3FB0] =	sst s8  }
0x11: {  	[smem:$0x3FB1] =	sst s9;
	s0 =	simm.s32 @!p0 $0x0  }
0x12: {  	s1 =	sld [smem:$0x3F97];
	s0 =	simm.s32 @p0 $0x1  }
0x13: {  	[smem:$0x3FB2] =	sst s0;
	s0 =	simm.s32 @!p1 $0x0  }
0x14: {  	s2 =	sld [smem:$0x3F96];
	s0 =	simm.s32 @p1 $0x1  }
0x15: {  	[smem:$0x3FB3] =	sst s0;
	s0 =	simm.s32 @!p2 $0x0  }
0x16: {  	s3 =	sld [smem:$0x3FDB];
	s0 =	simm.s32 @p2 $0x1  }
0x17: {  	s4 =	simm.s32 $0x1BF5;
	[smem:$0x3FB5] =	sst s0  }
0x18: {  	s0 =	sld [smem:$0x3F98];
	_ =	swait.ge [sflag:s4], $0x0  }
0x19: {  	s7 =	sld [smem:$0x3F99]  }
0x1a: {  	s8 =	sadd.s32 $0xFFFFE003, lr  }
0x1b: {  	s9 =	sadd.s32 $0xFFFFFEF7, lr;
	s5 =	simm.s32 $0xFFFFFFFF;
	p2 =	slt.u32 s8, $0xFFFFF086  }
0x1c: {  	p1 =	slt.u32 s9, $0xF7A;
	s5 =	simm.s32 @!p2 $0x0  }
0x1d: {  	s5 =	simm.s32 @p1 $0x1;
	p0 =	seq.s32 s7, s2  }
0x1e: {  	s7 =	smul.u32 @!p0 $0xF7A, s2;
	p2 =	seq.s32 @!p0 s5, $0x0  }
0x1f: {  	s9 =	smul.u32 $0xF7A, s1;
	s8 =	simm.s32 @!p0 $0x1BF5;
	p2 =	por !p2, p0  }
0x20: {  	[sflag:s8] =	ssyncset.s32 @!p0 $0xFFFFF086;
	s6 =	sadd.s32 @!p0 s3, s7;
	s7 =	simm.s32 @!p0 $0x108  }
0x21: {  	s3 =	sadd.s32 s3, s9;
	s6 =	sadd.s32 @!p0 $0x88, s6;
	s7 =	simm.s32 @p2 $0x1082  }
0x22: {  	[simem:s7], [sflag:s8] =	dma.local @!p0 [hbm:s6], $0xF7A  }
0x23: {  	s9 =	sor.u32 $0xD0000000, s2;
	s6 =	simm.s32 $0x108;
	_ =	swait.ge @!p0 [sflag:s8], $0x0  }
0x24: {  	s3 =	sadd.s32 $0x88, s3;
	s6 =	simm.s32 @!p1 $0x1082;
	[sflag:s4] =	ssyncset.s32 $0xFFFFF086  }
0x25: {  	[simem:s6], [sflag:s4] =	dma.local [hbm:s3], $0xF7A  }
0x26: {  	[smem:$0x3F99] =	sst s1;
	(tag) =	ssettag s2;
	_ =	strace s9  }
0x27: {  	s1 =	sld [smem:$0x3FA9]  }
0x28: {  	s2 =	sld [smem:$0x3FAA]  }
0x29: {  	s4 =	sld [smem:$0x3FAC]  }
0x2a: {  	p0 =	seq.s32 s5, $0x0;
	s5 =	sld [smem:$0x3FAD]  }
0x2b: {  	s6 =	sld [smem:$0x3FAE]  }
0x2c: {  	s7 =	sld [smem:$0x3FAF]  }
0x2d: {  	s3 =	simm.s32 $0x108;
	s8 =	sld [smem:$0x3FB0]  }
0x2e: {  	s3 =	simm.s32 @!p0 $0x1082;
	s9 =	sld [smem:$0x3FB1]  }
0x2f: {  	lr =	sadd.s32 s0, s3;
	s0 =	sld [smem:$0x3FA8]  }
0x30: {  	s3 =	sld [smem:$0x3FAB]  }
0x31: {  	[smem:$0x3FB4] =	sst s10  }
0x32: {  	s10 =	sld [smem:$0x3FB2];
	_ =	sdelay $0x3  }
0x33: {  	p0 =	seq.s32 s10, $0x1;
	s10 =	sld [smem:$0x3FB4];
	_ =	sdelay $0x3  }
0x34: {  	[smem:$0x3FB4] =	sst s10  }
0x35: {  	s10 =	sld [smem:$0x3FB3];
	_ =	sdelay $0x3  }
0x36: {  	p1 =	seq.s32 s10, $0x1;
	s10 =	sld [smem:$0x3FB4];
	_ =	sdelay $0x3  }
0x37: {  	[smem:$0x3FB4] =	sst s10  }
0x38: {  	s10 =	sld [smem:$0x3FB5]  }
0x39: {  	_ = 	snop;
	(pc) =	sbr.ind lr, $3  }
0x3a: {  	_ = 	snop  }
0x3b: {  	_ = 	snop  }
0x3c: {  	p2 =	seq.s32 s10, $0x1;
	s10 =	sld [smem:$0x3FB4]  }
0x3d: {  	_ =	shalt  }
0x3e: {  	_ =	shalt  }
0x3f: {  	_ =	shalt  }
0x40: {  	_ =	shalt  }
0x41: {  	_ =	shalt  }
0x42: {  	_ =	shalt  }
0x43: {  	_ =	shalt  }
0x44: {  	_ =	shalt  }
0x45: {  	_ =	shalt  }
0x46: {  	_ =	shalt  }
0x47: {  	_ =	shalt  }
0x48: {  	_ =	shalt  }
0x49: {  	_ =	shalt  }
0x4a: {  	_ =	shalt  }
0x4b: {  	_ =	shalt  }
0x4c: {  	_ =	shalt  }
0x4d: {  	_ =	shalt  }
0x4e: {  	_ =	shalt  }
0x4f: {  	_ =	shalt  }
0x50: {  	_ =	shalt  }
0x51: {  	_ =	shalt  }
0x52: {  	_ =	shalt  }
0x53: {  	_ =	shalt  }
0x54: {  	_ =	shalt  }
0x55: {  	_ =	shalt  }
0x56: {  	_ =	shalt  }
0x57: {  	_ =	shalt  }
0x58: {  	_ =	shalt  }
0x59: {  	_ =	shalt  }
0x5a: {  	_ =	shalt  }
0x5b: {  	_ =	shalt  }
0x5c: {  	_ =	shalt  }
0x5d: {  	_ =	shalt  }
0x5e: {  	_ =	shalt  }
0x5f: {  	_ =	shalt  }
0x60: {  	_ =	shalt  }
0x61: {  	_ =	shalt  }
0x62: {  	_ =	shalt  }
0x63: {  	_ =	shalt  }
0x64: {  	_ =	shalt  }
0x65: {  	_ =	shalt  }
0x66: {  	_ =	shalt  }
0x67: {  	_ =	shalt  }
0x68: {  	_ =	shalt  }
0x69: {  	_ =	shalt  }
0x6a: {  	_ =	shalt  }
0x6b: {  	_ =	shalt  }
0x6c: {  	_ =	shalt  }
0x6d: {  	_ =	shalt  }
0x6e: {  	_ =	shalt  }
0x6f: {  	_ =	shalt  }
0x70: {  	_ =	shalt  }
0x71: {  	_ =	shalt  }
0x72: {  	_ =	shalt  }
0x73: {  	_ =	shalt  }
0x74: {  	_ =	shalt  }
0x75: {  	_ =	shalt  }
0x76: {  	_ =	shalt  }
0x77: {  	_ =	shalt  }
0x78: {  	_ =	shalt  }
0x79: {  	_ =	shalt  }
0x7a: {  	_ =	shalt  }
0x7b: {  	_ =	shalt  }
0x7c: {  	_ =	shalt  }
0x7d: {  	_ =	shalt  }
0x7e: {  	_ =	shalt  }
0x7f: {  	_ =	shalt  }
0x80: {  	_ =	shalt  }
0x81: {  	_ =	shalt  }
0x82: {  	_ =	shalt  }
0x83: {  	_ =	shalt  }
0x84: {  	_ =	shalt  }
0x85: {  	_ =	shalt  }
0x86: {  	_ =	shalt  }
0x87: {  	_ =	shalt  }
.Lfunc_end0:
.L_simem_size_0:
called_computation_lowered:
.L_overlay_start_0:
0x88: {  	s2 =	sld [smem:$0x3FD9]  }
0x89: {  	s3 =	sld [smem:$0x3FFE];
	_ =	sdelay $0x1  }
0x8a: {  	s1 =	srdreg.scid  }
0x8b: {  	s0 =	sand.u32 $0x1, s1  }
0x8c: {  	s17 =	sshll.u32 s0, $0xA;
	s2 =	sadd.s32 s3, s2  }
0x8d: {  	s2 =	sadd.s32 s2, s17  }
0x8e: {  	[smem:$0x3FC0] =	sst s2  }
0x8f: {  	_ = 	snop  }
0x90: {  	s2 =	sld [smem:$0x3FD0];
	(tm) =	ssettm $0x1  }
0x91: {  	s18 =	sld [smem:$0x3FFB];
	_ =	sdelay $0x3  }
0x92: {  	_ =	strace s18  }
0x93: {  	s3 =	sld [smem:$0x3FFC];
	_ =	sdelay $0x3  }
0x94: {  	_ =	strace s3  }
0x95: {  	s3 =	sld [smem:$0x3FFD];
	_ =	sdelay $0x3  }
0x96: {  	_ =	strace s3  }
0x97: {  	_ =	strace $0x8FFFFFFF  }
0x98: {  	s19 =	sld [smem:$0x3FDB];
	_ =	sdelay $0x1  }
0x99: {  	s4 =	simm.s32 $_scs_section_size  }
0x9a: {  	s5 =	simm.s32 $_size__tile_overlayer_lowered;
	s6 =	simm.s32 $_tile_overlayer_lowered  }
0x9b: {  	s22 =	simm.s32 $0x1BFF;
	s21 =	sshll.u32 s6, $0x1;
	s3 =	sadd.s32 s4, s19  }
0x9c: {  	s7 =	simm.s32 $0x0;
	s20 =	sshll.u32 s5, $0x1;
	s5 =	sadd.s32 s21, s3  }
0x9d: {  	[timem:s7], [sflag:s22] =	dma.local [hbm:s5], s20  }
0x9e: {  	_ =	swait.ge [sflag:s22], s20  }
0x9f: {  	s4 =	ssub.s32 $0x0, s20;
	[sflag:s22] =	ssyncset.done $0x0  }
0xa0: {  	[sflag:s22] =	ssyncadd.s32 s4;
	_ =	sdelay $0x1  }
0xa1: {  	s23 =	simm.s32 $0x1B8B  }
0xa2: {  	_ =	swait.ge [sflag:s23], $0x1  }
0xa3: {  	[sflag:s23] =	ssyncset.done $0x0  }
0xa4: {  	s25 =	simm.s32 $0x1B8E;
	s24 =	sld [smem:$0x3FFE];
	[sflag:s23] =	ssyncadd.s32 $0xFFFFFFFF  }
0xa5: {  	s26 =	simm.s32 $execute0_lowered;
	[smem:$0x3FD2] =	sst s25  }
0xa6: {  	s5 =	sshll.u32 s26, $0x1;
	_ =	strace $0x80000046;
	[dreg:$0x1] =	wrdreg $0xFFFFFFFF  }
0xa7: {  	s28 =	simm.s32 $_size_execute0_lowered;
	s3 =	sadd.s32 s3, s5;
	[dreg:$0x0] =	wrdreg $0x0  }
0xa8: {  	s5 =	sshll.u32 s28, $0x1;
	[dreg:$0x2] =	wrdreg s3  }
0xa9: {  	[dreg:$0x3] =	wrdreg s5  }
0xaa: {  	[dreg:$0x4] =	wrdreg $0xC0  }
0xab: {  	_ =	task [dreg:s7], $0x5FFFF  }
0xac: {  	[dreg:$0x1] =	wrdreg $0xFFFFFFFF  }
0xad: {  	[dreg:$0x0] =	wrdreg $0x60  }
0xae: {  	[dreg:$0x2] =	wrdreg s24  }
0xaf: {  	[dreg:$0x3] =	wrdreg s2  }
0xb0: {  	[dreg:$0x4] =	wrdreg $0xC7800  }
0xb1: {  	[dreg:$0x5] =	wrdreg $0x9  }
0xb2: {  	_ =	task.clear_ibuf [dreg:s7], $0x6FFFF;
	_ =	strace $0x90000046  }
0xb3: {  	s29 =	simm.s32 $0x9;
	_ =	strace $0x80000048  }
0xb4: {  	_ =	swait.ge [sflag:s29], $0x1  }
0xb5: {  	[sflag:s29] =	ssyncadd.s32 $0xFFFFFFFF  }
0xb6: {  	_ =	strace $0x90000048  }
0xb7: {  	_ =	sfence  }
0xb8: {  	s30 =	sld [smem:$0x0];
	_ =	sdelay $0x2  }
0xb9: {  	s31 =	sshll.u32 s1, $0xD;
	s1 =	sshrl.u32 s1, $0x2  }
0xba: {  	s3 =	sand.u32 $0x4000, s31;
	s1 =	sadd.s32 s1, s30  }
0xbb: {  	s0 =	sor.u32 s3, s0;
	s1 =	sshll.u32 s1, $0x11  }
0xbc: {  	s0 =	sor.u32 s1, s0  }
0xbd: {  	s0 =	sadd.s32 $0x8F2B, s0  }
0xbe: {  	[sflag:s0] =	ssyncadd.remote.s32 $0x1  }
0xbf: {  	_ =	sfence.sel $0xFFFF  }
0xc0: {  	[dreg:$0x0] =	wrdreg $0xFFFFFFFF;
	(pc) =	sbr.abs _section_cstart, $3  }
0xc1: {  	[dreg:$0x1] =	wrdreg $0xFFFFFFFF  }
0xc2: {  	_ =	task.clear_ibuf [dreg:s7], $0x2FFFF;
	_ =	strace $0x9FFFFFFF  }
0xc3: {  	(tm) =	ssettm $0x7FFFFFFF  }
tec
execute0_lowered:
.L_overlay_start_1:
0x0: {  	(tag) =	ssettag $0x1  }
0x1: {  	s0 =	rddreg [dreg:$0x0]  }
0x2: {  	s2 =	rddreg [dreg:$0x1]  }
0x3: {  	s3 =	rddreg [dreg:$0x2];
	s4 =	simm.s32 $0x0;
	s11 =	stileid.u32  }
0x4: {  	s1 =	srdreg.scid;
	s26 =	simm.s32 $0x9F80;
	s28 =	simm.s32 $0x2  }
0x5: {  	s29 =	simm.s32 $0x50;
	s30 =	simm.s32 $0x4F00;
	s6 =	smul.u32 $0x4E2, s11  }
0x6: {  	s31 =	simm.s32 $0x7780;
	[smem:$0x7FF] =	sst s4;
	s19 =	smul.u32 $0x2800, s11  }
0x7: {  	s5 =	sand.u32 $0x1, s1;
	s10 =	smul.u32 $0x50000, s11;
	p0 =	seq.s32 s11, $0xF  }
0x8: {  	p3 =	sne.s32 s11, $0xF;
	s11 =	sadd.s32 $0x12E800, s3;
	s12 =	sadd.s32 $0x131000, s3  }
0x9: {  	s13 =	sadd.s32 $0x136000, s3;
	s24 =	sadd.s32 $0x5A400, s0;
	_ =	strace $0x80000047  }
0xa: {  	s7 =	ssub.s32 $0x2, s5;
	p4 =	seq.s32 s5, $0x0;
	[dreg:$0xd] =	wrdreg s24  }
0xb: {  	p1 =	seq.s32 s5, $0x1;
	s24 =	simm.s32 $0x4F80;
	[dreg:$0x4] =	wrdreg s26  }
0xc: {  	s26 =	simm.s32 $0x1;
	s8 =	sadd.s32 s6, s0;
	s6 =	sadd.s32 $0xDA00, s0  }
0xd: {  	s9 =	sshrl.u32 s7, $0x1;
	s1 =	sadd.s32 s19, s0;
	s21 =	sshrl.u32 s10, $0x2  }
0xe: {  	p2 =	por !p4, !p3;
	p4 =	por !p4, !p0;
	p3 =	por !p3, !p1  }
0xf: {  	p6 =	por !p1, !p0;
	s0 =	sadd.s32 $0x81600, s0;
	s7 =	ssub.s32 s7, s9  }
0x10: {  	s20 =	sadd.s32 $0x8A00, s8;
	s8 =	sadd.s32 $0x3A00, s8;
	s9 =	sadd.s32 $0x12C000, s3  }
0x11: {  	s10 =	sadd.s32 s21, s3;
	p2 =	por !p2, !p2;
	[dreg:$0xf] =	wrdreg s0  }
0x12: {  	s23 =	sadd.s32 $0x34C00, s1;
	s1 =	sadd.s32 $0x5BE00, s1;
	[dreg:$0x5] =	wrdreg s20  }
0x13: {  	s0 =	simm.s32 $0x3;
	[dreg:$0x6] =	wrdreg s8;
	s8 =	sadd.s32 $0x133800, s3  }
0x14: {  	s14 =	sadd.s32 $0x2800, s10;
	s22 =	sadd.s32 $0x5000, s10;
	s15 =	sadd.s32 $0xA000, s10  }
0x15: {  	s18 =	sadd.s32 $0xC800, s10;
	s16 =	sadd.s32 $0xF000, s10;
	[dreg:$0xc] =	wrdreg s23  }
0x16: {  	s17 =	sadd.s32 $0x11800, s10;
	s19 =	simm.s32 @!p2 $0x0;
	[dreg:$0xe] =	wrdreg s1  }
0x17: {  	s25 =	smax.u32 s7, $0x1;
	s23 =	simm.s32 $0x0;
	[dreg:$0x7] =	wrdreg s14  }
0x18: {  	[dreg:$0x8] =	wrdreg s22;
	s14 =	sadd.s32 $0x7800, s10;
	s19 =	simm.s32 @p2 $0x1  }
0x19: {  	p2 =	por !p4, !p4;
	s15 =	smov.u32 @p0 s11;
	[dreg:$0x10] =	wrdreg s25  }
0x1a: {  	s18 =	smov.u32 @p0 s12;
	[smem:$0x7FA] =	sst s19;
	s19 =	simm.s32 @!p2 $0x0  }
0x1b: {  	[dreg:$0xa] =	wrdreg s15;
	s19 =	simm.s32 @p2 $0x1;
	p2 =	por !p3, !p3  }
0x1c: {  	s14 =	smov.u32 @p0 s9;
	[dreg:$0xb] =	wrdreg s18;
	s11 =	simm.s32 @!p2 $0x0  }
0x1d: {  	[dreg:$0x9] =	wrdreg s14;
	s11 =	simm.s32 @p2 $0x1;
	p2 =	por !p6, !p6  }
0x1e: {  	s16 =	smov.u32 @p0 s8;
	[smem:$0x7FB] =	sst s19;
	s1 =	simm.s32 @!p2 $0x0  }
0x1f: {  	s17 =	smov.u32 @p0 s13;
	[smem:$0x7FC] =	sst s11;
	s1 =	simm.s32 @p2 $0x1  }
0x20: {  	v0 =	vimm.f32 $0.0e+00;
	s25 =	simm.s32 $0x4;
	p6 =	sne.s32 s5, $0x0;
	[smem:$0x7FD] =	sst s1  }
.LBB2_1:
0x21: {  	s1 =	rddreg [dreg:$0x5]  }
0x22: {  	s20 =	rddreg [dreg:$0x6];
	s21 =	sand.u32 $0xFE00, s4  }
0x23: {  	[tilespmem:s4], [sflag:$0x1] =	stream.linear.gather [hbm4b:s1+s4], $0x2710, $0x38;
	v63 =	vld [tilespmem:$0x0]  }
0x24: {  	s7 =	simm.s32 $0x2780;
	s22 =	sand.u32 $0x70, s4;
	s8 =	sshrl.u32 s21, $0x2  }
0x25: {  	[tilespmem:s7], [sflag:$0x2] =	stream.linear.gather [hbm4b:s20+s4], $0x2710, $0x38;
	v63 =	vld [tilespmem:$0x0]  }
0x26: {  	s1 =	simm.s32 $0x40;
	s8 =	sor.u32 s22, s8;
	s7 =	simm.s32 $0x0  }
.LBB2_2:
0x27: {  	p3 =	sne.s32 s1, $0x9FC0  }
0x28: {  	[tilespmem:s8+$0x4F80] =	vst v0;
	s7 =	sadd.s32 $0x10, s7;
	s8 =	smov.u32 s1;
	s1 =	sadd.s32 $0x40, s1  }
.Ltmp0:
0x29: {  	(pc) =	sbr.rel @p3 .LBB2_2-.Ltmp0, $4  }
0x2a: {  	_ = 	snop  }
0x2b: {  	s8 =	sand.u32 $0xFE00, s8  }
0x2c: {  	s11 =	sand.u32 $0x70, s7;
	s8 =	sshrl.u32 s8, $0x2  }
0x2d: {  	s8 =	sor.u32 s11, s8  }
0x2e: {  	[tilespmem:s8+$0x4F80] =	vst v0;
	s1 =	simm.s32 @!p0 $0x4F80;
	s7 =	simm.s32 @!p0 $0x4  }
0x2f: {  	[spmem:s10] =	stream.linear.scatter @!p0 [tilespmem:s1], [sflag:$0x4], $0x2800, $0x38;
	v63 =	vld [tilespmem:$0x0]  }
0x30: {  	_ =	swait.ge @!p0 [sflag:s7], $0x2800  }
0x31: {  	[sflag:s7] =	ssyncset.done @!p0 $0x0  }
0x32: {  	s8 =	rddreg [dreg:$0x7];
	[sflag:s7] =	ssyncadd.s32 @!p0 $0xFFFFD800  }
0x33: {  	[spmem:s8] =	stream.linear.scatter @!p0 [tilespmem:s1], [sflag:$0x4], $0x2800, $0x38;
	v63 =	vld [tilespmem:$0x0]  }
0x34: {  	_ =	swait.ge @!p0 [sflag:s7], $0x2800  }
0x35: {  	[sflag:s7] =	ssyncset.done @!p0 $0x0  }
0x36: {  	s8 =	rddreg [dreg:$0x8];
	[sflag:s7] =	ssyncadd.s32 @!p0 $0xFFFFD800  }
0x37: {  	[spmem:s8] =	stream.linear.scatter @!p0 [tilespmem:s1], [sflag:$0x4], $0x2800, $0x38;
	v63 =	vld [tilespmem:$0x0]  }
0x38: {  	_ =	swait.ge @!p0 [sflag:s7], $0x2800  }
0x39: {  	[sflag:s7] =	ssyncset.done @!p0 $0x0  }
0x3a: {  	s15 =	rddreg [dreg:$0x9];
	[sflag:s7] =	ssyncadd.s32 @!p0 $0xFFFFD800  }
0x3b: {  	[spmem:s15] =	stream.linear.scatter [tilespmem:s24], [sflag:$0x4], $0x2800, $0x38;
	v63 =	vld [tilespmem:$0x0]  }
0x3c: {  	_ =	swait.ge [sflag:s25], $0x2800  }
0x3d: {  	[sflag:s25] =	ssyncset.done $0x0  }
0x3e: {  	s18 =	rddreg [dreg:$0xa];
	[sflag:s25] =	ssyncadd.s32 $0xFFFFD800  }
0x3f: {  	[spmem:s18] =	stream.linear.scatter [tilespmem:s24], [sflag:$0x4], $0x2800, $0x38;
	v63 =	vld [tilespmem:$0x0]  }
0x40: {  	_ =	swait.ge [sflag:s25], $0x2800  }
0x41: {  	[sflag:s25] =	ssyncset.done $0x0  }
0x42: {  	s19 =	rddreg [dreg:$0xb];
	[sflag:s25] =	ssyncadd.s32 $0xFFFFD800  }
0x43: {  	[spmem:s19] =	stream.linear.scatter [tilespmem:s24], [sflag:$0x4], $0x2800, $0x38;
	v63 =	vld [tilespmem:$0x0]  }
0x44: {  	_ =	swait.ge [sflag:s25], $0x2800  }
0x45: {  	[sflag:s25] =	ssyncset.done $0x0  }
0x46: {  	[sflag:s25] =	ssyncadd.s32 $0xFFFFD800  }
0x47: {  	[spmem:s16] =	stream.linear.scatter [tilespmem:s24], [sflag:$0x4], $0x2800, $0x38;
	v63 =	vld [tilespmem:$0x0]  }
0x48: {  	_ =	swait.ge [sflag:s25], $0x2800  }
0x49: {  	[sflag:s25] =	ssyncset.done $0x0  }
0x4a: {  	[sflag:s25] =	ssyncadd.s32 $0xFFFFD800  }
0x4b: {  	[spmem:s17] =	stream.linear.scatter [tilespmem:s24], [sflag:$0x4], $0x2800, $0x38;
	v63 =	vld [tilespmem:$0x0]  }
0x4c: {  	_ =	swait.ge [sflag:s25], $0x2800  }
0x4d: {  	[sflag:s25] =	ssyncset.done $0x0  }
0x4e: {  	[sflag:s25] =	ssyncadd.s32 $0xFFFFD800  }
0x4f: {  	_ =	swait.ge [sflag:s26], $0x2710  }
0x50: {  	[sflag:s26] =	ssyncset.done $0x0  }
0x51: {  	[sflag:s26] =	ssyncadd.s32 $0xFFFFD8F0  }
0x52: {  	_ =	swait.ge [sflag:s28], $0x2710  }
0x53: {  	[sflag:s28] =	ssyncset.done $0x0  }
0x54: {  	s1 =	simm.s32 @!p6 $0x0;
	[sflag:s28] =	ssyncadd.s32 $0xFFFFD8F0  }
0x55: {  	s8 =	simm.s32 @!p6 $0x4F80;
	s7 =	simm.s32 @!p6 $0x50;
	[bflag:$0x0] =	sbarrier.arrive $0xFFFF  }
0x56: {  	[tilespmem:s8], [sflag:$0x1] =	stream.indirect.gather @!p6 [hbm4b:s2+s7], $0x80, s1, s7, $0xb8;
	v63 =	vld [tilespmem:$0x0]  }
0x57: {  	s11 =	simm.s32 @p1 $0x50;
	s12 =	simm.s32 @p1 $0x4F80;
	s1 =	simm.s32 @p1 $0x0  }
0x58: {  	[tilespmem:s12], [sflag:$0x1] =	stream.indirect.gather @p1 [hbm4b:s6+s11], $0x80, s1, s11, $0xb8;
	v63 =	vld [tilespmem:$0x0]  }
0x59: {  	s1 =	simm.s32 @!p6 $0x7780  }
0x5a: {  	[tilespmem:s1], [sflag:$0x2] =	stream.indirect.gather @!p6 [hbm4b:s2+s7], $0x80, s7, s7, $0xb8;
	v63 =	vld [tilespmem:$0x0]  }
0x5b: {  	s18 =	simm.s32 @p1 $0x7780  }
0x5c: {  	[tilespmem:s18], [sflag:$0x2] =	stream.indirect.gather @p1 [hbm4b:s6+s11], $0x80, s11, s11, $0xb8;
	v63 =	vld [tilespmem:$0x0]  }
0x5d: {  	s13 =	simm.s32 @!p6 $0xA0;
	s14 =	simm.s32 @!p6 $0x9F80  }
0x5e: {  	[tilespmem:s14], [sflag:$0x3] =	stream.indirect.gather @!p6 [hbm4b:s2+s7], $0x80, s13, s7, $0xb8;
	v63 =	vld [tilespmem:$0x0]  }
0x5f: {  	s20 =	simm.s32 $0x0;
	s13 =	simm.s32 @p1 $0xA0;
	s14 =	simm.s32 @p1 $0x9F80  }
0x60: {  	[tilespmem:s14], [sflag:$0x3] =	stream.indirect.gather @p1 [hbm4b:s6+s11], $0x80, s13, s11, $0xb8;
	v63 =	vld [tilespmem:$0x0]  }
0x61: {  	v1 =	vld [tilespmem:s20+$0x2780];
	_ =	sdelay $0x4  }
0x62: {  	[tilespmem:$0x4F00] =	vst v1  }
0x63: {  	v1 =	vld [tilespmem:s20+$0x2790];
	_ =	sdelay $0x4  }
0x64: {  	[tilespmem:$0x4F10] =	vst v1  }
0x65: {  	v1 =	vld [tilespmem:s20+$0x27A0];
	_ =	sdelay $0x4  }
0x66: {  	[tilespmem:$0x4F20] =	vst v1  }
0x67: {  	v1 =	vld [tilespmem:s20+$0x27B0];
	_ =	sdelay $0x4  }
0x68: {  	[tilespmem:$0x4F30] =	vst v1  }
0x69: {  	v1 =	vld [tilespmem:s20+$0x27C0];
	_ =	sdelay $0x4  }
0x6a: {  	[tilespmem:$0x4F40] =	vst v1  }
0x6b: {  	_ =	swait.ge [sflag:s26], $0x2800  }
0x6c: {  	[sflag:s26] =	ssyncset.done $0x0  }
0x6d: {  	s14 =	simm.s32 @!p6 $0xF0;
	[sflag:s26] =	ssyncadd.s32 $0xFFFFD800  }
0x6e: {  	[tilespmem:s8], [sflag:$0x1] =	stream.indirect.gather @!p6 [hbm4b:s2+s7], $0x80, s14, s7, $0xb8;
	v63 =	vld [tilespmem:$0x0]  }
0x6f: {  	s14 =	simm.s32 @p1 $0xF0  }
0x70: {  	[tilespmem:s12], [sflag:$0x1] =	stream.indirect.gather @p1 [hbm4b:s6+s11], $0x80, s14, s11, $0xb8;
	v63 =	vld [tilespmem:$0x0]  }
0x71: {  	_ = 	snop  }
0x72: {  	[spmem:s3] =	stream.indirect.scatter.add.f32 [tilespmem:s24], [sflag:$0x4], $0x80, s30, s29, $0xb8;
	v63 =	vld [tilespmem:$0x0]  }
0x73: {  	_ =	swait.ge [sflag:s25], $0x2800  }
0x74: {  	[sflag:s25] =	ssyncset.done $0x0  }
0x75: {  	[sflag:s25] =	ssyncadd.s32 $0xFFFFD800  }
0x76: {  	v1 =	vld [tilespmem:s20+$0x27D0];
	_ =	sdelay $0x4  }
0x77: {  	[tilespmem:$0x4F00] =	vst v1  }
0x78: {  	v1 =	vld [tilespmem:s20+$0x27E0];
	_ =	sdelay $0x4  }
0x79: {  	[tilespmem:$0x4F10] =	vst v1  }
0x7a: {  	v1 =	vld [tilespmem:s20+$0x27F0];
	_ =	sdelay $0x3  }
0x7b: {  	s19 =	simm.s32 $0x0  }
0x7c: {  	s21 =	sand.u32 $0x3FF0, s19;
	[tilespmem:$0x4F20] =	vst v1  }
0x7d: {  	v1 =	vld [tilespmem:s21+$0x2800];
	_ =	sdelay $0x4  }
0x7e: {  	[tilespmem:$0x4F30] =	vst v1  }
0x7f: {  	v1 =	vld [tilespmem:s20+$0x2810];
	_ =	sdelay $0x4  }
0x80: {  	[tilespmem:$0x4F40] =	vst v1  }
0x81: {  	_ =	swait.ge [sflag:s28], $0x2800  }
0x82: {  	[sflag:s28] =	ssyncset.done $0x0  }
0x83: {  	s14 =	simm.s32 @!p6 $0x140;
	[sflag:s28] =	ssyncadd.s32 $0xFFFFD800  }
0x84: {  	[tilespmem:s1], [sflag:$0x2] =	stream.indirect.gather @!p6 [hbm4b:s2+s7], $0x80, s14, s7, $0xb8;
	v63 =	vld [tilespmem:$0x0]  }
0x85: {  	s14 =	simm.s32 @p1 $0x140  }
0x86: {  	[tilespmem:s18], [sflag:$0x2] =	stream.indirect.gather @p1 [hbm4b:s6+s11], $0x80, s14, s11, $0xb8;
	v63 =	vld [tilespmem:$0x0]  }
0x87: {  	_ = 	snop  }
0x88: {  	[spmem:s3] =	stream.indirect.scatter.add.f32 [tilespmem:s31], [sflag:$0x4], $0x80, s30, s29, $0xb8;
	v63 =	vld [tilespmem:$0x0]  }
0x89: {  	_ =	swait.ge [sflag:s25], $0x2800  }
0x8a: {  	[sflag:s25] =	ssyncset.done $0x0  }
0x8b: {  	[sflag:s25] =	ssyncadd.s32 $0xFFFFD800  }
0x8c: {  	v1 =	vld [tilespmem:s20+$0x2820];
	_ =	sdelay $0x4  }
0x8d: {  	[tilespmem:$0x4F00] =	vst v1  }
0x8e: {  	v1 =	vld [tilespmem:s20+$0x2830];
	_ =	sdelay $0x4  }
0x8f: {  	[tilespmem:$0x4F10] =	vst v1  }
0x90: {  	v1 =	vld [tilespmem:s20+$0x2840];
	_ =	sdelay $0x4  }
0x91: {  	[tilespmem:$0x4F20] =	vst v1  }
0x92: {  	v1 =	vld [tilespmem:s20+$0x2850];
	_ =	sdelay $0x4  }
0x93: {  	[tilespmem:$0x4F30] =	vst v1  }
0x94: {  	v1 =	vld [tilespmem:s20+$0x2860];
	_ =	sdelay $0x3  }
0x95: {  	p3 =	por $0x0, $0x0  }
0x96: {  	p5 =	sne.s32 @!p3 s5, $0x0;
	[tilespmem:$0x4F40] =	vst v1  }
0x97: {  	p2 =	por !p1, p3;
	p3 =	por p5, p3;
	_ =	swait.ge [sflag:s0], $0x2800  }
0x98: {  	s21 =	simm.s32 @!p3 $0x9F80;
	[sflag:s0] =	ssyncset.done $0x0  }
0x99: {  	s14 =	simm.s32 @!p3 $0x190;
	s20 =	simm.s32 @!p3 $0x50;
	[sflag:s0] =	ssyncadd.s32 $0xFFFFD800  }
0x9a: {  	[tilespmem:s21], [sflag:$0x3] =	stream.indirect.gather @!p3 [hbm4b:s2+s20], $0x80, s14, s20, $0xb8;
	v63 =	vld [tilespmem:$0x0]  }
0x9b: {  	s13 =	simm.s32 @!p2 $0x9F80;
	s14 =	simm.s32 @!p2 $0x190;
	s20 =	simm.s32 @!p2 $0x50  }
0x9c: {  	[tilespmem:s13], [sflag:$0x3] =	stream.indirect.gather @!p2 [hbm4b:s6+s20], $0x80, s14, s20, $0xb8;
	v63 =	vld [tilespmem:$0x0]  }
0x9d: {  	s22 =	rddreg [dreg:$0x4]  }
0x9e: {  	[spmem:s3] =	stream.indirect.scatter.add.f32 [tilespmem:s22], [sflag:$0x4], $0x80, s30, s29, $0xb8;
	v63 =	vld [tilespmem:$0x0]  }
0x9f: {  	s20 =	simm.s32 $0x3C0;
	_ =	swait.ge [sflag:s25], $0x2800  }
.LBB2_4:
0xa0: {  	[sflag:s25] =	ssyncset.done $0x0;
	s21 =	smov.u32 s20  }
0xa1: {  	s22 =	sshra.s32 s21, $0x2;
	[sflag:s25] =	ssyncadd.s32 $0xFFFFD800  }
0xa2: {  	v1 =	vld [tilespmem:s22+$0x2780];
	_ =	sdelay $0x4  }
0xa3: {  	[tilespmem:$0x4F00] =	vst v1  }
0xa4: {  	v1 =	vld [tilespmem:s22+$0x2790];
	_ =	sdelay $0x4  }
0xa5: {  	[tilespmem:$0x4F10] =	vst v1  }
0xa6: {  	v1 =	vld [tilespmem:s22+$0x27A0];
	_ =	sdelay $0x4  }
0xa7: {  	[tilespmem:$0x4F20] =	vst v1  }
0xa8: {  	v1 =	vld [tilespmem:s22+$0x27B0];
	_ =	sdelay $0x4  }
0xa9: {  	[tilespmem:$0x4F30] =	vst v1  }
0xaa: {  	v1 =	vld [tilespmem:s22+$0x27C0];
	_ =	sdelay $0x4  }
0xab: {  	[tilespmem:$0x4F40] =	vst v1  }
0xac: {  	_ =	swait.ge [sflag:s26], $0x2800  }
0xad: {  	s13 =	sshra.s32 @!p6 s21, $0x2;
	[sflag:s26] =	ssyncset.done $0x0  }
0xae: {  	s14 =	sshra.s32 @p1 s21, $0x2;
	s15 =	sadd.s32 @!p6 $0xF0, s13;
	[sflag:s26] =	ssyncadd.s32 $0xFFFFD800  }
0xaf: {  	[tilespmem:s8], [sflag:$0x1] =	stream.indirect.gather @!p6 [hbm4b:s2+s7], $0x80, s15, s7, $0xb8;
	v63 =	vld [tilespmem:$0x0]  }
0xb0: {  	s15 =	sadd.s32 @p1 $0xF0, s14  }
0xb1: {  	[tilespmem:s12], [sflag:$0x1] =	stream.indirect.gather @p1 [hbm4b:s6+s11], $0x80, s15, s11, $0xb8;
	v63 =	vld [tilespmem:$0x0]  }
0xb2: {  	_ = 	snop  }
0xb3: {  	[spmem:s3] =	stream.indirect.scatter.add.f32 [tilespmem:s24], [sflag:$0x4], $0x80, s30, s29, $0xb8;
	v63 =	vld [tilespmem:$0x0]  }
0xb4: {  	_ =	swait.ge [sflag:s25], $0x2800  }
0xb5: {  	[sflag:s25] =	ssyncset.done $0x0  }
0xb6: {  	[sflag:s25] =	ssyncadd.s32 $0xFFFFD800  }
0xb7: {  	v1 =	vld [tilespmem:s22+$0x27D0];
	_ =	sdelay $0x4  }
0xb8: {  	[tilespmem:$0x4F00] =	vst v1  }
0xb9: {  	v1 =	vld [tilespmem:s22+$0x27E0];
	_ =	sdelay $0x4  }
0xba: {  	[tilespmem:$0x4F10] =	vst v1  }
0xbb: {  	v1 =	vld [tilespmem:s22+$0x27F0];
	_ =	sdelay $0x3  }
0xbc: {  	s19 =	sadd.s32 $0xF0, s19  }
0xbd: {  	s15 =	sand.u32 $0x3FF0, s19;
	[tilespmem:$0x4F20] =	vst v1  }
0xbe: {  	v1 =	vld [tilespmem:s15+$0x2800];
	_ =	sdelay $0x4  }
0xbf: {  	[tilespmem:$0x4F30] =	vst v1  }
0xc0: {  	v1 =	vld [tilespmem:s22+$0x2810];
	_ =	sdelay $0x4  }
0xc1: {  	[tilespmem:$0x4F40] =	vst v1  }
0xc2: {  	_ =	swait.ge [sflag:s28], $0x2800  }
0xc3: {  	[sflag:s28] =	ssyncset.done $0x0  }
0xc4: {  	s13 =	sadd.s32 @!p6 $0x140, s13;
	[sflag:s28] =	ssyncadd.s32 $0xFFFFD800  }
0xc5: {  	[tilespmem:s1], [sflag:$0x2] =	stream.indirect.gather @!p6 [hbm4b:s2+s7], $0x80, s13, s7, $0xb8;
	v63 =	vld [tilespmem:$0x0]  }
0xc6: {  	s13 =	sadd.s32 @p1 $0x140, s14  }
0xc7: {  	[tilespmem:s18], [sflag:$0x2] =	stream.indirect.gather @p1 [hbm4b:s6+s11], $0x80, s13, s11, $0xb8;
	v63 =	vld [tilespmem:$0x0]  }
0xc8: {  	_ = 	snop  }
0xc9: {  	[spmem:s3] =	stream.indirect.scatter.add.f32 [tilespmem:s31], [sflag:$0x4], $0x80, s30, s29, $0xb8;
	v63 =	vld [tilespmem:$0x0]  }
0xca: {  	_ =	swait.ge [sflag:s25], $0x2800  }
0xcb: {  	[sflag:s25] =	ssyncset.done $0x0  }
0xcc: {  	[sflag:s25] =	ssyncadd.s32 $0xFFFFD800  }
0xcd: {  	v1 =	vld [tilespmem:s22+$0x2820];
	_ =	sdelay $0x4  }
0xce: {  	[tilespmem:$0x4F00] =	vst v1  }
0xcf: {  	v1 =	vld [tilespmem:s22+$0x2830];
	_ =	sdelay $0x4  }
0xd0: {  	[tilespmem:$0x4F10] =	vst v1  }
0xd1: {  	v1 =	vld [tilespmem:s22+$0x2840];
	_ =	sdelay $0x4  }
0xd2: {  	[tilespmem:$0x4F20] =	vst v1  }
0xd3: {  	v1 =	vld [tilespmem:s22+$0x2850];
	_ =	sdelay $0x4  }
0xd4: {  	[tilespmem:$0x4F30] =	vst v1  }
0xd5: {  	v1 =	vld [tilespmem:s22+$0x2860];
	_ =	sdelay $0x2  }
0xd6: {  	p2 =	seq.s32 s21, $0x9600  }
0xd7: {  	s20 =	sadd.s32 $0x3C0, s20;
	p5 =	sne.s32 @!p2 s5, $0x0  }
0xd8: {  	p3 =	sne.s32 s20, $0x99C0;
	p4 =	por p5, p2;
	p5 =	por !p1, p2;
	[tilespmem:$0x4F40] =	vst v1  }
0xd9: {  	s15 =	simm.s32 @!p4 $0x50;
	s14 =	simm.s32 @!p5 $0x9F80;
	_ =	swait.ge [sflag:s0], $0x2800  }
0xda: {  	s13 =	sshra.s32 @!p4 s21, $0x2;
	s21 =	sshra.s32 @!p5 s21, $0x2;
	[sflag:s0] =	ssyncset.done $0x0  }
0xdb: {  	s13 =	sadd.s32 @!p4 $0x190, s13;
	s22 =	simm.s32 @!p4 $0x9F80;
	[sflag:s0] =	ssyncadd.s32 $0xFFFFD800  }
0xdc: {  	[tilespmem:s22], [sflag:$0x3] =	stream.indirect.gather @!p4 [hbm4b:s2+s15], $0x80, s13, s15, $0xb8;
	v63 =	vld [tilespmem:$0x0]  }
.Ltmp1:
0xdd: {  	s13 =	sadd.s32 @!p5 $0x190, s21;
	s15 =	simm.s32 @!p5 $0x50;
	(pc) =	sbr.rel @p3 .LBB2_4-.Ltmp1, $4  }
0xde: {  	[tilespmem:s14], [sflag:$0x3] =	stream.indirect.gather @!p5 [hbm4b:s6+s15], $0x80, s13, s15, $0xb8;
	v63 =	vld [tilespmem:$0x0]  }
0xdf: {  	s22 =	rddreg [dreg:$0x4]  }
0xe0: {  	[spmem:s3] =	stream.indirect.scatter.add.f32 [tilespmem:s22], [sflag:$0x4], $0x80, s30, s29, $0xb8;
	v63 =	vld [tilespmem:$0x0]  }
0xe1: {  	_ =	swait.ge [sflag:s25], $0x2800  }
0xe2: {  	[sflag:s25] =	ssyncset.done $0x0  }
0xe3: {  	[sflag:s25] =	ssyncadd.s32 $0xFFFFD800  }
0xe4: {  	v1 =	vld [tilespmem:$0x4DF0]  }
0xe5: {  	v2 =	vld [tilespmem:$0x4E00]  }
0xe6: {  	v3 =	vld [tilespmem:$0x4E10]  }
0xe7: {  	v4 =	vld [tilespmem:$0x4E20]  }
0xe8: {  	v5 =	vld [tilespmem:$0x4E30]  }
0xe9: {  	[tilespmem:$0x4F00] =	vst v1  }
0xea: {  	[tilespmem:$0x4F10] =	vst v2  }
0xeb: {  	[tilespmem:$0x4F20] =	vst v3  }
0xec: {  	[tilespmem:$0x4F30] =	vst v4  }
0xed: {  	[tilespmem:$0x4F40] =	vst v5  }
0xee: {  	_ =	swait.ge [sflag:s26], $0x2800  }
0xef: {  	[sflag:s26] =	ssyncset.done $0x0  }
0xf0: {  	[sflag:s26] =	ssyncadd.s32 $0xFFFFD800  }
0xf1: {  	[spmem:s3] =	stream.indirect.scatter.add.f32 [tilespmem:s24], [sflag:$0x4], $0x80, s30, s29, $0xb8;
	v63 =	vld [tilespmem:$0x0]  }
0xf2: {  	_ =	swait.ge [sflag:s25], $0x2800  }
0xf3: {  	[sflag:s25] =	ssyncset.done $0x0  }
0xf4: {  	[sflag:s25] =	ssyncadd.s32 $0xFFFFD800  }
0xf5: {  	v1 =	vld [tilespmem:$0x4E40]  }
0xf6: {  	v2 =	vld [tilespmem:$0x4E50]  }
0xf7: {  	v3 =	vld [tilespmem:$0x4E60]  }
0xf8: {  	v61 =	vld [tilespmem:$0x4E70]  }
0xf9: {  	v62 =	vld [tilespmem:$0x4E80]  }
0xfa: {  	[tilespmem:$0x4F00] =	vst v1  }
0xfb: {  	[tilespmem:$0x4F10] =	vst v2  }
0xfc: {  	[tilespmem:$0x4F20] =	vst v3  }
0xfd: {  	[tilespmem:$0x4F30] =	vst v61  }
0xfe: {  	[tilespmem:$0x4F40] =	vst v62  }
0xff: {  	_ =	swait.ge [sflag:s28], $0x2800  }
0x100: {  	[sflag:s28] =	ssyncset.done $0x0  }
0x101: {  	[sflag:s28] =	ssyncadd.s32 $0xFFFFD800  }
0x102: {  	[spmem:s3] =	stream.indirect.scatter.add.f32 [tilespmem:s31], [sflag:$0x4], $0x80, s30, s29, $0xb8;
	v63 =	vld [tilespmem:$0x0]  }
0x103: {  	_ =	swait.ge [sflag:s25], $0x2800  }
0x104: {  	s1 =	sld [smem:$0x7FA];
	_ =	sdelay $0x1  }
0x105: {  	[sflag:s25] =	ssyncset.done $0x0  }
0x106: {  	s11 =	stileid.u32;
	[sflag:s25] =	ssyncadd.s32 $0xFFFFD800;
	p2 =	seq.s32 s1, $0x1  }
0x107: {  	[bflag:$0x0] =	sbarrier.arrive $0xFFFF;
	s1 =	sshll.u32 @p2 s11, $0x6  }
0x108: {  	s8 =	rddreg [dreg:$0xc];
	s7 =	sshrl.u32 @p2 s10, $0x3;
	s1 =	sor.u32 @p2 $0x1C04, s1  }
0x109: {  	[hbm:s8], [sflag:s1] =	dma.local @p2 [spmem:s7], $0x2800  }
0x10a: {  	s1 =	simm.s32 @p2 $0x4  }
0x10b: {  	_ =	swait.ge @p2 [sflag:s1], $0x2800  }
0x10c: {  	s19 =	sld [smem:$0x7FB];
	_ =	sdelay $0x1  }
0x10d: {  	[sflag:s1] =	ssyncset.done @p2 $0x0  }
0x10e: {  	[sflag:s1] =	ssyncadd.s32 @p2 $0xFFFFD800;
	p2 =	seq.s32 s19, $0x1  }
0x10f: {  	s8 =	rddreg [dreg:$0xd];
	s1 =	sshrl.u32 @p2 s9, $0x3;
	s7 =	simm.s32 @p2 $0x1FC4  }
0x110: {  	[hbm:s8], [sflag:s7] =	dma.local @p2 [spmem:s1], $0x1900  }
0x111: {  	s1 =	simm.s32 @p2 $0x4  }
0x112: {  	_ =	swait.ge @p2 [sflag:s1], $0x1900  }
0x113: {  	s20 =	sld [smem:$0x7FC];
	_ =	sdelay $0x2  }
0x114: {  	[sflag:s1] =	ssyncset.done @p2 $0x0;
	p3 =	seq.s32 s20, $0x1  }
0x115: {  	[sflag:s1] =	ssyncadd.s32 @p2 $0xFFFFE700;
	s7 =	sshll.u32 @p3 s11, $0x6  }
0x116: {  	s11 =	rddreg [dreg:$0xe];
	s1 =	sor.u32 @p3 $0x1C04, s7;
	s7 =	sshrl.u32 @p3 s10, $0x3  }
0x117: {  	[hbm:s11], [sflag:s1] =	dma.local @p3 [spmem:s7], $0x2800  }
0x118: {  	s1 =	simm.s32 @p3 $0x4  }
0x119: {  	_ =	swait.ge @p3 [sflag:s1], $0x2800  }
0x11a: {  	s21 =	sld [smem:$0x7FD];
	_ =	sdelay $0x1  }
0x11b: {  	[sflag:s1] =	ssyncset.done @p3 $0x0  }
0x11c: {  	[sflag:s1] =	ssyncadd.s32 @p3 $0xFFFFD800;
	p3 =	seq.s32 s21, $0x1  }
0x11d: {  	s11 =	rddreg [dreg:$0xf];
	s1 =	sshrl.u32 @p3 s9, $0x3;
	s7 =	simm.s32 @p3 $0x1FC4  }
0x11e: {  	[hbm:s11], [sflag:s7] =	dma.local @p3 [spmem:s1], $0x1900  }
0x11f: {  	s1 =	simm.s32 @p3 $0x4  }
0x120: {  	_ =	swait.ge @p3 [sflag:s1], $0x1900  }
0x121: {  	s23 =	sadd.s32 $0x1, s23;
	s22 =	rddreg [dreg:$0x10]  }
0x122: {  	p2 =	sne.s32 s23, s22  }
.Ltmp2:
0x123: {  	_ = 	snop;
	(pc) =	sbr.rel @p2 .LBB2_1-.Ltmp2, $3  }
0x124: {  	_ =	sdelay $0x1  }
0x125: {  	[sflag:s1] =	ssyncset.done @p3 $0x0  }
0x126: {  	s8 =	stileid.u32;
	[sflag:s1] =	ssyncadd.s32 @p3 $0xFFFFE700  }
0x127: {  	_ =	sfence.sel $0x180000  }
0x128: {  	[bflag:$0x0] =	sbarrier.arrive $0xFFFF  }
0x129: {  	_ =	strace $0x90000047  }
0x12a: {  	[bflag:$0x2] =	sbarrier.arrive $0xFFFF  }
0x12b: {  	p0 =	sne.s32 s8, $0x0;
	s0 =	rddreg [dreg:$0x3]  }
0x12c: {  	s0 =	sadd.s32 @!p0 $0x100000, s0  }
0x12d: {  	[sflag:s0] =	ssyncadd.tile.s32 @!p0 $0x1;
	_ =	shalt  }
.Lfunc_end2:
_tile_overlayer_lowered:
.L_overlay_start_2:
0x12e: {  	(tag) =	ssettag $0x2  }
0x12f: {  	s0 =	rddreg [dreg:$0x0];
	s2 =	stileid.u32  }
0x130: {  	s1 =	rddreg [dreg:$0x1];
	p0 =	sne.s32 s2, $0x0  }
0x131: {  	s3 =	rddreg [dreg:$0x2];
	[bflag:$0x3] =	sbarrier.arrive $0xFFFF;
	s2 =	simm.s32 @!p0 $0x1C04  }
0x132: {  	[timem:s3], [sflag:s2] =	dma.local @!p0 [hbm:s0], s1  }
0x133: {  	s0 =	simm.s32 @!p0 $0x4  }
0x134: {  	_ =	swait.ge @!p0 [sflag:s0], s1  }
0x135: {  	s1 =	ssub.s32 @!p0 $0x0, s1;
	[sflag:s0] =	ssyncset.done @!p0 $0x0  }
0x136: {  	[sflag:s0] =	ssyncadd.s32 @!p0 s1  }
0x137: {  	[bflag:$0x3] =	sbarrier.arrive $0xFFFF  }
0x138: {  	_ =	shalt  }

</sc_bundles>
